<compile_context>
chip_gen: v7x
topology: tpu7x:2x2x1
jax: 0.10.2.dev20260603
libtpu: 0.0.44.dev20260713+nightly
codegen_flags: <defaults>
</compile_context>

<pallas_src>
import functools

import jax
import jax.numpy as jnp
from jax import lax
from jax.experimental import pallas as pl
from jax.experimental.pallas import tpu as pltpu
from jax.experimental.pallas import tpu_sc as plsc

N_NODES = 10000
N_EDGES = 320000
N_PAIRS = 100000
D = 128
EDGE_IN = 16
N_CLS = 8
EPS = 1e-5

NC = 2
NS = 16
NW = NC * NS

EPT = N_EDGES // NW
CH = 80
CPT = EPT // CH
NSLOT = 5
ROWS_PAD = 10240
RPT = ROWS_PAD // NS

DEPT = N_EDGES // NS
DCPT = DEPT // CH

P_PAD = 102400
PPT = P_PAD // NW
GCH = 128
NGCH = PPT // GCH

_sc_mesh = plsc.VectorSubcoreMesh(core_axis_name="c", subcore_axis_name="s")


def _fill_wide(ref, n_rows, val):
    def body(k, carry):
        ref[k // 8, pl.ds((k % 8) * 16, 16)] = jnp.full((16,), val,
                                                        jnp.float32)
        return carry
    lax.fori_loop(0, n_rows * 8, body, 0)


def _make_sc_degrees():
    @functools.partial(
        pl.kernel,
        out_type=[
            jax.ShapeDtypeStruct((ROWS_PAD,), jnp.float32),
            jax.ShapeDtypeStruct((ROWS_PAD,), jnp.float32),
        ],
        mesh=_sc_mesh,
        scratch_types=[
            pltpu.VMEM((DEPT,), jnp.int32),
            pltpu.VMEM((ROWS_PAD,), jnp.float32),
            pltpu.VMEM((RPT,), jnp.float32),
            pltpu.VMEM((RPT,), jnp.float32),
            pltpu.VMEM_SHARED((NS, ROWS_PAD), jnp.float32),
        ],
        compiler_params=pltpu.CompilerParams(needs_layout_passes=False),
    )
    def sc_degrees(dst0_hbm, dst1_hbm, deg0_out, deg1_out,
                   dstv, histv, acc, tmp, stage_sh):
        cid = lax.axis_index("c")
        sid = lax.axis_index("s")

        def zbody(i, carry):
            histv[pl.ds(i * 16, 16)] = jnp.zeros((16,), jnp.float32)
            return carry
        lax.fori_loop(0, ROWS_PAD // 16, zbody, 0)

        @pl.when(cid == 0)
        def _():
            pltpu.sync_copy(dst0_hbm.at[sid], dstv)

        @pl.when(cid == 1)
        def _():
            pltpu.sync_copy(dst1_hbm.at[sid], dstv)

        ones = jnp.ones((16,), jnp.float32)

        def hbody(k, carry):
            idx = dstv[pl.ds(k * 16, 16)]
            plsc.addupdate_scatter(histv, [idx], ones)
            return carry
        lax.fori_loop(0, DEPT // 16, hbody, 0)

        pltpu.sync_copy(histv, stage_sh.at[sid])
        plsc.subcore_barrier()

        pltpu.sync_copy(stage_sh.at[0, pl.ds(sid * RPT, RPT)], acc)
        for j in range(1, NS):
            pltpu.sync_copy(stage_sh.at[j, pl.ds(sid * RPT, RPT)], tmp)

            def abody(i, carry):
                acc[pl.ds(i * 16, 16)] = (acc[pl.ds(i * 16, 16)]
                                          + tmp[pl.ds(i * 16, 16)])
                return carry
            lax.fori_loop(0, RPT // 16, abody, 0)

        @pl.when(cid == 0)
        def _():
            pltpu.sync_copy(acc, deg0_out.at[pl.ds(sid * RPT, RPT)])

        @pl.when(cid == 1)
        def _():
            pltpu.sync_copy(acc, deg1_out.at[pl.ds(sid * RPT, RPT)])

    return sc_degrees


_sc_degrees = _make_sc_degrees()


def _make_sc_aggregate():
    @functools.partial(
        pl.kernel,
        out_type=jax.ShapeDtypeStruct((NC, ROWS_PAD, D), jnp.float32),
        mesh=_sc_mesh,
        scratch_types=[
            pltpu.VMEM((EPT,), jnp.int32),
            pltpu.VMEM((CH,), jnp.int32),
            pltpu.VMEM((CH,), jnp.int32),
            pltpu.VMEM((CH, D), jnp.float32),
            pltpu.VMEM((CH, D), jnp.float32),
            pltpu.VMEM((CH, D), jnp.float32),
            pltpu.VMEM_SHARED((ROWS_PAD, D), jnp.float32),
            pltpu.SemaphoreType.DMA,
            pltpu.SemaphoreType.DMA,
            pltpu.SemaphoreType.DMA,
            pltpu.SemaphoreType.DMA,
        ],
    )
    def sc_aggregate(h_hbm, src_hbm, dst_hbm, agg_out,
                     srcv, dstv0, dstv1, rows0, rows1, zw_v, agg_sh,
                     semd0, semd1, semg0, semg1):
        cid = lax.axis_index("c")
        sid = lax.axis_index("s")
        wid = cid * NS + sid

        _fill_wide(zw_v, CH, 0.0)
        pltpu.sync_copy(src_hbm.at[wid], srcv)
        for j in range(RPT // CH):
            pltpu.sync_copy(zw_v, agg_sh.at[pl.ds(sid * RPT + j * CH, CH)])
        plsc.subcore_barrier()

        def start(c, dstv, semd, rows, semg):
            pltpu.async_copy(dst_hbm.at[wid * CPT + c], dstv, semd)
            pltpu.async_copy(h_hbm.at[srcv.at[pl.ds(c * CH, CH)]],
                             rows, semg)

        def finish(c, dstv, semd, rows, semg):
            pltpu.make_async_copy(dst_hbm.at[wid * CPT + c], dstv,
                                  semd).wait()
            pltpu.make_async_copy(h_hbm.at[srcv.at[pl.ds(c * CH, CH)]],
                                  rows, semg).wait()
            pltpu.sync_copy(rows, agg_sh.at[dstv], add=True)

        start(0, dstv0, semd0, rows0, semg0)

        def pair(g, carry):
            c0 = 2 * g
            start(c0 + 1, dstv1, semd1, rows1, semg1)
            finish(c0, dstv0, semd0, rows0, semg0)
            start(c0 + 2, dstv0, semd0, rows0, semg0)
            finish(c0 + 1, dstv1, semd1, rows1, semg1)
            return carry

        lax.fori_loop(0, (CPT - 1) // 2, pair, 0)
        finish(CPT - 1, dstv0, semd0, rows0, semg0)
        plsc.subcore_barrier()

        pltpu.sync_copy(agg_sh.at[pl.ds(sid * RPT, RPT)],
                        agg_out.at[cid, pl.ds(sid * RPT, RPT)])

    return sc_aggregate


_sc_aggregate = _make_sc_aggregate()


def _make_sc_pair_gather():
    @functools.partial(
        pl.kernel,
        out_type=[
            jax.ShapeDtypeStruct((P_PAD, D), jnp.float32),
            jax.ShapeDtypeStruct((P_PAD, D), jnp.float32),
        ],
        mesh=_sc_mesh,
        scratch_types=[
            pltpu.VMEM((PPT,), jnp.int32),
            pltpu.VMEM((PPT,), jnp.int32),
            pltpu.VMEM((GCH, D), jnp.float32),
            pltpu.VMEM((GCH, D), jnp.float32),
            pltpu.VMEM_SHARED((ROWS_PAD, D), jnp.float32),
            pltpu.SemaphoreType.DMA,
            pltpu.SemaphoreType.DMA,
        ],
    )
    def sc_pair_gather(h_hbm, pu_hbm, pv_hbm, hu_out, hv_out,
                       puv, pvv, rows0, rows1, h_sh, sem0, sem1):
        cid = lax.axis_index("c")
        sid = lax.axis_index("s")
        wid = cid * NS + sid

        pltpu.sync_copy(pu_hbm.at[wid], puv)
        pltpu.sync_copy(pv_hbm.at[wid], pvv)

        @pl.when(sid < NS - 1)
        def _():
            pltpu.sync_copy(h_hbm.at[pl.ds(sid * RPT, RPT)],
                            h_sh.at[pl.ds(sid * RPT, RPT)])

        @pl.when(sid == NS - 1)
        def _():
            pltpu.sync_copy(h_hbm.at[pl.ds((NS - 1) * RPT, N_NODES
                                           - (NS - 1) * RPT)],
                            h_sh.at[pl.ds((NS - 1) * RPT, N_NODES
                                          - (NS - 1) * RPT)])

        plsc.subcore_barrier()

        def start(idx_ref, c, rows, sem):
            pltpu.async_copy(h_sh.at[idx_ref.at[pl.ds(c * GCH, GCH)]],
                             rows, sem)

        def finish(idx_ref, c, rows, sem, out):
            pltpu.make_async_copy(h_sh.at[idx_ref.at[pl.ds(c * GCH, GCH)]],
                                  rows, sem).wait()
            pltpu.sync_copy(rows, out.at[pl.ds(wid * PPT + c * GCH, GCH)])

        start(puv, 0, rows0, sem0)

        def chunk(c, carry):
            start(pvv, c, rows1, sem1)
            finish(puv, c, rows0, sem0, hu_out)
            start(puv, c + 1, rows0, sem0)
            finish(pvv, c, rows1, sem1, hv_out)
            return carry

        lax.fori_loop(0, NGCH - 1, chunk, 0)
        start(pvv, NGCH - 1, rows1, sem1)
        finish(puv, NGCH - 1, rows0, sem0, hu_out)
        finish(pvv, NGCH - 1, rows1, sem1, hv_out)

    return sc_pair_gather


_sc_pair_gather = _make_sc_pair_gather()


def _layer_body(h_ref, aggp_ref, deg_ref, ws_ref, wn_ref, b_ref,
                g_ref, be_ref, out_ref):
    deg = jnp.maximum(deg_ref[...], 1.0)
    agg = aggp_ref[0, 0:N_NODES, :] + aggp_ref[1, 0:N_NODES, :]
    mean = agg / deg
    z = (jnp.dot(h_ref[...], ws_ref[...], preferred_element_type=jnp.float32)
         + jnp.dot(mean, wn_ref[...], preferred_element_type=jnp.float32)
         + b_ref[...])
    mu = jnp.mean(z, axis=0, keepdims=True)
    var = jnp.mean((z - mu) * (z - mu), axis=0, keepdims=True)
    bn = g_ref[...] * (z - mu) / jnp.sqrt(var + EPS) + be_ref[...]
    out_ref[...] = jnp.maximum(bn, 0.0)


def _tc_layer(h, aggp, deg, w_self, w_neigh, b, gamma, beta):
    return pl.pallas_call(
        _layer_body,
        out_shape=jax.ShapeDtypeStruct((N_NODES, D), jnp.float32),
    )(h, aggp, deg, w_self, w_neigh, b, gamma, beta)


MLP_BLK = 2000


def _mlp_body(hu_ref, hv_ref, ef_ref, wa_ref, wb_ref, wc_ref, b1_ref,
              w2_ref, b2_ref, out_ref):
    z = (jnp.dot(hu_ref[...], wa_ref[...], preferred_element_type=jnp.float32)
         + jnp.dot(hv_ref[...], wb_ref[...], preferred_element_type=jnp.float32)
         + jnp.dot(ef_ref[...], wc_ref[...], preferred_element_type=jnp.float32)
         + b1_ref[...])
    z = jnp.maximum(z, 0.0)
    out_ref[...] = (jnp.dot(z, w2_ref[...], preferred_element_type=jnp.float32)
                    + b2_ref[...])


def _tc_mlp(hu, hv, ef, wa, wb, wc, b1, w2, b2):
    n_blk = N_PAIRS // MLP_BLK
    return pl.pallas_call(
        _mlp_body,
        grid=(n_blk,),
        in_specs=[
            pl.BlockSpec((MLP_BLK, D), lambda i: (i, 0)),
            pl.BlockSpec((MLP_BLK, D), lambda i: (i, 0)),
            pl.BlockSpec((MLP_BLK, EDGE_IN), lambda i: (i, 0)),
            pl.BlockSpec((D, D), lambda i: (0, 0)),
            pl.BlockSpec((D, D), lambda i: (0, 0)),
            pl.BlockSpec((EDGE_IN, D), lambda i: (0, 0)),
            pl.BlockSpec((1, D), lambda i: (0, 0)),
            pl.BlockSpec((D, N_CLS), lambda i: (0, 0)),
            pl.BlockSpec((1, N_CLS), lambda i: (0, 0)),
        ],
        out_specs=pl.BlockSpec((MLP_BLK, N_CLS), lambda i: (i, 0)),
        out_shape=jax.ShapeDtypeStruct((N_PAIRS, N_CLS), jnp.float32),
    )(hu, hv, ef, wa, wb, wc, b1, w2, b2)


def kernel(x_nodes, block0_edge_index, block1_edge_index, pair_u, pair_v,
           e_feat, W_self0, W_neigh0, b0, gamma0, beta0,
           W_self1, W_neigh1, b1, gamma1, beta1,
           W_mlp1, b_mlp1, W_mlp2, b_mlp2):
    pad = P_PAD - N_PAIRS
    pu = jnp.concatenate([pair_u, jnp.zeros((pad,), jnp.int32)])
    pv = jnp.concatenate([pair_v, jnp.zeros((pad,), jnp.int32)])
    pu2 = pu.reshape(NW, PPT)
    pv2 = pv.reshape(NW, PPT)

    src0 = block0_edge_index[0].reshape(NW, EPT)
    dst0 = block0_edge_index[1].reshape(NW * CPT, CH)
    src1 = block1_edge_index[0].reshape(NW, EPT)
    dst1 = block1_edge_index[1].reshape(NW * CPT, CH)
    dst0_d = block0_edge_index[1].reshape(NS, DEPT)
    dst1_d = block1_edge_index[1].reshape(NS, DEPT)
    deg0f, deg1f = _sc_degrees(dst0_d, dst1_d)
    deg0 = deg0f[:N_NODES, None]
    deg1 = deg1f[:N_NODES, None]

    aggp0 = _sc_aggregate(x_nodes, src0, dst0)
    h1 = _tc_layer(x_nodes, aggp0, deg0, W_self0, W_neigh0,
                   b0.reshape(1, D), gamma0.reshape(1, D), beta0.reshape(1, D))

    aggp1 = _sc_aggregate(h1, src1, dst1)
    h2 = _tc_layer(h1, aggp1, deg1, W_self1, W_neigh1,
                   b1.reshape(1, D), gamma1.reshape(1, D), beta1.reshape(1, D))

    hu, hv = _sc_pair_gather(h2, pu2, pv2)
    wa = W_mlp1[0:D]
    wb = W_mlp1[D:2 * D]
    wc = W_mlp1[2 * D:]
    out = _tc_mlp(hu, hv, e_feat, wa, wb, wc, b_mlp1.reshape(1, -1),
                  W_mlp2, b_mlp2.reshape(1, -1))
    return out

# --- scband reference (transcript-rebuilt; emitter-appended) ---
"""Pipeline reference for scband-fallback-edge-graph-sage-6519760355644 (READ-ONLY COPY).

The authoritative reference and input builder live on the scoring server;
editing this copy changes nothing except your own understanding.
"""

import jax, jax.numpy as jnp
import numpy as np

N_NODES = 10000
N_EDGES = 320000
N_PAIRS = 100000
D_IN = 128
HIDDEN = 128
EDGE_IN = 16
MLP_H = 128
N_CLS = 8
EPS = 1e-5


def setup_inputs(seed: int = 0) -> dict:
    key = jax.random.key(seed)
    ks = jax.random.split(key, 20)
    inp = {}
    inp["x_nodes"] = jax.random.normal(ks[0], (N_NODES, D_IN), dtype=jnp.float32)
    inp["block0_edge_index"] = jax.random.randint(ks[1], (2, N_EDGES), 0, N_NODES, dtype=jnp.int64 if jax.config.jax_enable_x64 else jnp.int32)
    inp["block1_edge_index"] = jax.random.randint(ks[2], (2, N_EDGES), 0, N_NODES, dtype=jnp.int64 if jax.config.jax_enable_x64 else jnp.int32)
    inp["pair_u"] = jax.random.randint(ks[3], (N_PAIRS,), 0, N_NODES, dtype=jnp.int32)
    inp["pair_v"] = jax.random.randint(ks[4], (N_PAIRS,), 0, N_NODES, dtype=jnp.int32)
    inp["e_feat"] = jax.random.normal(ks[5], (N_PAIRS, EDGE_IN), dtype=jnp.float32)
    # SAGE layer 0 params
    inp["W_self0"] = jax.random.normal(ks[6], (D_IN, HIDDEN), dtype=jnp.float32) * 0.05
    inp["W_neigh0"] = jax.random.normal(ks[7], (D_IN, HIDDEN), dtype=jnp.float32) * 0.05
    inp["b0"] = jnp.zeros((HIDDEN,), dtype=jnp.float32)
    inp["gamma0"] = jnp.ones((HIDDEN,), dtype=jnp.float32)
    inp["beta0"] = jnp.zeros((HIDDEN,), dtype=jnp.float32)
    # SAGE layer 1 params
    inp["W_self1"] = jax.random.normal(ks[8], (HIDDEN, HIDDEN), dtype=jnp.float32) * 0.05
    inp["W_neigh1"] = jax.random.normal(ks[9], (HIDDEN, HIDDEN), dtype=jnp.float32) * 0.05
    inp["b1"] = jnp.zeros((HIDDEN,), dtype=jnp.float32)
    inp["gamma1"] = jnp.ones((HIDDEN,), dtype=jnp.float32)
    inp["beta1"] = jnp.zeros((HIDDEN,), dtype=jnp.float32)
    # edge MLP params
    inp["W_mlp1"] = jax.random.normal(ks[10], (2 * HIDDEN + EDGE_IN, MLP_H), dtype=jnp.float32) * 0.05
    inp["b_mlp1"] = jnp.zeros((MLP_H,), dtype=jnp.float32)
    inp["W_mlp2"] = jax.random.normal(ks[11], (MLP_H, N_CLS), dtype=jnp.float32) * 0.05
    inp["b_mlp2"] = jnp.zeros((N_CLS,), dtype=jnp.float32)
    return inp


def _sage_conv(h_src, h_dst, src, dst, W_self, W_neigh, b):
    # DGL SAGEConv 'mean': rst = fc_self(h_dst) + fc_neigh(mean_neigh(h_src)) + bias
    msg = jnp.take(h_src, src, axis=0)
    n_dst = h_dst.shape[0]
    agg = jax.ops.segment_sum(msg, dst, num_segments=n_dst)
    deg = jax.ops.segment_sum(jnp.ones_like(dst, dtype=jnp.float32), dst, num_segments=n_dst)
    mean_neigh = agg / jnp.clip(deg, 1.0, None)[:, None]
    return h_dst @ W_self + mean_neigh @ W_neigh + b


def _batchnorm(h, gamma, beta):
    mu = jnp.mean(h, axis=0)
    var = jnp.var(h, axis=0)
    return gamma * (h - mu) / jnp.sqrt(var + EPS) + beta


def reference(x_nodes, block0_edge_index, block1_edge_index, pair_u, pair_v, e_feat,
              W_self0, W_neigh0, b0, gamma0, beta0,
              W_self1, W_neigh1, b1, gamma1, beta1,
              W_mlp1, b_mlp1, W_mlp2, b_mlp2):
    h = x_nodes
    # layer 0 (block covers all nodes: dst == src set)
    h_dst = h[:N_NODES]
    h = _sage_conv(h, h_dst, block0_edge_index[0], block0_edge_index[1], W_self0, W_neigh0, b0)
    h = _batchnorm(h, gamma0, beta0)
    h = jax.nn.relu(h)
    # layer 1
    h_dst = h[:N_NODES]
    h = _sage_conv(h, h_dst, block1_edge_index[0], block1_edge_index[1], W_self1, W_neigh1, b1)
    h = _batchnorm(h, gamma1, beta1)
    h = jax.nn.relu(h)
    # edge classification over pair graph (dropout is identity in eval)
    hu = jnp.take(h, pair_u, axis=0)
    hv = jnp.take(h, pair_v, axis=0)
    e_repr = jnp.concatenate([hu, hv, e_feat], axis=1)
    out = jax.nn.relu(e_repr @ W_mlp1 + b_mlp1)
    out = out @ W_mlp2 + b_mlp2
    return out

if __name__ == "__main__":
    import jax
    _d = setup_inputs()
    print(jax.jit(kernel)(*tuple(_d.values())))

</pallas_src>

<mosaic_0001>
#map = affine_map<(d0, d1) -> (0, 0)>
#map1 = affine_map<(d0, d1) -> (0)>
module attributes {stable_mosaic.version = 14 : i64} {
  func.func @sc_degrees(%arg0: i32, %arg1: i32, %arg2: memref<16x20000xi32, #tpu.memory_space<hbm>>, %arg3: memref<16x20000xi32, #tpu.memory_space<hbm>>, %arg4: memref<10240xf32, #tpu.memory_space<hbm>>, %arg5: memref<10240xf32, #tpu.memory_space<hbm>>, %arg6: memref<20000xi32, #tpu.memory_space<vmem>>, %arg7: memref<10240xf32, #tpu.memory_space<vmem>>, %arg8: memref<640xf32, #tpu.memory_space<vmem>>, %arg9: memref<640xf32, #tpu.memory_space<vmem>>, %arg10: memref<16x10240xf32, #tpu.memory_space<vmem_shared>>) attributes {dimension_semantics = [#tpu.dimension_semantics<core_parallel>, #tpu.dimension_semantics<subcore_parallel>], iteration_bounds = array<i64: 2, 16>, scalar_prefetch = 0 : i64, scratch_operands = 5 : i64, tpu.core_type = #tpu.core_type<sc_vector_subcore>, window_params = [{transform_indices = #map}, {transform_indices = #map}, {transform_indices = #map1}, {transform_indices = #map1}]} {
    %scan3A = arith.constant 0 : i32
    %scan3A_0 = arith.constant 0 : i32
    %scan3A_1 = arith.constant 640 : i32
    %scan3A_2 = arith.addi %scan3A_0, %scan3A_1 : i32
    %scan3A_3 = arith.constant 1 : i32
    scf.for %scan3A_165 = %scan3A_0 to %scan3A_2 step %scan3A_3  : i32 {
      %broadcast_in_dim3A_166 = arith.constant 0.000000e+00 : f32
      %broadcast_in_dim3A_167 = vector.broadcast %broadcast_in_dim3A_166 : f32 to vector<16xf32>
      %mul3A_168 = arith.constant 16 : i32
      %mul3A_169 = arith.muli %scan3A_165, %mul3A_168 : i32
      %swap3A = arith.index_cast %mul3A_169 : i32 to index
      %swap3A_170 = tpu.vector_load %arg7[%swap3A] {strides = array<i32>} : memref<10240xf32, #tpu.memory_space<vmem>>, vector<16xf32>,
      tpu.vector_store %arg7[%swap3A], %broadcast_in_dim3A_167 {strides = array<i32>} : memref<10240xf32, #tpu.memory_space<vmem>>, vector<16xf32>,
    }
    %scan3A_4 = arith.constant 640 : i32
    %eq3A = arith.constant 0 : i32
    %eq3A_5 = arith.cmpi eq, %arg0, %eq3A : i32
    %convert_element_type3A = arith.extui %eq3A_5 : i1 to i32
    %cond3A = arith.constant 0 : i32
    %cond3A_6 = arith.cmpi ne, %convert_element_type3A, %cond3A : i32
    scf.if %cond3A_6 {
      "tpu.region"() ({
        %run_scoped3A_165 = tpu.sem_alloc : memref<!tpu.dma_semaphore, #tpu.memory_space<semaphore_mem>>
        %dma_start3A = arith.constant 0 : i32
        %dma_start3A_166 = tpu.memref_slice %arg2[%arg1, %dma_start3A] : memref<16x20000xi32, #tpu.memory_space<hbm>> -> memref<1x20000xi32, #tpu.memory_space<hbm>>
        %dma_start3A_167 = tpu.memref_squeeze %dma_start3A_166 : memref<1x20000xi32, #tpu.memory_space<hbm>> -> memref<20000xi32, #tpu.memory_space<hbm>>
        %dma_start3A_168 = arith.constant 0 : i32
        %dma_start3A_169 = tpu.memref_slice %arg2[%arg1, %dma_start3A_168] : memref<16x20000xi32, #tpu.memory_space<hbm>> -> memref<1x20000xi32, #tpu.memory_space<hbm>>
        %dma_start3A_170 = tpu.memref_squeeze %dma_start3A_169 : memref<1x20000xi32, #tpu.memory_space<hbm>> -> memref<20000xi32, #tpu.memory_space<hbm>>
        tpu.enqueue_dma source(%dma_start3A_170 : memref<20000xi32, #tpu.memory_space<hbm>>) target(%arg6 : memref<20000xi32, #tpu.memory_space<vmem>>) target_semaphore(%run_scoped3A_165 : memref<!tpu.dma_semaphore, #tpu.memory_space<semaphore_mem>>)
        %dma_wait3A = arith.constant 0 : i32
        %dma_wait3A_171 = tpu.memref_slice %arg2[%arg1, %dma_wait3A] : memref<16x20000xi32, #tpu.memory_space<hbm>> -> memref<1x20000xi32, #tpu.memory_space<hbm>>
        %dma_wait3A_172 = tpu.memref_squeeze %dma_wait3A_171 : memref<1x20000xi32, #tpu.memory_space<hbm>> -> memref<20000xi32, #tpu.memory_space<hbm>>
        %dma_wait3A_173 = arith.constant 0 : i32
        %dma_wait3A_174 = tpu.memref_slice %arg2[%arg1, %dma_wait3A_173] : memref<16x20000xi32, #tpu.memory_space<hbm>> -> memref<1x20000xi32, #tpu.memory_space<hbm>>
        %dma_wait3A_175 = tpu.memref_squeeze %dma_wait3A_174 : memref<1x20000xi32, #tpu.memory_space<hbm>> -> memref<20000xi32, #tpu.memory_space<hbm>>
        tpu.wait_dma2 semaphore(%run_scoped3A_165 : memref<!tpu.dma_semaphore, #tpu.memory_space<semaphore_mem>>) src(%dma_wait3A_175 : memref<20000xi32, #tpu.memory_space<hbm>>) dst(%arg6 : memref<20000xi32, #tpu.memory_space<vmem>>)
        tpu.yield
      }) : () -> ()
    } else {
    }
    %eq3A_7 = arith.constant 1 : i32
    %eq3A_8 = arith.cmpi eq, %arg0, %eq3A_7 : i32
    %convert_element_type3A_9 = arith.extui %eq3A_8 : i1 to i32
    %cond3A_10 = arith.constant 0 : i32
    %cond3A_11 = arith.cmpi ne, %convert_element_type3A_9, %cond3A_10 : i32
    scf.if %cond3A_11 {
      "tpu.region"() ({
        %run_scoped3A_165 = tpu.sem_alloc : memref<!tpu.dma_semaphore, #tpu.memory_space<semaphore_mem>>
        %dma_start3A = arith.constant 0 : i32
        %dma_start3A_166 = tpu.memref_slice %arg3[%arg1, %dma_start3A] : memref<16x20000xi32, #tpu.memory_space<hbm>> -> memref<1x20000xi32, #tpu.memory_space<hbm>>
        %dma_start3A_167 = tpu.memref_squeeze %dma_start3A_166 : memref<1x20000xi32, #tpu.memory_space<hbm>> -> memref<20000xi32, #tpu.memory_space<hbm>>
        %dma_start3A_168 = arith.constant 0 : i32
        %dma_start3A_169 = tpu.memref_slice %arg3[%arg1, %dma_start3A_168] : memref<16x20000xi32, #tpu.memory_space<hbm>> -> memref<1x20000xi32, #tpu.memory_space<hbm>>
        %dma_start3A_170 = tpu.memref_squeeze %dma_start3A_169 : memref<1x20000xi32, #tpu.memory_space<hbm>> -> memref<20000xi32, #tpu.memory_space<hbm>>
        tpu.enqueue_dma source(%dma_start3A_170 : memref<20000xi32, #tpu.memory_space<hbm>>) target(%arg6 : memref<20000xi32, #tpu.memory_space<vmem>>) target_semaphore(%run_scoped3A_165 : memref<!tpu.dma_semaphore, #tpu.memory_space<semaphore_mem>>)
        %dma_wait3A = arith.constant 0 : i32
        %dma_wait3A_171 = tpu.memref_slice %arg3[%arg1, %dma_wait3A] : memref<16x20000xi32, #tpu.memory_space<hbm>> -> memref<1x20000xi32, #tpu.memory_space<hbm>>
        %dma_wait3A_172 = tpu.memref_squeeze %dma_wait3A_171 : memref<1x20000xi32, #tpu.memory_space<hbm>> -> memref<20000xi32, #tpu.memory_space<hbm>>
        %dma_wait3A_173 = arith.constant 0 : i32
        %dma_wait3A_174 = tpu.memref_slice %arg3[%arg1, %dma_wait3A_173] : memref<16x20000xi32, #tpu.memory_space<hbm>> -> memref<1x20000xi32, #tpu.memory_space<hbm>>
        %dma_wait3A_175 = tpu.memref_squeeze %dma_wait3A_174 : memref<1x20000xi32, #tpu.memory_space<hbm>> -> memref<20000xi32, #tpu.memory_space<hbm>>
        tpu.wait_dma2 semaphore(%run_scoped3A_165 : memref<!tpu.dma_semaphore, #tpu.memory_space<semaphore_mem>>) src(%dma_wait3A_175 : memref<20000xi32, #tpu.memory_space<hbm>>) dst(%arg6 : memref<20000xi32, #tpu.memory_space<vmem>>)
        tpu.yield
      }) : () -> ()
    } else {
    }
    %broadcast_in_dim3A = arith.constant 1.000000e+00 : f32
    %broadcast_in_dim3A_12 = vector.broadcast %broadcast_in_dim3A : f32 to vector<16xf32>
    %scan3A_13 = arith.constant 0 : i32
    %scan3A_14 = arith.constant 0 : i32
    %scan3A_15 = arith.constant 1250 : i32
    %scan3A_16 = arith.addi %scan3A_14, %scan3A_15 : i32
    %scan3A_17 = arith.constant 1 : i32
    scf.for %scan3A_165 = %scan3A_14 to %scan3A_16 step %scan3A_17  : i32 {
      %mul3A_166 = arith.constant 16 : i32
      %mul3A_167 = arith.muli %scan3A_165, %mul3A_166 : i32
      %get3A = arith.index_cast %mul3A_167 : i32 to index
      %get3A_168 = tpu.vector_load %arg6[%get3A] {strides = array<i32>} : memref<20000xi32, #tpu.memory_space<vmem>>, vector<16xi32>,
      tpu.vector_store_idx %arg7[%get3A_168], %broadcast_in_dim3A_12 {add = true} : memref<10240xf32, #tpu.memory_space<vmem>>[vector<16xi32>], vector<16xf32>,
    }
    %scan3A_18 = arith.constant 1250 : i32
    "tpu.region"() ({
      %run_scoped3A_165 = tpu.sem_alloc : memref<!tpu.dma_semaphore, #tpu.memory_space<semaphore_mem>>
      %dma_start3A = arith.constant 0 : i32
      %dma_start3A_166 = tpu.memref_slice %arg10[%arg1, %dma_start3A] : memref<16x10240xf32, #tpu.memory_space<vmem_shared>> -> memref<1x10240xf32, #tpu.memory_space<vmem_shared>>
      %dma_start3A_167 = tpu.memref_squeeze %dma_start3A_166 : memref<1x10240xf32, #tpu.memory_space<vmem_shared>> -> memref<10240xf32, #tpu.memory_space<vmem_shared>>
      %dma_start3A_168 = arith.constant 0 : i32
      %dma_start3A_169 = tpu.memref_slice %arg10[%arg1, %dma_start3A_168] : memref<16x10240xf32, #tpu.memory_space<vmem_shared>> -> memref<1x10240xf32, #tpu.memory_space<vmem_shared>>
      %dma_start3A_170 = tpu.memref_squeeze %dma_start3A_169 : memref<1x10240xf32, #tpu.memory_space<vmem_shared>> -> memref<10240xf32, #tpu.memory_space<vmem_shared>>
      tpu.enqueue_dma source(%arg7 : memref<10240xf32, #tpu.memory_space<vmem>>) target(%dma_start3A_170 : memref<10240xf32, #tpu.memory_space<vmem_shared>>) target_semaphore(%run_scoped3A_165 : memref<!tpu.dma_semaphore, #tpu.memory_space<semaphore_mem>>)
      %dma_wait3A = arith.constant 0 : i32
      %dma_wait3A_171 = tpu.memref_slice %arg10[%arg1, %dma_wait3A] : memref<16x10240xf32, #tpu.memory_space<vmem_shared>> -> memref<1x10240xf32, #tpu.memory_space<vmem_shared>>
      %dma_wait3A_172 = tpu.memref_squeeze %dma_wait3A_171 : memref<1x10240xf32, #tpu.memory_space<vmem_shared>> -> memref<10240xf32, #tpu.memory_space<vmem_shared>>
      %dma_wait3A_173 = arith.constant 0 : i32
      %dma_wait3A_174 = tpu.memref_slice %arg10[%arg1, %dma_wait3A_173] : memref<16x10240xf32, #tpu.memory_space<vmem_shared>> -> memref<1x10240xf32, #tpu.memory_space<vmem_shared>>
      %dma_wait3A_175 = tpu.memref_squeeze %dma_wait3A_174 : memref<1x10240xf32, #tpu.memory_space<vmem_shared>> -> memref<10240xf32, #tpu.memory_space<vmem_shared>>
      tpu.wait_dma2 semaphore(%run_scoped3A_165 : memref<!tpu.dma_semaphore, #tpu.memory_space<semaphore_mem>>) src(%arg7 : memref<10240xf32, #tpu.memory_space<vmem>>) dst(%dma_wait3A_175 : memref<10240xf32, #tpu.memory_space<vmem_shared>>)
      tpu.yield
    }) : () -> ()
    %barrier3A = arith.constant 0 : index
    tpu.barrier barrier_id(%barrier3A)
    %mul3A = arith.constant 640 : i32
    %mul3A_19 = arith.muli %arg1, %mul3A : i32
    %run_scoped3A = arith.constant 0 : i32
    "tpu.region"() ({
      %run_scoped3A_165 = tpu.sem_alloc : memref<!tpu.dma_semaphore, #tpu.memory_space<semaphore_mem>>
      %dma_start3A = tpu.memref_slice %arg10[%run_scoped3A, %mul3A_19] : memref<16x10240xf32, #tpu.memory_space<vmem_shared>> -> memref<1x640xf32, #tpu.memory_space<vmem_shared>>
      %dma_start3A_166 = tpu.memref_squeeze %dma_start3A : memref<1x640xf32, #tpu.memory_space<vmem_shared>> -> memref<640xf32, #tpu.memory_space<vmem_shared>>
      %dma_start3A_167 = tpu.memref_slice %arg10[%run_scoped3A, %mul3A_19] : memref<16x10240xf32, #tpu.memory_space<vmem_shared>> -> memref<1x640xf32, #tpu.memory_space<vmem_shared>>
      %dma_start3A_168 = tpu.memref_squeeze %dma_start3A_167 : memref<1x640xf32, #tpu.memory_space<vmem_shared>> -> memref<640xf32, #tpu.memory_space<vmem_shared>>
      tpu.enqueue_dma source(%dma_start3A_168 : memref<640xf32, #tpu.memory_space<vmem_shared>>) target(%arg8 : memref<640xf32, #tpu.memory_space<vmem>>) target_semaphore(%run_scoped3A_165 : memref<!tpu.dma_semaphore, #tpu.memory_space<semaphore_mem>>)
      %dma_wait3A = tpu.memref_slice %arg10[%run_scoped3A, %mul3A_19] : memref<16x10240xf32, #tpu.memory_space<vmem_shared>> -> memref<1x640xf32, #tpu.memory_space<vmem_shared>>
      %dma_wait3A_169 = tpu.memref_squeeze %dma_wait3A : memref<1x640xf32, #tpu.memory_space<vmem_shared>> -> memref<640xf32, #tpu.memory_space<vmem_shared>>
      %dma_wait3A_170 = tpu.memref_slice %arg10[%run_scoped3A, %mul3A_19] : memref<16x10240xf32, #tpu.memory_space<vmem_shared>> -> memref<1x640xf32, #tpu.memory_space<vmem_shared>>
      %dma_wait3A_171 = tpu.memref_squeeze %dma_wait3A_170 : memref<1x640xf32, #tpu.memory_space<vmem_shared>> -> memref<640xf32, #tpu.memory_space<vmem_shared>>
      tpu.wait_dma2 semaphore(%run_scoped3A_165 : memref<!tpu.dma_semaphore, #tpu.memory_space<semaphore_mem>>) src(%dma_wait3A_171 : memref<640xf32, #tpu.memory_space<vmem_shared>>) dst(%arg8 : memref<640xf32, #tpu.memory_space<vmem>>)
      tpu.yield
    }) : () -> ()
    %mul3A_20 = arith.constant 640 : i32
    %mul3A_21 = arith.muli %arg1, %mul3A_20 : i32
    %run_scoped3A_22 = arith.constant 1 : i32
    "tpu.region"() ({
      %run_scoped3A_165 = tpu.sem_alloc : memref<!tpu.dma_semaphore, #tpu.memory_space<semaphore_mem>>
      %dma_start3A = tpu.memref_slice %arg10[%run_scoped3A_22, %mul3A_21] : memref<16x10240xf32, #tpu.memory_space<vmem_shared>> -> memref<1x640xf32, #tpu.memory_space<vmem_shared>>
      %dma_start3A_166 = tpu.memref_squeeze %dma_start3A : memref<1x640xf32, #tpu.memory_space<vmem_shared>> -> memref<640xf32, #tpu.memory_space<vmem_shared>>
      %dma_start3A_167 = tpu.memref_slice %arg10[%run_scoped3A_22, %mul3A_21] : memref<16x10240xf32, #tpu.memory_space<vmem_shared>> -> memref<1x640xf32, #tpu.memory_space<vmem_shared>>
      %dma_start3A_168 = tpu.memref_squeeze %dma_start3A_167 : memref<1x640xf32, #tpu.memory_space<vmem_shared>> -> memref<640xf32, #tpu.memory_space<vmem_shared>>
      tpu.enqueue_dma source(%dma_start3A_168 : memref<640xf32, #tpu.memory_space<vmem_shared>>) target(%arg9 : memref<640xf32, #tpu.memory_space<vmem>>) target_semaphore(%run_scoped3A_165 : memref<!tpu.dma_semaphore, #tpu.memory_space<semaphore_mem>>)
      %dma_wait3A = tpu.memref_slice %arg10[%run_scoped3A_22, %mul3A_21] : memref<16x10240xf32, #tpu.memory_space<vmem_shared>> -> memref<1x640xf32, #tpu.memory_space<vmem_shared>>
      %dma_wait3A_169 = tpu.memref_squeeze %dma_wait3A : memref<1x640xf32, #tpu.memory_space<vmem_shared>> -> memref<640xf32, #tpu.memory_space<vmem_shared>>
      %dma_wait3A_170 = tpu.memref_slice %arg10[%run_scoped3A_22, %mul3A_21] : memref<16x10240xf32, #tpu.memory_space<vmem_shared>> -> memref<1x640xf32, #tpu.memory_space<vmem_shared>>
      %dma_wait3A_171 = tpu.memref_squeeze %dma_wait3A_170 : memref<1x640xf32, #tpu.memory_space<vmem_shared>> -> memref<640xf32, #tpu.memory_space<vmem_shared>>
      tpu.wait_dma2 semaphore(%run_scoped3A_165 : memref<!tpu.dma_semaphore, #tpu.memory_space<semaphore_mem>>) src(%dma_wait3A_171 : memref<640xf32, #tpu.memory_space<vmem_shared>>) dst(%arg9 : memref<640xf32, #tpu.memory_space<vmem>>)
      tpu.yield
    }) : () -> ()
    %scan3A_23 = arith.constant 0 : i32
    %scan3A_24 = arith.constant 0 : i32
    %scan3A_25 = arith.constant 40 : i32
    %scan3A_26 = arith.addi %scan3A_24, %scan3A_25 : i32
    %scan3A_27 = arith.constant 1 : i32
    scf.for %scan3A_165 = %scan3A_24 to %scan3A_26 step %scan3A_27  : i32 {
      %mul3A_166 = arith.constant 16 : i32
      %mul3A_167 = arith.muli %scan3A_165, %mul3A_166 : i32
      %get3A = arith.index_cast %mul3A_167 : i32 to index
      %get3A_168 = tpu.vector_load %arg8[%get3A] {strides = array<i32>} : memref<640xf32, #tpu.memory_space<vmem>>, vector<16xf32>,
      %mul3A_169 = arith.constant 16 : i32
      %mul3A_170 = arith.muli %scan3A_165, %mul3A_169 : i32
      %get3A_171 = arith.index_cast %mul3A_170 : i32 to index
      %get3A_172 = tpu.vector_load %arg9[%get3A_171] {strides = array<i32>} : memref<640xf32, #tpu.memory_space<vmem>>, vector<16xf32>,
      %add3A = arith.addf %get3A_168, %get3A_172 : vector<16xf32>
      %mul3A_173 = arith.constant 16 : i32
      %mul3A_174 = arith.muli %scan3A_165, %mul3A_173 : i32
      %swap3A = arith.index_cast %mul3A_174 : i32 to index
      %swap3A_175 = tpu.vector_load %arg8[%swap3A] {strides = array<i32>} : memref<640xf32, #tpu.memory_space<vmem>>, vector<16xf32>,
      tpu.vector_store %arg8[%swap3A], %add3A {strides = array<i32>} : memref<640xf32, #tpu.memory_space<vmem>>, vector<16xf32>,
    }
    %scan3A_28 = arith.constant 40 : i32
    %mul3A_29 = arith.constant 640 : i32
    %mul3A_30 = arith.muli %arg1, %mul3A_29 : i32
    %run_scoped3A_31 = arith.constant 2 : i32
    "tpu.region"() ({
      %run_scoped3A_165 = tpu.sem_alloc : memref<!tpu.dma_semaphore, #tpu.memory_space<semaphore_mem>>
      %dma_start3A = tpu.memref_slice %arg10[%run_scoped3A_31, %mul3A_30] : memref<16x10240xf32, #tpu.memory_space<vmem_shared>> -> memref<1x640xf32, #tpu.memory_space<vmem_shared>>
      %dma_start3A_166 = tpu.memref_squeeze %dma_start3A : memref<1x640xf32, #tpu.memory_space<vmem_shared>> -> memref<640xf32, #tpu.memory_space<vmem_shared>>
      %dma_start3A_167 = tpu.memref_slice %arg10[%run_scoped3A_31, %mul3A_30] : memref<16x10240xf32, #tpu.memory_space<vmem_shared>> -> memref<1x640xf32, #tpu.memory_space<vmem_shared>>
      %dma_start3A_168 = tpu.memref_squeeze %dma_start3A_167 : memref<1x640xf32, #tpu.memory_space<vmem_shared>> -> memref<640xf32, #tpu.memory_space<vmem_shared>>
      tpu.enqueue_dma source(%dma_start3A_168 : memref<640xf32, #tpu.memory_space<vmem_shared>>) target(%arg9 : memref<640xf32, #tpu.memory_space<vmem>>) target_semaphore(%run_scoped3A_165 : memref<!tpu.dma_semaphore, #tpu.memory_space<semaphore_mem>>)
      %dma_wait3A = tpu.memref_slice %arg10[%run_scoped3A_31, %mul3A_30] : memref<16x10240xf32, #tpu.memory_space<vmem_shared>> -> memref<1x640xf32, #tpu.memory_space<vmem_shared>>
      %dma_wait3A_169 = tpu.memref_squeeze %dma_wait3A : memref<1x640xf32, #tpu.memory_space<vmem_shared>> -> memref<640xf32, #tpu.memory_space<vmem_shared>>
      %dma_wait3A_170 = tpu.memref_slice %arg10[%run_scoped3A_31, %mul3A_30] : memref<16x10240xf32, #tpu.memory_space<vmem_shared>> -> memref<1x640xf32, #tpu.memory_space<vmem_shared>>
      %dma_wait3A_171 = tpu.memref_squeeze %dma_wait3A_170 : memref<1x640xf32, #tpu.memory_space<vmem_shared>> -> memref<640xf32, #tpu.memory_space<vmem_shared>>
      tpu.wait_dma2 semaphore(%run_scoped3A_165 : memref<!tpu.dma_semaphore, #tpu.memory_space<semaphore_mem>>) src(%dma_wait3A_171 : memref<640xf32, #tpu.memory_space<vmem_shared>>) dst(%arg9 : memref<640xf32, #tpu.memory_space<vmem>>)
      tpu.yield
    }) : () -> ()
    %scan3A_32 = arith.constant 0 : i32
    %scan3A_33 = arith.constant 0 : i32
    %scan3A_34 = arith.constant 40 : i32
    %scan3A_35 = arith.addi %scan3A_33, %scan3A_34 : i32
    %scan3A_36 = arith.constant 1 : i32
    scf.for %scan3A_165 = %scan3A_33 to %scan3A_35 step %scan3A_36  : i32 {
      %mul3A_166 = arith.constant 16 : i32
      %mul3A_167 = arith.muli %scan3A_165, %mul3A_166 : i32
      %get3A = arith.index_cast %mul3A_167 : i32 to index
      %get3A_168 = tpu.vector_load %arg8[%get3A] {strides = array<i32>} : memref<640xf32, #tpu.memory_space<vmem>>, vector<16xf32>,
      %mul3A_169 = arith.constant 16 : i32
      %mul3A_170 = arith.muli %scan3A_165, %mul3A_169 : i32
      %get3A_171 = arith.index_cast %mul3A_170 : i32 to index
      %get3A_172 = tpu.vector_load %arg9[%get3A_171] {strides = array<i32>} : memref<640xf32, #tpu.memory_space<vmem>>, vector<16xf32>,
      %add3A = arith.addf %get3A_168, %get3A_172 : vector<16xf32>
      %mul3A_173 = arith.constant 16 : i32
      %mul3A_174 = arith.muli %scan3A_165, %mul3A_173 : i32
      %swap3A = arith.index_cast %mul3A_174 : i32 to index
      %swap3A_175 = tpu.vector_load %arg8[%swap3A] {strides = array<i32>} : memref<640xf32, #tpu.memory_space<vmem>>, vector<16xf32>,
      tpu.vector_store %arg8[%swap3A], %add3A {strides = array<i32>} : memref<640xf32, #tpu.memory_space<vmem>>, vector<16xf32>,
    }
    %scan3A_37 = arith.constant 40 : i32
    %mul3A_38 = arith.constant 640 : i32
    %mul3A_39 = arith.muli %arg1, %mul3A_38 : i32
    %run_scoped3A_40 = arith.constant 3 : i32
    "tpu.region"() ({
      %run_scoped3A_165 = tpu.sem_alloc : memref<!tpu.dma_semaphore, #tpu.memory_space<semaphore_mem>>
      %dma_start3A = tpu.memref_slice %arg10[%run_scoped3A_40, %mul3A_39] : memref<16x10240xf32, #tpu.memory_space<vmem_shared>> -> memref<1x640xf32, #tpu.memory_space<vmem_shared>>
      %dma_start3A_166 = tpu.memref_squeeze %dma_start3A : memref<1x640xf32, #tpu.memory_space<vmem_shared>> -> memref<640xf32, #tpu.memory_space<vmem_shared>>
      %dma_start3A_167 = tpu.memref_slice %arg10[%run_scoped3A_40, %mul3A_39] : memref<16x10240xf32, #tpu.memory_space<vmem_shared>> -> memref<1x640xf32, #tpu.memory_space<vmem_shared>>
      %dma_start3A_168 = tpu.memref_squeeze %dma_start3A_167 : memref<1x640xf32, #tpu.memory_space<vmem_shared>> -> memref<640xf32, #tpu.memory_space<vmem_shared>>
      tpu.enqueue_dma source(%dma_start3A_168 : memref<640xf32, #tpu.memory_space<vmem_shared>>) target(%arg9 : memref<640xf32, #tpu.memory_space<vmem>>) target_semaphore(%run_scoped3A_165 : memref<!tpu.dma_semaphore, #tpu.memory_space<semaphore_mem>>)
      %dma_wait3A = tpu.memref_slice %arg10[%run_scoped3A_40, %mul3A_39] : memref<16x10240xf32, #tpu.memory_space<vmem_shared>> -> memref<1x640xf32, #tpu.memory_space<vmem_shared>>
      %dma_wait3A_169 = tpu.memref_squeeze %dma_wait3A : memref<1x640xf32, #tpu.memory_space<vmem_shared>> -> memref<640xf32, #tpu.memory_space<vmem_shared>>
      %dma_wait3A_170 = tpu.memref_slice %arg10[%run_scoped3A_40, %mul3A_39] : memref<16x10240xf32, #tpu.memory_space<vmem_shared>> -> memref<1x640xf32, #tpu.memory_space<vmem_shared>>
      %dma_wait3A_171 = tpu.memref_squeeze %dma_wait3A_170 : memref<1x640xf32, #tpu.memory_space<vmem_shared>> -> memref<640xf32, #tpu.memory_space<vmem_shared>>
      tpu.wait_dma2 semaphore(%run_scoped3A_165 : memref<!tpu.dma_semaphore, #tpu.memory_space<semaphore_mem>>) src(%dma_wait3A_171 : memref<640xf32, #tpu.memory_space<vmem_shared>>) dst(%arg9 : memref<640xf32, #tpu.memory_space<vmem>>)
      tpu.yield
    }) : () -> ()
    %scan3A_41 = arith.constant 0 : i32
    %scan3A_42 = arith.constant 0 : i32
    %scan3A_43 = arith.constant 40 : i32
    %scan3A_44 = arith.addi %scan3A_42, %scan3A_43 : i32
    %scan3A_45 = arith.constant 1 : i32
    scf.for %scan3A_165 = %scan3A_42 to %scan3A_44 step %scan3A_45  : i32 {
      %mul3A_166 = arith.constant 16 : i32
      %mul3A_167 = arith.muli %scan3A_165, %mul3A_166 : i32
      %get3A = arith.index_cast %mul3A_167 : i32 to index
      %get3A_168 = tpu.vector_load %arg8[%get3A] {strides = array<i32>} : memref<640xf32, #tpu.memory_space<vmem>>, vector<16xf32>,
      %mul3A_169 = arith.constant 16 : i32
      %mul3A_170 = arith.muli %scan3A_165, %mul3A_169 : i32
      %get3A_171 = arith.index_cast %mul3A_170 : i32 to index
      %get3A_172 = tpu.vector_load %arg9[%get3A_171] {strides = array<i32>} : memref<640xf32, #tpu.memory_space<vmem>>, vector<16xf32>,
      %add3A = arith.addf %get3A_168, %get3A_172 : vector<16xf32>
      %mul3A_173 = arith.constant 16 : i32
      %mul3A_174 = arith.muli %scan3A_165, %mul3A_173 : i32
      %swap3A = arith.index_cast %mul3A_174 : i32 to index
      %swap3A_175 = tpu.vector_load %arg8[%swap3A] {strides = array<i32>} : memref<640xf32, #tpu.memory_space<vmem>>, vector<16xf32>,
      tpu.vector_store %arg8[%swap3A], %add3A {strides = array<i32>} : memref<640xf32, #tpu.memory_space<vmem>>, vector<16xf32>,
    }
    %scan3A_46 = arith.constant 40 : i32
    %mul3A_47 = arith.constant 640 : i32
    %mul3A_48 = arith.muli %arg1, %mul3A_47 : i32
    %run_scoped3A_49 = arith.constant 4 : i32
    "tpu.region"() ({
      %run_scoped3A_165 = tpu.sem_alloc : memref<!tpu.dma_semaphore, #tpu.memory_space<semaphore_mem>>
      %dma_start3A = tpu.memref_slice %arg10[%run_scoped3A_49, %mul3A_48] : memref<16x10240xf32, #tpu.memory_space<vmem_shared>> -> memref<1x640xf32, #tpu.memory_space<vmem_shared>>
      %dma_start3A_166 = tpu.memref_squeeze %dma_start3A : memref<1x640xf32, #tpu.memory_space<vmem_shared>> -> memref<640xf32, #tpu.memory_space<vmem_shared>>
      %dma_start3A_167 = tpu.memref_slice %arg10[%run_scoped3A_49, %mul3A_48] : memref<16x10240xf32, #tpu.memory_space<vmem_shared>> -> memref<1x640xf32, #tpu.memory_space<vmem_shared>>
      %dma_start3A_168 = tpu.memref_squeeze %dma_start3A_167 : memref<1x640xf32, #tpu.memory_space<vmem_shared>> -> memref<640xf32, #tpu.memory_space<vmem_shared>>
      tpu.enqueue_dma source(%dma_start3A_168 : memref<640xf32, #tpu.memory_space<vmem_shared>>) target(%arg9 : memref<640xf32, #tpu.memory_space<vmem>>) target_semaphore(%run_scoped3A_165 : memref<!tpu.dma_semaphore, #tpu.memory_space<semaphore_mem>>)
      %dma_wait3A = tpu.memref_slice %arg10[%run_scoped3A_49, %mul3A_48] : memref<16x10240xf32, #tpu.memory_space<vmem_shared>> -> memref<1x640xf32, #tpu.memory_space<vmem_shared>>
      %dma_wait3A_169 = tpu.memref_squeeze %dma_wait3A : memref<1x640xf32, #tpu.memory_space<vmem_shared>> -> memref<640xf32, #tpu.memory_space<vmem_shared>>
      %dma_wait3A_170 = tpu.memref_slice %arg10[%run_scoped3A_49, %mul3A_48] : memref<16x10240xf32, #tpu.memory_space<vmem_shared>> -> memref<1x640xf32, #tpu.memory_space<vmem_shared>>
      %dma_wait3A_171 = tpu.memref_squeeze %dma_wait3A_170 : memref<1x640xf32, #tpu.memory_space<vmem_shared>> -> memref<640xf32, #tpu.memory_space<vmem_shared>>
      tpu.wait_dma2 semaphore(%run_scoped3A_165 : memref<!tpu.dma_semaphore, #tpu.memory_space<semaphore_mem>>) src(%dma_wait3A_171 : memref<640xf32, #tpu.memory_space<vmem_shared>>) dst(%arg9 : memref<640xf32, #tpu.memory_space<vmem>>)
      tpu.yield
    }) : () -> ()
    %scan3A_50 = arith.constant 0 : i32
    %scan3A_51 = arith.constant 0 : i32
    %scan3A_52 = arith.constant 40 : i32
    %scan3A_53 = arith.addi %scan3A_51, %scan3A_52 : i32
    %scan3A_54 = arith.constant 1 : i32
    scf.for %scan3A_165 = %scan3A_51 to %scan3A_53 step %scan3A_54  : i32 {
      %mul3A_166 = arith.constant 16 : i32
      %mul3A_167 = arith.muli %scan3A_165, %mul3A_166 : i32
      %get3A = arith.index_cast %mul3A_167 : i32 to index
      %get3A_168 = tpu.vector_load %arg8[%get3A] {strides = array<i32>} : memref<640xf32, #tpu.memory_space<vmem>>, vector<16xf32>,
      %mul3A_169 = arith.constant 16 : i32
      %mul3A_170 = arith.muli %scan3A_165, %mul3A_169 : i32
      %get3A_171 = arith.index_cast %mul3A_170 : i32 to index
      %get3A_172 = tpu.vector_load %arg9[%get3A_171] {strides = array<i32>} : memref<640xf32, #tpu.memory_space<vmem>>, vector<16xf32>,
      %add3A = arith.addf %get3A_168, %get3A_172 : vector<16xf32>
      %mul3A_173 = arith.constant 16 : i32
      %mul3A_174 = arith.muli %scan3A_165, %mul3A_173 : i32
      %swap3A = arith.index_cast %mul3A_174 : i32 to index
      %swap3A_175 = tpu.vector_load %arg8[%swap3A] {strides = array<i32>} : memref<640xf32, #tpu.memory_space<vmem>>, vector<16xf32>,
      tpu.vector_store %arg8[%swap3A], %add3A {strides = array<i32>} : memref<640xf32, #tpu.memory_space<vmem>>, vector<16xf32>,
    }
    %scan3A_55 = arith.constant 40 : i32
    %mul3A_56 = arith.constant 640 : i32
    %mul3A_57 = arith.muli %arg1, %mul3A_56 : i32
    %run_scoped3A_58 = arith.constant 5 : i32
    "tpu.region"() ({
      %run_scoped3A_165 = tpu.sem_alloc : memref<!tpu.dma_semaphore, #tpu.memory_space<semaphore_mem>>
      %dma_start3A = tpu.memref_slice %arg10[%run_scoped3A_58, %mul3A_57] : memref<16x10240xf32, #tpu.memory_space<vmem_shared>> -> memref<1x640xf32, #tpu.memory_space<vmem_shared>>
      %dma_start3A_166 = tpu.memref_squeeze %dma_start3A : memref<1x640xf32, #tpu.memory_space<vmem_shared>> -> memref<640xf32, #tpu.memory_space<vmem_shared>>
      %dma_start3A_167 = tpu.memref_slice %arg10[%run_scoped3A_58, %mul3A_57] : memref<16x10240xf32, #tpu.memory_space<vmem_shared>> -> memref<1x640xf32, #tpu.memory_space<vmem_shared>>
      %dma_start3A_168 = tpu.memref_squeeze %dma_start3A_167 : memref<1x640xf32, #tpu.memory_space<vmem_shared>> -> memref<640xf32, #tpu.memory_space<vmem_shared>>
      tpu.enqueue_dma source(%dma_start3A_168 : memref<640xf32, #tpu.memory_space<vmem_shared>>) target(%arg9 : memref<640xf32, #tpu.memory_space<vmem>>) target_semaphore(%run_scoped3A_165 : memref<!tpu.dma_semaphore, #tpu.memory_space<semaphore_mem>>)
      %dma_wait3A = tpu.memref_slice %arg10[%run_scoped3A_58, %mul3A_57] : memref<16x10240xf32, #tpu.memory_space<vmem_shared>> -> memref<1x640xf32, #tpu.memory_space<vmem_shared>>
      %dma_wait3A_169 = tpu.memref_squeeze %dma_wait3A : memref<1x640xf32, #tpu.memory_space<vmem_shared>> -> memref<640xf32, #tpu.memory_space<vmem_shared>>
      %dma_wait3A_170 = tpu.memref_slice %arg10[%run_scoped3A_58, %mul3A_57] : memref<16x10240xf32, #tpu.memory_space<vmem_shared>> -> memref<1x640xf32, #tpu.memory_space<vmem_shared>>
      %dma_wait3A_171 = tpu.memref_squeeze %dma_wait3A_170 : memref<1x640xf32, #tpu.memory_space<vmem_shared>> -> memref<640xf32, #tpu.memory_space<vmem_shared>>
      tpu.wait_dma2 semaphore(%run_scoped3A_165 : memref<!tpu.dma_semaphore, #tpu.memory_space<semaphore_mem>>) src(%dma_wait3A_171 : memref<640xf32, #tpu.memory_space<vmem_shared>>) dst(%arg9 : memref<640xf32, #tpu.memory_space<vmem>>)
      tpu.yield
    }) : () -> ()
    %scan3A_59 = arith.constant 0 : i32
    %scan3A_60 = arith.constant 0 : i32
    %scan3A_61 = arith.constant 40 : i32
    %scan3A_62 = arith.addi %scan3A_60, %scan3A_61 : i32
    %scan3A_63 = arith.constant 1 : i32
    scf.for %scan3A_165 = %scan3A_60 to %scan3A_62 step %scan3A_63  : i32 {
      %mul3A_166 = arith.constant 16 : i32
      %mul3A_167 = arith.muli %scan3A_165, %mul3A_166 : i32
      %get3A = arith.index_cast %mul3A_167 : i32 to index
      %get3A_168 = tpu.vector_load %arg8[%get3A] {strides = array<i32>} : memref<640xf32, #tpu.memory_space<vmem>>, vector<16xf32>,
      %mul3A_169 = arith.constant 16 : i32
      %mul3A_170 = arith.muli %scan3A_165, %mul3A_169 : i32
      %get3A_171 = arith.index_cast %mul3A_170 : i32 to index
      %get3A_172 = tpu.vector_load %arg9[%get3A_171] {strides = array<i32>} : memref<640xf32, #tpu.memory_space<vmem>>, vector<16xf32>,
      %add3A = arith.addf %get3A_168, %get3A_172 : vector<16xf32>
      %mul3A_173 = arith.constant 16 : i32
      %mul3A_174 = arith.muli %scan3A_165, %mul3A_173 : i32
      %swap3A = arith.index_cast %mul3A_174 : i32 to index
      %swap3A_175 = tpu.vector_load %arg8[%swap3A] {strides = array<i32>} : memref<640xf32, #tpu.memory_space<vmem>>, vector<16xf32>,
      tpu.vector_store %arg8[%swap3A], %add3A {strides = array<i32>} : memref<640xf32, #tpu.memory_space<vmem>>, vector<16xf32>,
    }
    %scan3A_64 = arith.constant 40 : i32
    %mul3A_65 = arith.constant 640 : i32
    %mul3A_66 = arith.muli %arg1, %mul3A_65 : i32
    %run_scoped3A_67 = arith.constant 6 : i32
    "tpu.region"() ({
      %run_scoped3A_165 = tpu.sem_alloc : memref<!tpu.dma_semaphore, #tpu.memory_space<semaphore_mem>>
      %dma_start3A = tpu.memref_slice %arg10[%run_scoped3A_67, %mul3A_66] : memref<16x10240xf32, #tpu.memory_space<vmem_shared>> -> memref<1x640xf32, #tpu.memory_space<vmem_shared>>
      %dma_start3A_166 = tpu.memref_squeeze %dma_start3A : memref<1x640xf32, #tpu.memory_space<vmem_shared>> -> memref<640xf32, #tpu.memory_space<vmem_shared>>
      %dma_start3A_167 = tpu.memref_slice %arg10[%run_scoped3A_67, %mul3A_66] : memref<16x10240xf32, #tpu.memory_space<vmem_shared>> -> memref<1x640xf32, #tpu.memory_space<vmem_shared>>
      %dma_start3A_168 = tpu.memref_squeeze %dma_start3A_167 : memref<1x640xf32, #tpu.memory_space<vmem_shared>> -> memref<640xf32, #tpu.memory_space<vmem_shared>>
      tpu.enqueue_dma source(%dma_start3A_168 : memref<640xf32, #tpu.memory_space<vmem_shared>>) target(%arg9 : memref<640xf32, #tpu.memory_space<vmem>>) target_semaphore(%run_scoped3A_165 : memref<!tpu.dma_semaphore, #tpu.memory_space<semaphore_mem>>)
      %dma_wait3A = tpu.memref_slice %arg10[%run_scoped3A_67, %mul3A_66] : memref<16x10240xf32, #tpu.memory_space<vmem_shared>> -> memref<1x640xf32, #tpu.memory_space<vmem_shared>>
      %dma_wait3A_169 = tpu.memref_squeeze %dma_wait3A : memref<1x640xf32, #tpu.memory_space<vmem_shared>> -> memref<640xf32, #tpu.memory_space<vmem_shared>>
      %dma_wait3A_170 = tpu.memref_slice %arg10[%run_scoped3A_67, %mul3A_66] : memref<16x10240xf32, #tpu.memory_space<vmem_shared>> -> memref<1x640xf32, #tpu.memory_space<vmem_shared>>
      %dma_wait3A_171 = tpu.memref_squeeze %dma_wait3A_170 : memref<1x640xf32, #tpu.memory_space<vmem_shared>> -> memref<640xf32, #tpu.memory_space<vmem_shared>>
      tpu.wait_dma2 semaphore(%run_scoped3A_165 : memref<!tpu.dma_semaphore, #tpu.memory_space<semaphore_mem>>) src(%dma_wait3A_171 : memref<640xf32, #tpu.memory_space<vmem_shared>>) dst(%arg9 : memref<640xf32, #tpu.memory_space<vmem>>)
      tpu.yield
    }) : () -> ()
    %scan3A_68 = arith.constant 0 : i32
    %scan3A_69 = arith.constant 0 : i32
    %scan3A_70 = arith.constant 40 : i32
    %scan3A_71 = arith.addi %scan3A_69, %scan3A_70 : i32
    %scan3A_72 = arith.constant 1 : i32
    scf.for %scan3A_165 = %scan3A_69 to %scan3A_71 step %scan3A_72  : i32 {
      %mul3A_166 = arith.constant 16 : i32
      %mul3A_167 = arith.muli %scan3A_165, %mul3A_166 : i32
      %get3A = arith.index_cast %mul3A_167 : i32 to index
      %get3A_168 = tpu.vector_load %arg8[%get3A] {strides = array<i32>} : memref<640xf32, #tpu.memory_space<vmem>>, vector<16xf32>,
      %mul3A_169 = arith.constant 16 : i32
      %mul3A_170 = arith.muli %scan3A_165, %mul3A_169 : i32
      %get3A_171 = arith.index_cast %mul3A_170 : i32 to index
      %get3A_172 = tpu.vector_load %arg9[%get3A_171] {strides = array<i32>} : memref<640xf32, #tpu.memory_space<vmem>>, vector<16xf32>,
      %add3A = arith.addf %get3A_168, %get3A_172 : vector<16xf32>
      %mul3A_173 = arith.constant 16 : i32
      %mul3A_174 = arith.muli %scan3A_165, %mul3A_173 : i32
      %swap3A = arith.index_cast %mul3A_174 : i32 to index
      %swap3A_175 = tpu.vector_load %arg8[%swap3A] {strides = array<i32>} : memref<640xf32, #tpu.memory_space<vmem>>, vector<16xf32>,
      tpu.vector_store %arg8[%swap3A], %add3A {strides = array<i32>} : memref<640xf32, #tpu.memory_space<vmem>>, vector<16xf32>,
    }
    %scan3A_73 = arith.constant 40 : i32
    %mul3A_74 = arith.constant 640 : i32
    %mul3A_75 = arith.muli %arg1, %mul3A_74 : i32
    %run_scoped3A_76 = arith.constant 7 : i32
    "tpu.region"() ({
      %run_scoped3A_165 = tpu.sem_alloc : memref<!tpu.dma_semaphore, #tpu.memory_space<semaphore_mem>>
      %dma_start3A = tpu.memref_slice %arg10[%run_scoped3A_76, %mul3A_75] : memref<16x10240xf32, #tpu.memory_space<vmem_shared>> -> memref<1x640xf32, #tpu.memory_space<vmem_shared>>
      %dma_start3A_166 = tpu.memref_squeeze %dma_start3A : memref<1x640xf32, #tpu.memory_space<vmem_shared>> -> memref<640xf32, #tpu.memory_space<vmem_shared>>
      %dma_start3A_167 = tpu.memref_slice %arg10[%run_scoped3A_76, %mul3A_75] : memref<16x10240xf32, #tpu.memory_space<vmem_shared>> -> memref<1x640xf32, #tpu.memory_space<vmem_shared>>
      %dma_start3A_168 = tpu.memref_squeeze %dma_start3A_167 : memref<1x640xf32, #tpu.memory_space<vmem_shared>> -> memref<640xf32, #tpu.memory_space<vmem_shared>>
      tpu.enqueue_dma source(%dma_start3A_168 : memref<640xf32, #tpu.memory_space<vmem_shared>>) target(%arg9 : memref<640xf32, #tpu.memory_space<vmem>>) target_semaphore(%run_scoped3A_165 : memref<!tpu.dma_semaphore, #tpu.memory_space<semaphore_mem>>)
      %dma_wait3A = tpu.memref_slice %arg10[%run_scoped3A_76, %mul3A_75] : memref<16x10240xf32, #tpu.memory_space<vmem_shared>> -> memref<1x640xf32, #tpu.memory_space<vmem_shared>>
      %dma_wait3A_169 = tpu.memref_squeeze %dma_wait3A : memref<1x640xf32, #tpu.memory_space<vmem_shared>> -> memref<640xf32, #tpu.memory_space<vmem_shared>>
      %dma_wait3A_170 = tpu.memref_slice %arg10[%run_scoped3A_76, %mul3A_75] : memref<16x10240xf32, #tpu.memory_space<vmem_shared>> -> memref<1x640xf32, #tpu.memory_space<vmem_shared>>
      %dma_wait3A_171 = tpu.memref_squeeze %dma_wait3A_170 : memref<1x640xf32, #tpu.memory_space<vmem_shared>> -> memref<640xf32, #tpu.memory_space<vmem_shared>>
      tpu.wait_dma2 semaphore(%run_scoped3A_165 : memref<!tpu.dma_semaphore, #tpu.memory_space<semaphore_mem>>) src(%dma_wait3A_171 : memref<640xf32, #tpu.memory_space<vmem_shared>>) dst(%arg9 : memref<640xf32, #tpu.memory_space<vmem>>)
      tpu.yield
    }) : () -> ()
    %scan3A_77 = arith.constant 0 : i32
    %scan3A_78 = arith.constant 0 : i32
    %scan3A_79 = arith.constant 40 : i32
    %scan3A_80 = arith.addi %scan3A_78, %scan3A_79 : i32
    %scan3A_81 = arith.constant 1 : i32
    scf.for %scan3A_165 = %scan3A_78 to %scan3A_80 step %scan3A_81  : i32 {
      %mul3A_166 = arith.constant 16 : i32
      %mul3A_167 = arith.muli %scan3A_165, %mul3A_166 : i32
      %get3A = arith.index_cast %mul3A_167 : i32 to index
      %get3A_168 = tpu.vector_load %arg8[%get3A] {strides = array<i32>} : memref<640xf32, #tpu.memory_space<vmem>>, vector<16xf32>,
      %mul3A_169 = arith.constant 16 : i32
      %mul3A_170 = arith.muli %scan3A_165, %mul3A_169 : i32
      %get3A_171 = arith.index_cast %mul3A_170 : i32 to index
      %get3A_172 = tpu.vector_load %arg9[%get3A_171] {strides = array<i32>} : memref<640xf32, #tpu.memory_space<vmem>>, vector<16xf32>,
      %add3A = arith.addf %get3A_168, %get3A_172 : vector<16xf32>
      %mul3A_173 = arith.constant 16 : i32
      %mul3A_174 = arith.muli %scan3A_165, %mul3A_173 : i32
      %swap3A = arith.index_cast %mul3A_174 : i32 to index
      %swap3A_175 = tpu.vector_load %arg8[%swap3A] {strides = array<i32>} : memref<640xf32, #tpu.memory_space<vmem>>, vector<16xf32>,
      tpu.vector_store %arg8[%swap3A], %add3A {strides = array<i32>} : memref<640xf32, #tpu.memory_space<vmem>>, vector<16xf32>,
    }
    %scan3A_82 = arith.constant 40 : i32
    %mul3A_83 = arith.constant 640 : i32
    %mul3A_84 = arith.muli %arg1, %mul3A_83 : i32
    %run_scoped3A_85 = arith.constant 8 : i32
    "tpu.region"() ({
      %run_scoped3A_165 = tpu.sem_alloc : memref<!tpu.dma_semaphore, #tpu.memory_space<semaphore_mem>>
      %dma_start3A = tpu.memref_slice %arg10[%run_scoped3A_85, %mul3A_84] : memref<16x10240xf32, #tpu.memory_space<vmem_shared>> -> memref<1x640xf32, #tpu.memory_space<vmem_shared>>
      %dma_start3A_166 = tpu.memref_squeeze %dma_start3A : memref<1x640xf32, #tpu.memory_space<vmem_shared>> -> memref<640xf32, #tpu.memory_space<vmem_shared>>
      %dma_start3A_167 = tpu.memref_slice %arg10[%run_scoped3A_85, %mul3A_84] : memref<16x10240xf32, #tpu.memory_space<vmem_shared>> -> memref<1x640xf32, #tpu.memory_space<vmem_shared>>
      %dma_start3A_168 = tpu.memref_squeeze %dma_start3A_167 : memref<1x640xf32, #tpu.memory_space<vmem_shared>> -> memref<640xf32, #tpu.memory_space<vmem_shared>>
      tpu.enqueue_dma source(%dma_start3A_168 : memref<640xf32, #tpu.memory_space<vmem_shared>>) target(%arg9 : memref<640xf32, #tpu.memory_space<vmem>>) target_semaphore(%run_scoped3A_165 : memref<!tpu.dma_semaphore, #tpu.memory_space<semaphore_mem>>)
      %dma_wait3A = tpu.memref_slice %arg10[%run_scoped3A_85, %mul3A_84] : memref<16x10240xf32, #tpu.memory_space<vmem_shared>> -> memref<1x640xf32, #tpu.memory_space<vmem_shared>>
      %dma_wait3A_169 = tpu.memref_squeeze %dma_wait3A : memref<1x640xf32, #tpu.memory_space<vmem_shared>> -> memref<640xf32, #tpu.memory_space<vmem_shared>>
      %dma_wait3A_170 = tpu.memref_slice %arg10[%run_scoped3A_85, %mul3A_84] : memref<16x10240xf32, #tpu.memory_space<vmem_shared>> -> memref<1x640xf32, #tpu.memory_space<vmem_shared>>
      %dma_wait3A_171 = tpu.memref_squeeze %dma_wait3A_170 : memref<1x640xf32, #tpu.memory_space<vmem_shared>> -> memref<640xf32, #tpu.memory_space<vmem_shared>>
      tpu.wait_dma2 semaphore(%run_scoped3A_165 : memref<!tpu.dma_semaphore, #tpu.memory_space<semaphore_mem>>) src(%dma_wait3A_171 : memref<640xf32, #tpu.memory_space<vmem_shared>>) dst(%arg9 : memref<640xf32, #tpu.memory_space<vmem>>)
      tpu.yield
    }) : () -> ()
    %scan3A_86 = arith.constant 0 : i32
    %scan3A_87 = arith.constant 0 : i32
    %scan3A_88 = arith.constant 40 : i32
    %scan3A_89 = arith.addi %scan3A_87, %scan3A_88 : i32
    %scan3A_90 = arith.constant 1 : i32
    scf.for %scan3A_165 = %scan3A_87 to %scan3A_89 step %scan3A_90  : i32 {
      %mul3A_166 = arith.constant 16 : i32
      %mul3A_167 = arith.muli %scan3A_165, %mul3A_166 : i32
      %get3A = arith.index_cast %mul3A_167 : i32 to index
      %get3A_168 = tpu.vector_load %arg8[%get3A] {strides = array<i32>} : memref<640xf32, #tpu.memory_space<vmem>>, vector<16xf32>,
      %mul3A_169 = arith.constant 16 : i32
      %mul3A_170 = arith.muli %scan3A_165, %mul3A_169 : i32
      %get3A_171 = arith.index_cast %mul3A_170 : i32 to index
      %get3A_172 = tpu.vector_load %arg9[%get3A_171] {strides = array<i32>} : memref<640xf32, #tpu.memory_space<vmem>>, vector<16xf32>,
      %add3A = arith.addf %get3A_168, %get3A_172 : vector<16xf32>
      %mul3A_173 = arith.constant 16 : i32
      %mul3A_174 = arith.muli %scan3A_165, %mul3A_173 : i32
      %swap3A = arith.index_cast %mul3A_174 : i32 to index
      %swap3A_175 = tpu.vector_load %arg8[%swap3A] {strides = array<i32>} : memref<640xf32, #tpu.memory_space<vmem>>, vector<16xf32>,
      tpu.vector_store %arg8[%swap3A], %add3A {strides = array<i32>} : memref<640xf32, #tpu.memory_space<vmem>>, vector<16xf32>,
    }
    %scan3A_91 = arith.constant 40 : i32
    %mul3A_92 = arith.constant 640 : i32
    %mul3A_93 = arith.muli %arg1, %mul3A_92 : i32
    %run_scoped3A_94 = arith.constant 9 : i32
    "tpu.region"() ({
      %run_scoped3A_165 = tpu.sem_alloc : memref<!tpu.dma_semaphore, #tpu.memory_space<semaphore_mem>>
      %dma_start3A = tpu.memref_slice %arg10[%run_scoped3A_94, %mul3A_93] : memref<16x10240xf32, #tpu.memory_space<vmem_shared>> -> memref<1x640xf32, #tpu.memory_space<vmem_shared>>
      %dma_start3A_166 = tpu.memref_squeeze %dma_start3A : memref<1x640xf32, #tpu.memory_space<vmem_shared>> -> memref<640xf32, #tpu.memory_space<vmem_shared>>
      %dma_start3A_167 = tpu.memref_slice %arg10[%run_scoped3A_94, %mul3A_93] : memref<16x10240xf32, #tpu.memory_space<vmem_shared>> -> memref<1x640xf32, #tpu.memory_space<vmem_shared>>
      %dma_start3A_168 = tpu.memref_squeeze %dma_start3A_167 : memref<1x640xf32, #tpu.memory_space<vmem_shared>> -> memref<640xf32, #tpu.memory_space<vmem_shared>>
      tpu.enqueue_dma source(%dma_start3A_168 : memref<640xf32, #tpu.memory_space<vmem_shared>>) target(%arg9 : memref<640xf32, #tpu.memory_space<vmem>>) target_semaphore(%run_scoped3A_165 : memref<!tpu.dma_semaphore, #tpu.memory_space<semaphore_mem>>)
      %dma_wait3A = tpu.memref_slice %arg10[%run_scoped3A_94, %mul3A_93] : memref<16x10240xf32, #tpu.memory_space<vmem_shared>> -> memref<1x640xf32, #tpu.memory_space<vmem_shared>>
      %dma_wait3A_169 = tpu.memref_squeeze %dma_wait3A : memref<1x640xf32, #tpu.memory_space<vmem_shared>> -> memref<640xf32, #tpu.memory_space<vmem_shared>>
      %dma_wait3A_170 = tpu.memref_slice %arg10[%run_scoped3A_94, %mul3A_93] : memref<16x10240xf32, #tpu.memory_space<vmem_shared>> -> memref<1x640xf32, #tpu.memory_space<vmem_shared>>
      %dma_wait3A_171 = tpu.memref_squeeze %dma_wait3A_170 : memref<1x640xf32, #tpu.memory_space<vmem_shared>> -> memref<640xf32, #tpu.memory_space<vmem_shared>>
      tpu.wait_dma2 semaphore(%run_scoped3A_165 : memref<!tpu.dma_semaphore, #tpu.memory_space<semaphore_mem>>) src(%dma_wait3A_171 : memref<640xf32, #tpu.memory_space<vmem_shared>>) dst(%arg9 : memref<640xf32, #tpu.memory_space<vmem>>)
      tpu.yield
    }) : () -> ()
    %scan3A_95 = arith.constant 0 : i32
    %scan3A_96 = arith.constant 0 : i32
    %scan3A_97 = arith.constant 40 : i32
    %scan3A_98 = arith.addi %scan3A_96, %scan3A_97 : i32
    %scan3A_99 = arith.constant 1 : i32
    scf.for %scan3A_165 = %scan3A_96 to %scan3A_98 step %scan3A_99  : i32 {
      %mul3A_166 = arith.constant 16 : i32
      %mul3A_167 = arith.muli %scan3A_165, %mul3A_166 : i32
      %get3A = arith.index_cast %mul3A_167 : i32 to index
      %get3A_168 = tpu.vector_load %arg8[%get3A] {strides = array<i32>} : memref<640xf32, #tpu.memory_space<vmem>>, vector<16xf32>,
      %mul3A_169 = arith.constant 16 : i32
      %mul3A_170 = arith.muli %scan3A_165, %mul3A_169 : i32
      %get3A_171 = arith.index_cast %mul3A_170 : i32 to index
      %get3A_172 = tpu.vector_load %arg9[%get3A_171] {strides = array<i32>} : memref<640xf32, #tpu.memory_space<vmem>>, vector<16xf32>,
      %add3A = arith.addf %get3A_168, %get3A_172 : vector<16xf32>
      %mul3A_173 = arith.constant 16 : i32
      %mul3A_174 = arith.muli %scan3A_165, %mul3A_173 : i32
      %swap3A = arith.index_cast %mul3A_174 : i32 to index
      %swap3A_175 = tpu.vector_load %arg8[%swap3A] {strides = array<i32>} : memref<640xf32, #tpu.memory_space<vmem>>, vector<16xf32>,
      tpu.vector_store %arg8[%swap3A], %add3A {strides = array<i32>} : memref<640xf32, #tpu.memory_space<vmem>>, vector<16xf32>,
    }
    %scan3A_100 = arith.constant 40 : i32
    %mul3A_101 = arith.constant 640 : i32
    %mul3A_102 = arith.muli %arg1, %mul3A_101 : i32
    %run_scoped3A_103 = arith.constant 10 : i32
    "tpu.region"() ({
      %run_scoped3A_165 = tpu.sem_alloc : memref<!tpu.dma_semaphore, #tpu.memory_space<semaphore_mem>>
      %dma_start3A = tpu.memref_slice %arg10[%run_scoped3A_103, %mul3A_102] : memref<16x10240xf32, #tpu.memory_space<vmem_shared>> -> memref<1x640xf32, #tpu.memory_space<vmem_shared>>
      %dma_start3A_166 = tpu.memref_squeeze %dma_start3A : memref<1x640xf32, #tpu.memory_space<vmem_shared>> -> memref<640xf32, #tpu.memory_space<vmem_shared>>
      %dma_start3A_167 = tpu.memref_slice %arg10[%run_scoped3A_103, %mul3A_102] : memref<16x10240xf32, #tpu.memory_space<vmem_shared>> -> memref<1x640xf32, #tpu.memory_space<vmem_shared>>
      %dma_start3A_168 = tpu.memref_squeeze %dma_start3A_167 : memref<1x640xf32, #tpu.memory_space<vmem_shared>> -> memref<640xf32, #tpu.memory_space<vmem_shared>>
      tpu.enqueue_dma source(%dma_start3A_168 : memref<640xf32, #tpu.memory_space<vmem_shared>>) target(%arg9 : memref<640xf32, #tpu.memory_space<vmem>>) target_semaphore(%run_scoped3A_165 : memref<!tpu.dma_semaphore, #tpu.memory_space<semaphore_mem>>)
      %dma_wait3A = tpu.memref_slice %arg10[%run_scoped3A_103, %mul3A_102] : memref<16x10240xf32, #tpu.memory_space<vmem_shared>> -> memref<1x640xf32, #tpu.memory_space<vmem_shared>>
      %dma_wait3A_169 = tpu.memref_squeeze %dma_wait3A : memref<1x640xf32, #tpu.memory_space<vmem_shared>> -> memref<640xf32, #tpu.memory_space<vmem_shared>>
      %dma_wait3A_170 = tpu.memref_slice %arg10[%run_scoped3A_103, %mul3A_102] : memref<16x10240xf32, #tpu.memory_space<vmem_shared>> -> memref<1x640xf32, #tpu.memory_space<vmem_shared>>
      %dma_wait3A_171 = tpu.memref_squeeze %dma_wait3A_170 : memref<1x640xf32, #tpu.memory_space<vmem_shared>> -> memref<640xf32, #tpu.memory_space<vmem_shared>>
      tpu.wait_dma2 semaphore(%run_scoped3A_165 : memref<!tpu.dma_semaphore, #tpu.memory_space<semaphore_mem>>) src(%dma_wait3A_171 : memref<640xf32, #tpu.memory_space<vmem_shared>>) dst(%arg9 : memref<640xf32, #tpu.memory_space<vmem>>)
      tpu.yield
    }) : () -> ()
    %scan3A_104 = arith.constant 0 : i32
    %scan3A_105 = arith.constant 0 : i32
    %scan3A_106 = arith.constant 40 : i32
    %scan3A_107 = arith.addi %scan3A_105, %scan3A_106 : i32
    %scan3A_108 = arith.constant 1 : i32
    scf.for %scan3A_165 = %scan3A_105 to %scan3A_107 step %scan3A_108  : i32 {
      %mul3A_166 = arith.constant 16 : i32
      %mul3A_167 = arith.muli %scan3A_165, %mul3A_166 : i32
      %get3A = arith.index_cast %mul3A_167 : i32 to index
      %get3A_168 = tpu.vector_load %arg8[%get3A] {strides = array<i32>} : memref<640xf32, #tpu.memory_space<vmem>>, vector<16xf32>,
      %mul3A_169 = arith.constant 16 : i32
      %mul3A_170 = arith.muli %scan3A_165, %mul3A_169 : i32
      %get3A_171 = arith.index_cast %mul3A_170 : i32 to index
      %get3A_172 = tpu.vector_load %arg9[%get3A_171] {strides = array<i32>} : memref<640xf32, #tpu.memory_space<vmem>>, vector<16xf32>,
      %add3A = arith.addf %get3A_168, %get3A_172 : vector<16xf32>
      %mul3A_173 = arith.constant 16 : i32
      %mul3A_174 = arith.muli %scan3A_165, %mul3A_173 : i32
      %swap3A = arith.index_cast %mul3A_174 : i32 to index
      %swap3A_175 = tpu.vector_load %arg8[%swap3A] {strides = array<i32>} : memref<640xf32, #tpu.memory_space<vmem>>, vector<16xf32>,
      tpu.vector_store %arg8[%swap3A], %add3A {strides = array<i32>} : memref<640xf32, #tpu.memory_space<vmem>>, vector<16xf32>,
    }
    %scan3A_109 = arith.constant 40 : i32
    %mul3A_110 = arith.constant 640 : i32
    %mul3A_111 = arith.muli %arg1, %mul3A_110 : i32
    %run_scoped3A_112 = arith.constant 11 : i32
    "tpu.region"() ({
      %run_scoped3A_165 = tpu.sem_alloc : memref<!tpu.dma_semaphore, #tpu.memory_space<semaphore_mem>>
      %dma_start3A = tpu.memref_slice %arg10[%run_scoped3A_112, %mul3A_111] : memref<16x10240xf32, #tpu.memory_space<vmem_shared>> -> memref<1x640xf32, #tpu.memory_space<vmem_shared>>
      %dma_start3A_166 = tpu.memref_squeeze %dma_start3A : memref<1x640xf32, #tpu.memory_space<vmem_shared>> -> memref<640xf32, #tpu.memory_space<vmem_shared>>
      %dma_start3A_167 = tpu.memref_slice %arg10[%run_scoped3A_112, %mul3A_111] : memref<16x10240xf32, #tpu.memory_space<vmem_shared>> -> memref<1x640xf32, #tpu.memory_space<vmem_shared>>
      %dma_start3A_168 = tpu.memref_squeeze %dma_start3A_167 : memref<1x640xf32, #tpu.memory_space<vmem_shared>> -> memref<640xf32, #tpu.memory_space<vmem_shared>>
      tpu.enqueue_dma source(%dma_start3A_168 : memref<640xf32, #tpu.memory_space<vmem_shared>>) target(%arg9 : memref<640xf32, #tpu.memory_space<vmem>>) target_semaphore(%run_scoped3A_165 : memref<!tpu.dma_semaphore, #tpu.memory_space<semaphore_mem>>)
      %dma_wait3A = tpu.memref_slice %arg10[%run_scoped3A_112, %mul3A_111] : memref<16x10240xf32, #tpu.memory_space<vmem_shared>> -> memref<1x640xf32, #tpu.memory_space<vmem_shared>>
      %dma_wait3A_169 = tpu.memref_squeeze %dma_wait3A : memref<1x640xf32, #tpu.memory_space<vmem_shared>> -> memref<640xf32, #tpu.memory_space<vmem_shared>>
      %dma_wait3A_170 = tpu.memref_slice %arg10[%run_scoped3A_112, %mul3A_111] : memref<16x10240xf32, #tpu.memory_space<vmem_shared>> -> memref<1x640xf32, #tpu.memory_space<vmem_shared>>
      %dma_wait3A_171 = tpu.memref_squeeze %dma_wait3A_170 : memref<1x640xf32, #tpu.memory_space<vmem_shared>> -> memref<640xf32, #tpu.memory_space<vmem_shared>>
      tpu.wait_dma2 semaphore(%run_scoped3A_165 : memref<!tpu.dma_semaphore, #tpu.memory_space<semaphore_mem>>) src(%dma_wait3A_171 : memref<640xf32, #tpu.memory_space<vmem_shared>>) dst(%arg9 : memref<640xf32, #tpu.memory_space<vmem>>)
      tpu.yield
    }) : () -> ()
    %scan3A_113 = arith.constant 0 : i32
    %scan3A_114 = arith.constant 0 : i32
    %scan3A_115 = arith.constant 40 : i32
    %scan3A_116 = arith.addi %scan3A_114, %scan3A_115 : i32
    %scan3A_117 = arith.constant 1 : i32
    scf.for %scan3A_165 = %scan3A_114 to %scan3A_116 step %scan3A_117  : i32 {
      %mul3A_166 = arith.constant 16 : i32
      %mul3A_167 = arith.muli %scan3A_165, %mul3A_166 : i32
      %get3A = arith.index_cast %mul3A_167 : i32 to index
      %get3A_168 = tpu.vector_load %arg8[%get3A] {strides = array<i32>} : memref<640xf32, #tpu.memory_space<vmem>>, vector<16xf32>,
      %mul3A_169 = arith.constant 16 : i32
      %mul3A_170 = arith.muli %scan3A_165, %mul3A_169 : i32
      %get3A_171 = arith.index_cast %mul3A_170 : i32 to index
      %get3A_172 = tpu.vector_load %arg9[%get3A_171] {strides = array<i32>} : memref<640xf32, #tpu.memory_space<vmem>>, vector<16xf32>,
      %add3A = arith.addf %get3A_168, %get3A_172 : vector<16xf32>
      %mul3A_173 = arith.constant 16 : i32
      %mul3A_174 = arith.muli %scan3A_165, %mul3A_173 : i32
      %swap3A = arith.index_cast %mul3A_174 : i32 to index
      %swap3A_175 = tpu.vector_load %arg8[%swap3A] {strides = array<i32>} : memref<640xf32, #tpu.memory_space<vmem>>, vector<16xf32>,
      tpu.vector_store %arg8[%swap3A], %add3A {strides = array<i32>} : memref<640xf32, #tpu.memory_space<vmem>>, vector<16xf32>,
    }
    %scan3A_118 = arith.constant 40 : i32
    %mul3A_119 = arith.constant 640 : i32
    %mul3A_120 = arith.muli %arg1, %mul3A_119 : i32
    %run_scoped3A_121 = arith.constant 12 : i32
    "tpu.region"() ({
      %run_scoped3A_165 = tpu.sem_alloc : memref<!tpu.dma_semaphore, #tpu.memory_space<semaphore_mem>>
      %dma_start3A = tpu.memref_slice %arg10[%run_scoped3A_121, %mul3A_120] : memref<16x10240xf32, #tpu.memory_space<vmem_shared>> -> memref<1x640xf32, #tpu.memory_space<vmem_shared>>
      %dma_start3A_166 = tpu.memref_squeeze %dma_start3A : memref<1x640xf32, #tpu.memory_space<vmem_shared>> -> memref<640xf32, #tpu.memory_space<vmem_shared>>
      %dma_start3A_167 = tpu.memref_slice %arg10[%run_scoped3A_121, %mul3A_120] : memref<16x10240xf32, #tpu.memory_space<vmem_shared>> -> memref<1x640xf32, #tpu.memory_space<vmem_shared>>
      %dma_start3A_168 = tpu.memref_squeeze %dma_start3A_167 : memref<1x640xf32, #tpu.memory_space<vmem_shared>> -> memref<640xf32, #tpu.memory_space<vmem_shared>>
      tpu.enqueue_dma source(%dma_start3A_168 : memref<640xf32, #tpu.memory_space<vmem_shared>>) target(%arg9 : memref<640xf32, #tpu.memory_space<vmem>>) target_semaphore(%run_scoped3A_165 : memref<!tpu.dma_semaphore, #tpu.memory_space<semaphore_mem>>)
      %dma_wait3A = tpu.memref_slice %arg10[%run_scoped3A_121, %mul3A_120] : memref<16x10240xf32, #tpu.memory_space<vmem_shared>> -> memref<1x640xf32, #tpu.memory_space<vmem_shared>>
      %dma_wait3A_169 = tpu.memref_squeeze %dma_wait3A : memref<1x640xf32, #tpu.memory_space<vmem_shared>> -> memref<640xf32, #tpu.memory_space<vmem_shared>>
      %dma_wait3A_170 = tpu.memref_slice %arg10[%run_scoped3A_121, %mul3A_120] : memref<16x10240xf32, #tpu.memory_space<vmem_shared>> -> memref<1x640xf32, #tpu.memory_space<vmem_shared>>
      %dma_wait3A_171 = tpu.memref_squeeze %dma_wait3A_170 : memref<1x640xf32, #tpu.memory_space<vmem_shared>> -> memref<640xf32, #tpu.memory_space<vmem_shared>>
      tpu.wait_dma2 semaphore(%run_scoped3A_165 : memref<!tpu.dma_semaphore, #tpu.memory_space<semaphore_mem>>) src(%dma_wait3A_171 : memref<640xf32, #tpu.memory_space<vmem_shared>>) dst(%arg9 : memref<640xf32, #tpu.memory_space<vmem>>)
      tpu.yield
    }) : () -> ()
    %scan3A_122 = arith.constant 0 : i32
    %scan3A_123 = arith.constant 0 : i32
    %scan3A_124 = arith.constant 40 : i32
    %scan3A_125 = arith.addi %scan3A_123, %scan3A_124 : i32
    %scan3A_126 = arith.constant 1 : i32
    scf.for %scan3A_165 = %scan3A_123 to %scan3A_125 step %scan3A_126  : i32 {
      %mul3A_166 = arith.constant 16 : i32
      %mul3A_167 = arith.muli %scan3A_165, %mul3A_166 : i32
      %get3A = arith.index_cast %mul3A_167 : i32 to index
      %get3A_168 = tpu.vector_load %arg8[%get3A] {strides = array<i32>} : memref<640xf32, #tpu.memory_space<vmem>>, vector<16xf32>,
      %mul3A_169 = arith.constant 16 : i32
      %mul3A_170 = arith.muli %scan3A_165, %mul3A_169 : i32
      %get3A_171 = arith.index_cast %mul3A_170 : i32 to index
      %get3A_172 = tpu.vector_load %arg9[%get3A_171] {strides = array<i32>} : memref<640xf32, #tpu.memory_space<vmem>>, vector<16xf32>,
      %add3A = arith.addf %get3A_168, %get3A_172 : vector<16xf32>
      %mul3A_173 = arith.constant 16 : i32
      %mul3A_174 = arith.muli %scan3A_165, %mul3A_173 : i32
      %swap3A = arith.index_cast %mul3A_174 : i32 to index
      %swap3A_175 = tpu.vector_load %arg8[%swap3A] {strides = array<i32>} : memref<640xf32, #tpu.memory_space<vmem>>, vector<16xf32>,
      tpu.vector_store %arg8[%swap3A], %add3A {strides = array<i32>} : memref<640xf32, #tpu.memory_space<vmem>>, vector<16xf32>,
    }
    %scan3A_127 = arith.constant 40 : i32
    %mul3A_128 = arith.constant 640 : i32
    %mul3A_129 = arith.muli %arg1, %mul3A_128 : i32
    %run_scoped3A_130 = arith.constant 13 : i32
    "tpu.region"() ({
      %run_scoped3A_165 = tpu.sem_alloc : memref<!tpu.dma_semaphore, #tpu.memory_space<semaphore_mem>>
      %dma_start3A = tpu.memref_slice %arg10[%run_scoped3A_130, %mul3A_129] : memref<16x10240xf32, #tpu.memory_space<vmem_shared>> -> memref<1x640xf32, #tpu.memory_space<vmem_shared>>
      %dma_start3A_166 = tpu.memref_squeeze %dma_start3A : memref<1x640xf32, #tpu.memory_space<vmem_shared>> -> memref<640xf32, #tpu.memory_space<vmem_shared>>
      %dma_start3A_167 = tpu.memref_slice %arg10[%run_scoped3A_130, %mul3A_129] : memref<16x10240xf32, #tpu.memory_space<vmem_shared>> -> memref<1x640xf32, #tpu.memory_space<vmem_shared>>
      %dma_start3A_168 = tpu.memref_squeeze %dma_start3A_167 : memref<1x640xf32, #tpu.memory_space<vmem_shared>> -> memref<640xf32, #tpu.memory_space<vmem_shared>>
      tpu.enqueue_dma source(%dma_start3A_168 : memref<640xf32, #tpu.memory_space<vmem_shared>>) target(%arg9 : memref<640xf32, #tpu.memory_space<vmem>>) target_semaphore(%run_scoped3A_165 : memref<!tpu.dma_semaphore, #tpu.memory_space<semaphore_mem>>)
      %dma_wait3A = tpu.memref_slice %arg10[%run_scoped3A_130, %mul3A_129] : memref<16x10240xf32, #tpu.memory_space<vmem_shared>> -> memref<1x640xf32, #tpu.memory_space<vmem_shared>>
      %dma_wait3A_169 = tpu.memref_squeeze %dma_wait3A : memref<1x640xf32, #tpu.memory_space<vmem_shared>> -> memref<640xf32, #tpu.memory_space<vmem_shared>>
      %dma_wait3A_170 = tpu.memref_slice %arg10[%run_scoped3A_130, %mul3A_129] : memref<16x10240xf32, #tpu.memory_space<vmem_shared>> -> memref<1x640xf32, #tpu.memory_space<vmem_shared>>
      %dma_wait3A_171 = tpu.memref_squeeze %dma_wait3A_170 : memref<1x640xf32, #tpu.memory_space<vmem_shared>> -> memref<640xf32, #tpu.memory_space<vmem_shared>>
      tpu.wait_dma2 semaphore(%run_scoped3A_165 : memref<!tpu.dma_semaphore, #tpu.memory_space<semaphore_mem>>) src(%dma_wait3A_171 : memref<640xf32, #tpu.memory_space<vmem_shared>>) dst(%arg9 : memref<640xf32, #tpu.memory_space<vmem>>)
      tpu.yield
    }) : () -> ()
    %scan3A_131 = arith.constant 0 : i32
    %scan3A_132 = arith.constant 0 : i32
    %scan3A_133 = arith.constant 40 : i32
    %scan3A_134 = arith.addi %scan3A_132, %scan3A_133 : i32
    %scan3A_135 = arith.constant 1 : i32
    scf.for %scan3A_165 = %scan3A_132 to %scan3A_134 step %scan3A_135  : i32 {
      %mul3A_166 = arith.constant 16 : i32
      %mul3A_167 = arith.muli %scan3A_165, %mul3A_166 : i32
      %get3A = arith.index_cast %mul3A_167 : i32 to index
      %get3A_168 = tpu.vector_load %arg8[%get3A] {strides = array<i32>} : memref<640xf32, #tpu.memory_space<vmem>>, vector<16xf32>,
      %mul3A_169 = arith.constant 16 : i32
      %mul3A_170 = arith.muli %scan3A_165, %mul3A_169 : i32
      %get3A_171 = arith.index_cast %mul3A_170 : i32 to index
      %get3A_172 = tpu.vector_load %arg9[%get3A_171] {strides = array<i32>} : memref<640xf32, #tpu.memory_space<vmem>>, vector<16xf32>,
      %add3A = arith.addf %get3A_168, %get3A_172 : vector<16xf32>
      %mul3A_173 = arith.constant 16 : i32
      %mul3A_174 = arith.muli %scan3A_165, %mul3A_173 : i32
      %swap3A = arith.index_cast %mul3A_174 : i32 to index
      %swap3A_175 = tpu.vector_load %arg8[%swap3A] {strides = array<i32>} : memref<640xf32, #tpu.memory_space<vmem>>, vector<16xf32>,
      tpu.vector_store %arg8[%swap3A], %add3A {strides = array<i32>} : memref<640xf32, #tpu.memory_space<vmem>>, vector<16xf32>,
    }
    %scan3A_136 = arith.constant 40 : i32
    %mul3A_137 = arith.constant 640 : i32
    %mul3A_138 = arith.muli %arg1, %mul3A_137 : i32
    %run_scoped3A_139 = arith.constant 14 : i32
    "tpu.region"() ({
      %run_scoped3A_165 = tpu.sem_alloc : memref<!tpu.dma_semaphore, #tpu.memory_space<semaphore_mem>>
      %dma_start3A = tpu.memref_slice %arg10[%run_scoped3A_139, %mul3A_138] : memref<16x10240xf32, #tpu.memory_space<vmem_shared>> -> memref<1x640xf32, #tpu.memory_space<vmem_shared>>
      %dma_start3A_166 = tpu.memref_squeeze %dma_start3A : memref<1x640xf32, #tpu.memory_space<vmem_shared>> -> memref<640xf32, #tpu.memory_space<vmem_shared>>
      %dma_start3A_167 = tpu.memref_slice %arg10[%run_scoped3A_139, %mul3A_138] : memref<16x10240xf32, #tpu.memory_space<vmem_shared>> -> memref<1x640xf32, #tpu.memory_space<vmem_shared>>
      %dma_start3A_168 = tpu.memref_squeeze %dma_start3A_167 : memref<1x640xf32, #tpu.memory_space<vmem_shared>> -> memref<640xf32, #tpu.memory_space<vmem_shared>>
      tpu.enqueue_dma source(%dma_start3A_168 : memref<640xf32, #tpu.memory_space<vmem_shared>>) target(%arg9 : memref<640xf32, #tpu.memory_space<vmem>>) target_semaphore(%run_scoped3A_165 : memref<!tpu.dma_semaphore, #tpu.memory_space<semaphore_mem>>)
      %dma_wait3A = tpu.memref_slice %arg10[%run_scoped3A_139, %mul3A_138] : memref<16x10240xf32, #tpu.memory_space<vmem_shared>> -> memref<1x640xf32, #tpu.memory_space<vmem_shared>>
      %dma_wait3A_169 = tpu.memref_squeeze %dma_wait3A : memref<1x640xf32, #tpu.memory_space<vmem_shared>> -> memref<640xf32, #tpu.memory_space<vmem_shared>>
      %dma_wait3A_170 = tpu.memref_slice %arg10[%run_scoped3A_139, %mul3A_138] : memref<16x10240xf32, #tpu.memory_space<vmem_shared>> -> memref<1x640xf32, #tpu.memory_space<vmem_shared>>
      %dma_wait3A_171 = tpu.memref_squeeze %dma_wait3A_170 : memref<1x640xf32, #tpu.memory_space<vmem_shared>> -> memref<640xf32, #tpu.memory_space<vmem_shared>>
      tpu.wait_dma2 semaphore(%run_scoped3A_165 : memref<!tpu.dma_semaphore, #tpu.memory_space<semaphore_mem>>) src(%dma_wait3A_171 : memref<640xf32, #tpu.memory_space<vmem_shared>>) dst(%arg9 : memref<640xf32, #tpu.memory_space<vmem>>)
      tpu.yield
    }) : () -> ()
    %scan3A_140 = arith.constant 0 : i32
    %scan3A_141 = arith.constant 0 : i32
    %scan3A_142 = arith.constant 40 : i32
    %scan3A_143 = arith.addi %scan3A_141, %scan3A_142 : i32
    %scan3A_144 = arith.constant 1 : i32
    scf.for %scan3A_165 = %scan3A_141 to %scan3A_143 step %scan3A_144  : i32 {
      %mul3A_166 = arith.constant 16 : i32
      %mul3A_167 = arith.muli %scan3A_165, %mul3A_166 : i32
      %get3A = arith.index_cast %mul3A_167 : i32 to index
      %get3A_168 = tpu.vector_load %arg8[%get3A] {strides = array<i32>} : memref<640xf32, #tpu.memory_space<vmem>>, vector<16xf32>,
      %mul3A_169 = arith.constant 16 : i32
      %mul3A_170 = arith.muli %scan3A_165, %mul3A_169 : i32
      %get3A_171 = arith.index_cast %mul3A_170 : i32 to index
      %get3A_172 = tpu.vector_load %arg9[%get3A_171] {strides = array<i32>} : memref<640xf32, #tpu.memory_space<vmem>>, vector<16xf32>,
      %add3A = arith.addf %get3A_168, %get3A_172 : vector<16xf32>
      %mul3A_173 = arith.constant 16 : i32
      %mul3A_174 = arith.muli %scan3A_165, %mul3A_173 : i32
      %swap3A = arith.index_cast %mul3A_174 : i32 to index
      %swap3A_175 = tpu.vector_load %arg8[%swap3A] {strides = array<i32>} : memref<640xf32, #tpu.memory_space<vmem>>, vector<16xf32>,
      tpu.vector_store %arg8[%swap3A], %add3A {strides = array<i32>} : memref<640xf32, #tpu.memory_space<vmem>>, vector<16xf32>,
    }
    %scan3A_145 = arith.constant 40 : i32
    %mul3A_146 = arith.constant 640 : i32
    %mul3A_147 = arith.muli %arg1, %mul3A_146 : i32
    %run_scoped3A_148 = arith.constant 15 : i32
    "tpu.region"() ({
      %run_scoped3A_165 = tpu.sem_alloc : memref<!tpu.dma_semaphore, #tpu.memory_space<semaphore_mem>>
      %dma_start3A = tpu.memref_slice %arg10[%run_scoped3A_148, %mul3A_147] : memref<16x10240xf32, #tpu.memory_space<vmem_shared>> -> memref<1x640xf32, #tpu.memory_space<vmem_shared>>
      %dma_start3A_166 = tpu.memref_squeeze %dma_start3A : memref<1x640xf32, #tpu.memory_space<vmem_shared>> -> memref<640xf32, #tpu.memory_space<vmem_shared>>
      %dma_start3A_167 = tpu.memref_slice %arg10[%run_scoped3A_148, %mul3A_147] : memref<16x10240xf32, #tpu.memory_space<vmem_shared>> -> memref<1x640xf32, #tpu.memory_space<vmem_shared>>
      %dma_start3A_168 = tpu.memref_squeeze %dma_start3A_167 : memref<1x640xf32, #tpu.memory_space<vmem_shared>> -> memref<640xf32, #tpu.memory_space<vmem_shared>>
      tpu.enqueue_dma source(%dma_start3A_168 : memref<640xf32, #tpu.memory_space<vmem_shared>>) target(%arg9 : memref<640xf32, #tpu.memory_space<vmem>>) target_semaphore(%run_scoped3A_165 : memref<!tpu.dma_semaphore, #tpu.memory_space<semaphore_mem>>)
      %dma_wait3A = tpu.memref_slice %arg10[%run_scoped3A_148, %mul3A_147] : memref<16x10240xf32, #tpu.memory_space<vmem_shared>> -> memref<1x640xf32, #tpu.memory_space<vmem_shared>>
      %dma_wait3A_169 = tpu.memref_squeeze %dma_wait3A : memref<1x640xf32, #tpu.memory_space<vmem_shared>> -> memref<640xf32, #tpu.memory_space<vmem_shared>>
      %dma_wait3A_170 = tpu.memref_slice %arg10[%run_scoped3A_148, %mul3A_147] : memref<16x10240xf32, #tpu.memory_space<vmem_shared>> -> memref<1x640xf32, #tpu.memory_space<vmem_shared>>
      %dma_wait3A_171 = tpu.memref_squeeze %dma_wait3A_170 : memref<1x640xf32, #tpu.memory_space<vmem_shared>> -> memref<640xf32, #tpu.memory_space<vmem_shared>>
      tpu.wait_dma2 semaphore(%run_scoped3A_165 : memref<!tpu.dma_semaphore, #tpu.memory_space<semaphore_mem>>) src(%dma_wait3A_171 : memref<640xf32, #tpu.memory_space<vmem_shared>>) dst(%arg9 : memref<640xf32, #tpu.memory_space<vmem>>)
      tpu.yield
    }) : () -> ()
    %scan3A_149 = arith.constant 0 : i32
    %scan3A_150 = arith.constant 0 : i32
    %scan3A_151 = arith.constant 40 : i32
    %scan3A_152 = arith.addi %scan3A_150, %scan3A_151 : i32
    %scan3A_153 = arith.constant 1 : i32
    scf.for %scan3A_165 = %scan3A_150 to %scan3A_152 step %scan3A_153  : i32 {
      %mul3A_166 = arith.constant 16 : i32
      %mul3A_167 = arith.muli %scan3A_165, %mul3A_166 : i32
      %get3A = arith.index_cast %mul3A_167 : i32 to index
      %get3A_168 = tpu.vector_load %arg8[%get3A] {strides = array<i32>} : memref<640xf32, #tpu.memory_space<vmem>>, vector<16xf32>,
      %mul3A_169 = arith.constant 16 : i32
      %mul3A_170 = arith.muli %scan3A_165, %mul3A_169 : i32
      %get3A_171 = arith.index_cast %mul3A_170 : i32 to index
      %get3A_172 = tpu.vector_load %arg9[%get3A_171] {strides = array<i32>} : memref<640xf32, #tpu.memory_space<vmem>>, vector<16xf32>,
      %add3A = arith.addf %get3A_168, %get3A_172 : vector<16xf32>
      %mul3A_173 = arith.constant 16 : i32
      %mul3A_174 = arith.muli %scan3A_165, %mul3A_173 : i32
      %swap3A = arith.index_cast %mul3A_174 : i32 to index
      %swap3A_175 = tpu.vector_load %arg8[%swap3A] {strides = array<i32>} : memref<640xf32, #tpu.memory_space<vmem>>, vector<16xf32>,
      tpu.vector_store %arg8[%swap3A], %add3A {strides = array<i32>} : memref<640xf32, #tpu.memory_space<vmem>>, vector<16xf32>,
    }
    %scan3A_154 = arith.constant 40 : i32
    %eq3A_155 = arith.constant 0 : i32
    %eq3A_156 = arith.cmpi eq, %arg0, %eq3A_155 : i32
    %convert_element_type3A_157 = arith.extui %eq3A_156 : i1 to i32
    %cond3A_158 = arith.constant 0 : i32
    %cond3A_159 = arith.cmpi ne, %convert_element_type3A_157, %cond3A_158 : i32
    scf.if %cond3A_159 {
      %mul3A_165 = arith.constant 640 : i32
      %mul3A_166 = arith.muli %arg1, %mul3A_165 : i32
      "tpu.region"() ({
        %run_scoped3A_167 = tpu.sem_alloc : memref<!tpu.dma_semaphore, #tpu.memory_space<semaphore_mem>>
        %dma_start3A = tpu.memref_slice %arg4[%mul3A_166] : memref<10240xf32, #tpu.memory_space<hbm>> -> memref<640xf32, #tpu.memory_space<hbm>>
        %dma_start3A_168 = tpu.memref_slice %arg4[%mul3A_166] : memref<10240xf32, #tpu.memory_space<hbm>> -> memref<640xf32, #tpu.memory_space<hbm>>
        tpu.enqueue_dma source(%arg8 : memref<640xf32, #tpu.memory_space<vmem>>) target(%dma_start3A_168 : memref<640xf32, #tpu.memory_space<hbm>>) target_semaphore(%run_scoped3A_167 : memref<!tpu.dma_semaphore, #tpu.memory_space<semaphore_mem>>)
        %dma_wait3A = tpu.memref_slice %arg4[%mul3A_166] : memref<10240xf32, #tpu.memory_space<hbm>> -> memref<640xf32, #tpu.memory_space<hbm>>
        %dma_wait3A_169 = tpu.memref_slice %arg4[%mul3A_166] : memref<10240xf32, #tpu.memory_space<hbm>> -> memref<640xf32, #tpu.memory_space<hbm>>
        tpu.wait_dma2 semaphore(%run_scoped3A_167 : memref<!tpu.dma_semaphore, #tpu.memory_space<semaphore_mem>>) src(%arg8 : memref<640xf32, #tpu.memory_space<vmem>>) dst(%dma_wait3A_169 : memref<640xf32, #tpu.memory_space<hbm>>)
        tpu.yield
      }) : () -> ()
    } else {
    }
    %eq3A_160 = arith.constant 1 : i32
    %eq3A_161 = arith.cmpi eq, %arg0, %eq3A_160 : i32
    %convert_element_type3A_162 = arith.extui %eq3A_161 : i1 to i32
    %cond3A_163 = arith.constant 0 : i32
    %cond3A_164 = arith.cmpi ne, %convert_element_type3A_162, %cond3A_163 : i32
    scf.if %cond3A_164 {
      %mul3A_165 = arith.constant 640 : i32
      %mul3A_166 = arith.muli %arg1, %mul3A_165 : i32
      "tpu.region"() ({
        %run_scoped3A_167 = tpu.sem_alloc : memref<!tpu.dma_semaphore, #tpu.memory_space<semaphore_mem>>
        %dma_start3A = tpu.memref_slice %arg5[%mul3A_166] : memref<10240xf32, #tpu.memory_space<hbm>> -> memref<640xf32, #tpu.memory_space<hbm>>
        %dma_start3A_168 = tpu.memref_slice %arg5[%mul3A_166] : memref<10240xf32, #tpu.memory_space<hbm>> -> memref<640xf32, #tpu.memory_space<hbm>>
        tpu.enqueue_dma source(%arg8 : memref<640xf32, #tpu.memory_space<vmem>>) target(%dma_start3A_168 : memref<640xf32, #tpu.memory_space<hbm>>) target_semaphore(%run_scoped3A_167 : memref<!tpu.dma_semaphore, #tpu.memory_space<semaphore_mem>>)
        %dma_wait3A = tpu.memref_slice %arg5[%mul3A_166] : memref<10240xf32, #tpu.memory_space<hbm>> -> memref<640xf32, #tpu.memory_space<hbm>>
        %dma_wait3A_169 = tpu.memref_slice %arg5[%mul3A_166] : memref<10240xf32, #tpu.memory_space<hbm>> -> memref<640xf32, #tpu.memory_space<hbm>>
        tpu.wait_dma2 semaphore(%run_scoped3A_167 : memref<!tpu.dma_semaphore, #tpu.memory_space<semaphore_mem>>) src(%arg8 : memref<640xf32, #tpu.memory_space<vmem>>) dst(%dma_wait3A_169 : memref<640xf32, #tpu.memory_space<hbm>>)
        tpu.yield
      }) : () -> ()
    } else {
    }
    return
  }
}

#map = affine_map<(d0, d1) -> (0, 0)>
#map1 = affine_map<(d0, d1) -> (0, 0, 0)>
module attributes {stable_mosaic.version = 14 : i64} {
  func.func @sc_aggregate(%arg0: i32, %arg1: i32, %arg2: memref<10000x128xf32, #tpu.memory_space<hbm>>, %arg3: memref<32x10000xi32, #tpu.memory_space<hbm>>, %arg4: memref<4000x80xi32, #tpu.memory_space<hbm>>, %arg5: memref<2x10240x128xf32, #tpu.memory_space<hbm>>, %arg6: memref<10000xi32, #tpu.memory_space<vmem>>, %arg7: memref<80xi32, #tpu.memory_space<vmem>>, %arg8: memref<80xi32, #tpu.memory_space<vmem>>, %arg9: memref<80x128xf32, #tpu.memory_space<vmem>>, %arg10: memref<80x128xf32, #tpu.memory_space<vmem>>, %arg11: memref<80x128xf32, #tpu.memory_space<vmem>>, %arg12: memref<10240x128xf32, #tpu.memory_space<vmem_shared>>, %arg13: memref<!tpu.dma_semaphore, #tpu.memory_space<semaphore_mem>>, %arg14: memref<!tpu.dma_semaphore, #tpu.memory_space<semaphore_mem>>, %arg15: memref<!tpu.dma_semaphore, #tpu.memory_space<semaphore_mem>>, %arg16: memref<!tpu.dma_semaphore, #tpu.memory_space<semaphore_mem>>) attributes {dimension_semantics = [#tpu.dimension_semantics<core_parallel>, #tpu.dimension_semantics<subcore_parallel>], iteration_bounds = array<i64: 2, 16>, scalar_prefetch = 0 : i64, scratch_operands = 11 : i64, tpu.core_type = #tpu.core_type<sc_vector_subcore>, window_params = [{transform_indices = #map}, {transform_indices = #map}, {transform_indices = #map}, {transform_indices = #map1}]} {
    %mul3A = arith.constant 16 : i32
    %mul3A_0 = arith.muli %arg0, %mul3A : i32
    %add3A = arith.addi %mul3A_0, %arg1 : i32
    %scan3A = arith.constant 0 : i32
    %scan3A_1 = arith.constant 0 : i32
    %scan3A_2 = arith.constant 640 : i32
    %scan3A_3 = arith.addi %scan3A_1, %scan3A_2 : i32
    %scan3A_4 = arith.constant 1 : i32
    scf.for %scan3A_77 = %scan3A_1 to %scan3A_3 step %scan3A_4  : i32 {
      %broadcast_in_dim3A = arith.constant 0.000000e+00 : f32
      %broadcast_in_dim3A_78 = vector.broadcast %broadcast_in_dim3A : f32 to vector<16xf32>
      %jit3A = arith.constant 8 : i32
      %div3A = arith.divsi %scan3A_77, %jit3A : i32
      %sign3A = arith.constant 0 : i32
      %sign3A_79 = arith.cmpi sgt, %scan3A_77, %sign3A : i32
      %sign3A_80 = arith.extui %sign3A_79 : i1 to i32
      %sign3A_81 = arith.constant 0 : i32
      %sign3A_82 = arith.cmpi slt, %scan3A_77, %sign3A_81 : i32
      %sign3A_83 = arith.extui %sign3A_82 : i1 to i32
      %sign3A_84 = arith.subi %sign3A_80, %sign3A_83 : i32
      %sign3A_85 = arith.constant 0 : i32
      %sign3A_86 = arith.cmpi sgt, %jit3A, %sign3A_85 : i32
      %sign3A_87 = arith.extui %sign3A_86 : i1 to i32
      %sign3A_88 = arith.constant 0 : i32
      %sign3A_89 = arith.cmpi slt, %jit3A, %sign3A_88 : i32
      %sign3A_90 = arith.extui %sign3A_89 : i1 to i32
      %sign3A_91 = arith.subi %sign3A_87, %sign3A_90 : i32
      %ne3A = arith.cmpi ne, %sign3A_84, %sign3A_91 : i32
      %rem3A = arith.remsi %scan3A_77, %jit3A : i32
      %ne3A_92 = arith.constant 0 : i32
      %ne3A_93 = arith.cmpi ne, %rem3A, %ne3A_92 : i32
      %and3A = arith.andi %ne3A, %ne3A_93 : i1
      %sub3A = arith.constant 1 : i32
      %sub3A_94 = arith.subi %div3A, %sub3A : i32
      %select_n3A = arith.select %and3A, %sub3A_94, %div3A : i32
      %jit3A_95 = arith.constant 8 : i32
      %eq3A = arith.constant 0 : i32
      %eq3A_96 = arith.cmpi eq, %jit3A_95, %eq3A : i32
      %jit3A_97 = arith.constant 1 : i32
      %select_n3A_98 = arith.select %eq3A_96, %jit3A_97, %jit3A_95 : i32
      %rem3A_99 = arith.remsi %scan3A_77, %select_n3A_98 : i32
      %ne3A_100 = arith.constant 0 : i32
      %ne3A_101 = arith.cmpi ne, %rem3A_99, %ne3A_100 : i32
      %lt3A = arith.constant 0 : i32
      %lt3A_102 = arith.cmpi slt, %rem3A_99, %lt3A : i32
      %lt3A_103 = arith.constant 0 : i32
      %lt3A_104 = arith.cmpi slt, %select_n3A_98, %lt3A_103 : i32
      %ne3A_105 = arith.xori %lt3A_102, %lt3A_104 : i1
      %and3A_106 = arith.andi %ne3A_105, %ne3A_101 : i1
      %add3A_107 = arith.addi %rem3A_99, %select_n3A_98 : i32
      %select_n3A_108 = arith.select %and3A_106, %add3A_107, %rem3A_99 : i32
      %mul3A_109 = arith.constant 16 : i32
      %mul3A_110 = arith.muli %select_n3A_108, %mul3A_109 : i32
      %swap3A = arith.index_cast %select_n3A : i32 to index
      %swap3A_111 = arith.index_cast %mul3A_110 : i32 to index
      %swap3A_112 = tpu.vector_load %arg11[%swap3A, %swap3A_111] {strides = array<i32>} : memref<80x128xf32, #tpu.memory_space<vmem>>, vector<1x16xf32>,
      %swap3A_113 = vector.shape_cast %swap3A_112 : vector<1x16xf32> to vector<16xf32>
      %swap3A_114 = vector.shape_cast %broadcast_in_dim3A_78 : vector<16xf32> to vector<1x16xf32>
      tpu.vector_store %arg11[%swap3A, %swap3A_111], %swap3A_114 {strides = array<i32>} : memref<80x128xf32, #tpu.memory_space<vmem>>, vector<1x16xf32>,
    }
    %scan3A_5 = arith.constant 640 : i32
    "tpu.region"() ({
      %run_scoped3A = tpu.sem_alloc : memref<!tpu.dma_semaphore, #tpu.memory_space<semaphore_mem>>
      %dma_start3A_77 = arith.constant 0 : i32
      %dma_start3A_78 = tpu.memref_slice %arg3[%add3A, %dma_start3A_77] : memref<32x10000xi32, #tpu.memory_space<hbm>> -> memref<1x10000xi32, #tpu.memory_space<hbm>>
      %dma_start3A_79 = tpu.memref_squeeze %dma_start3A_78 : memref<1x10000xi32, #tpu.memory_space<hbm>> -> memref<10000xi32, #tpu.memory_space<hbm>>
      %dma_start3A_80 = arith.constant 0 : i32
      %dma_start3A_81 = tpu.memref_slice %arg3[%add3A, %dma_start3A_80] : memref<32x10000xi32, #tpu.memory_space<hbm>> -> memref<1x10000xi32, #tpu.memory_space<hbm>>
      %dma_start3A_82 = tpu.memref_squeeze %dma_start3A_81 : memref<1x10000xi32, #tpu.memory_space<hbm>> -> memref<10000xi32, #tpu.memory_space<hbm>>
      tpu.enqueue_dma source(%dma_start3A_82 : memref<10000xi32, #tpu.memory_space<hbm>>) target(%arg6 : memref<10000xi32, #tpu.memory_space<vmem>>) target_semaphore(%run_scoped3A : memref<!tpu.dma_semaphore, #tpu.memory_space<semaphore_mem>>)
      %dma_wait3A_83 = arith.constant 0 : i32
      %dma_wait3A_84 = tpu.memref_slice %arg3[%add3A, %dma_wait3A_83] : memref<32x10000xi32, #tpu.memory_space<hbm>> -> memref<1x10000xi32, #tpu.memory_space<hbm>>
      %dma_wait3A_85 = tpu.memref_squeeze %dma_wait3A_84 : memref<1x10000xi32, #tpu.memory_space<hbm>> -> memref<10000xi32, #tpu.memory_space<hbm>>
      %dma_wait3A_86 = arith.constant 0 : i32
      %dma_wait3A_87 = tpu.memref_slice %arg3[%add3A, %dma_wait3A_86] : memref<32x10000xi32, #tpu.memory_space<hbm>> -> memref<1x10000xi32, #tpu.memory_space<hbm>>
      %dma_wait3A_88 = tpu.memref_squeeze %dma_wait3A_87 : memref<1x10000xi32, #tpu.memory_space<hbm>> -> memref<10000xi32, #tpu.memory_space<hbm>>
      tpu.wait_dma2 semaphore(%run_scoped3A : memref<!tpu.dma_semaphore, #tpu.memory_space<semaphore_mem>>) src(%dma_wait3A_88 : memref<10000xi32, #tpu.memory_space<hbm>>) dst(%arg6 : memref<10000xi32, #tpu.memory_space<vmem>>)
      tpu.yield
    }) : () -> ()
    %mul3A_6 = arith.constant 640 : i32
    %mul3A_7 = arith.muli %arg1, %mul3A_6 : i32
    %add3A_8 = arith.constant 0 : i32
    %add3A_9 = arith.addi %mul3A_7, %add3A_8 : i32
    "tpu.region"() ({
      %run_scoped3A = tpu.sem_alloc : memref<!tpu.dma_semaphore, #tpu.memory_space<semaphore_mem>>
      %dma_start3A_77 = arith.constant 0 : i32
      %dma_start3A_78 = tpu.memref_slice %arg12[%add3A_9, %dma_start3A_77] : memref<10240x128xf32, #tpu.memory_space<vmem_shared>> -> memref<80x128xf32, #tpu.memory_space<vmem_shared>>
      %dma_start3A_79 = arith.constant 0 : i32
      %dma_start3A_80 = tpu.memref_slice %arg12[%add3A_9, %dma_start3A_79] : memref<10240x128xf32, #tpu.memory_space<vmem_shared>> -> memref<80x128xf32, #tpu.memory_space<vmem_shared>>
      tpu.enqueue_dma source(%arg11 : memref<80x128xf32, #tpu.memory_space<vmem>>) target(%dma_start3A_80 : memref<80x128xf32, #tpu.memory_space<vmem_shared>>) target_semaphore(%run_scoped3A : memref<!tpu.dma_semaphore, #tpu.memory_space<semaphore_mem>>)
      %dma_wait3A_81 = arith.constant 0 : i32
      %dma_wait3A_82 = tpu.memref_slice %arg12[%add3A_9, %dma_wait3A_81] : memref<10240x128xf32, #tpu.memory_space<vmem_shared>> -> memref<80x128xf32, #tpu.memory_space<vmem_shared>>
      %dma_wait3A_83 = arith.constant 0 : i32
      %dma_wait3A_84 = tpu.memref_slice %arg12[%add3A_9, %dma_wait3A_83] : memref<10240x128xf32, #tpu.memory_space<vmem_shared>> -> memref<80x128xf32, #tpu.memory_space<vmem_shared>>
      tpu.wait_dma2 semaphore(%run_scoped3A : memref<!tpu.dma_semaphore, #tpu.memory_space<semaphore_mem>>) src(%arg11 : memref<80x128xf32, #tpu.memory_space<vmem>>) dst(%dma_wait3A_84 : memref<80x128xf32, #tpu.memory_space<vmem_shared>>)
      tpu.yield
    }) : () -> ()
    %mul3A_10 = arith.constant 640 : i32
    %mul3A_11 = arith.muli %arg1, %mul3A_10 : i32
    %add3A_12 = arith.constant 80 : i32
    %add3A_13 = arith.addi %mul3A_11, %add3A_12 : i32
    "tpu.region"() ({
      %run_scoped3A = tpu.sem_alloc : memref<!tpu.dma_semaphore, #tpu.memory_space<semaphore_mem>>
      %dma_start3A_77 = arith.constant 0 : i32
      %dma_start3A_78 = tpu.memref_slice %arg12[%add3A_13, %dma_start3A_77] : memref<10240x128xf32, #tpu.memory_space<vmem_shared>> -> memref<80x128xf32, #tpu.memory_space<vmem_shared>>
      %dma_start3A_79 = arith.constant 0 : i32
      %dma_start3A_80 = tpu.memref_slice %arg12[%add3A_13, %dma_start3A_79] : memref<10240x128xf32, #tpu.memory_space<vmem_shared>> -> memref<80x128xf32, #tpu.memory_space<vmem_shared>>
      tpu.enqueue_dma source(%arg11 : memref<80x128xf32, #tpu.memory_space<vmem>>) target(%dma_start3A_80 : memref<80x128xf32, #tpu.memory_space<vmem_shared>>) target_semaphore(%run_scoped3A : memref<!tpu.dma_semaphore, #tpu.memory_space<semaphore_mem>>)
      %dma_wait3A_81 = arith.constant 0 : i32
      %dma_wait3A_82 = tpu.memref_slice %arg12[%add3A_13, %dma_wait3A_81] : memref<10240x128xf32, #tpu.memory_space<vmem_shared>> -> memref<80x128xf32, #tpu.memory_space<vmem_shared>>
      %dma_wait3A_83 = arith.constant 0 : i32
      %dma_wait3A_84 = tpu.memref_slice %arg12[%add3A_13, %dma_wait3A_83] : memref<10240x128xf32, #tpu.memory_space<vmem_shared>> -> memref<80x128xf32, #tpu.memory_space<vmem_shared>>
      tpu.wait_dma2 semaphore(%run_scoped3A : memref<!tpu.dma_semaphore, #tpu.memory_space<semaphore_mem>>) src(%arg11 : memref<80x128xf32, #tpu.memory_space<vmem>>) dst(%dma_wait3A_84 : memref<80x128xf32, #tpu.memory_space<vmem_shared>>)
      tpu.yield
    }) : () -> ()
    %mul3A_14 = arith.constant 640 : i32
    %mul3A_15 = arith.muli %arg1, %mul3A_14 : i32
    %add3A_16 = arith.constant 160 : i32
    %add3A_17 = arith.addi %mul3A_15, %add3A_16 : i32
    "tpu.region"() ({
      %run_scoped3A = tpu.sem_alloc : memref<!tpu.dma_semaphore, #tpu.memory_space<semaphore_mem>>
      %dma_start3A_77 = arith.constant 0 : i32
      %dma_start3A_78 = tpu.memref_slice %arg12[%add3A_17, %dma_start3A_77] : memref<10240x128xf32, #tpu.memory_space<vmem_shared>> -> memref<80x128xf32, #tpu.memory_space<vmem_shared>>
      %dma_start3A_79 = arith.constant 0 : i32
      %dma_start3A_80 = tpu.memref_slice %arg12[%add3A_17, %dma_start3A_79] : memref<10240x128xf32, #tpu.memory_space<vmem_shared>> -> memref<80x128xf32, #tpu.memory_space<vmem_shared>>
      tpu.enqueue_dma source(%arg11 : memref<80x128xf32, #tpu.memory_space<vmem>>) target(%dma_start3A_80 : memref<80x128xf32, #tpu.memory_space<vmem_shared>>) target_semaphore(%run_scoped3A : memref<!tpu.dma_semaphore, #tpu.memory_space<semaphore_mem>>)
      %dma_wait3A_81 = arith.constant 0 : i32
      %dma_wait3A_82 = tpu.memref_slice %arg12[%add3A_17, %dma_wait3A_81] : memref<10240x128xf32, #tpu.memory_space<vmem_shared>> -> memref<80x128xf32, #tpu.memory_space<vmem_shared>>
      %dma_wait3A_83 = arith.constant 0 : i32
      %dma_wait3A_84 = tpu.memref_slice %arg12[%add3A_17, %dma_wait3A_83] : memref<10240x128xf32, #tpu.memory_space<vmem_shared>> -> memref<80x128xf32, #tpu.memory_space<vmem_shared>>
      tpu.wait_dma2 semaphore(%run_scoped3A : memref<!tpu.dma_semaphore, #tpu.memory_space<semaphore_mem>>) src(%arg11 : memref<80x128xf32, #tpu.memory_space<vmem>>) dst(%dma_wait3A_84 : memref<80x128xf32, #tpu.memory_space<vmem_shared>>)
      tpu.yield
    }) : () -> ()
    %mul3A_18 = arith.constant 640 : i32
    %mul3A_19 = arith.muli %arg1, %mul3A_18 : i32
    %add3A_20 = arith.constant 240 : i32
    %add3A_21 = arith.addi %mul3A_19, %add3A_20 : i32
    "tpu.region"() ({
      %run_scoped3A = tpu.sem_alloc : memref<!tpu.dma_semaphore, #tpu.memory_space<semaphore_mem>>
      %dma_start3A_77 = arith.constant 0 : i32
      %dma_start3A_78 = tpu.memref_slice %arg12[%add3A_21, %dma_start3A_77] : memref<10240x128xf32, #tpu.memory_space<vmem_shared>> -> memref<80x128xf32, #tpu.memory_space<vmem_shared>>
      %dma_start3A_79 = arith.constant 0 : i32
      %dma_start3A_80 = tpu.memref_slice %arg12[%add3A_21, %dma_start3A_79] : memref<10240x128xf32, #tpu.memory_space<vmem_shared>> -> memref<80x128xf32, #tpu.memory_space<vmem_shared>>
      tpu.enqueue_dma source(%arg11 : memref<80x128xf32, #tpu.memory_space<vmem>>) target(%dma_start3A_80 : memref<80x128xf32, #tpu.memory_space<vmem_shared>>) target_semaphore(%run_scoped3A : memref<!tpu.dma_semaphore, #tpu.memory_space<semaphore_mem>>)
      %dma_wait3A_81 = arith.constant 0 : i32
      %dma_wait3A_82 = tpu.memref_slice %arg12[%add3A_21, %dma_wait3A_81] : memref<10240x128xf32, #tpu.memory_space<vmem_shared>> -> memref<80x128xf32, #tpu.memory_space<vmem_shared>>
      %dma_wait3A_83 = arith.constant 0 : i32
      %dma_wait3A_84 = tpu.memref_slice %arg12[%add3A_21, %dma_wait3A_83] : memref<10240x128xf32, #tpu.memory_space<vmem_shared>> -> memref<80x128xf32, #tpu.memory_space<vmem_shared>>
      tpu.wait_dma2 semaphore(%run_scoped3A : memref<!tpu.dma_semaphore, #tpu.memory_space<semaphore_mem>>) src(%arg11 : memref<80x128xf32, #tpu.memory_space<vmem>>) dst(%dma_wait3A_84 : memref<80x128xf32, #tpu.memory_space<vmem_shared>>)
      tpu.yield
    }) : () -> ()
    %mul3A_22 = arith.constant 640 : i32
    %mul3A_23 = arith.muli %arg1, %mul3A_22 : i32
    %add3A_24 = arith.constant 320 : i32
    %add3A_25 = arith.addi %mul3A_23, %add3A_24 : i32
    "tpu.region"() ({
      %run_scoped3A = tpu.sem_alloc : memref<!tpu.dma_semaphore, #tpu.memory_space<semaphore_mem>>
      %dma_start3A_77 = arith.constant 0 : i32
      %dma_start3A_78 = tpu.memref_slice %arg12[%add3A_25, %dma_start3A_77] : memref<10240x128xf32, #tpu.memory_space<vmem_shared>> -> memref<80x128xf32, #tpu.memory_space<vmem_shared>>
      %dma_start3A_79 = arith.constant 0 : i32
      %dma_start3A_80 = tpu.memref_slice %arg12[%add3A_25, %dma_start3A_79] : memref<10240x128xf32, #tpu.memory_space<vmem_shared>> -> memref<80x128xf32, #tpu.memory_space<vmem_shared>>
      tpu.enqueue_dma source(%arg11 : memref<80x128xf32, #tpu.memory_space<vmem>>) target(%dma_start3A_80 : memref<80x128xf32, #tpu.memory_space<vmem_shared>>) target_semaphore(%run_scoped3A : memref<!tpu.dma_semaphore, #tpu.memory_space<semaphore_mem>>)
      %dma_wait3A_81 = arith.constant 0 : i32
      %dma_wait3A_82 = tpu.memref_slice %arg12[%add3A_25, %dma_wait3A_81] : memref<10240x128xf32, #tpu.memory_space<vmem_shared>> -> memref<80x128xf32, #tpu.memory_space<vmem_shared>>
      %dma_wait3A_83 = arith.constant 0 : i32
      %dma_wait3A_84 = tpu.memref_slice %arg12[%add3A_25, %dma_wait3A_83] : memref<10240x128xf32, #tpu.memory_space<vmem_shared>> -> memref<80x128xf32, #tpu.memory_space<vmem_shared>>
      tpu.wait_dma2 semaphore(%run_scoped3A : memref<!tpu.dma_semaphore, #tpu.memory_space<semaphore_mem>>) src(%arg11 : memref<80x128xf32, #tpu.memory_space<vmem>>) dst(%dma_wait3A_84 : memref<80x128xf32, #tpu.memory_space<vmem_shared>>)
      tpu.yield
    }) : () -> ()
    %mul3A_26 = arith.constant 640 : i32
    %mul3A_27 = arith.muli %arg1, %mul3A_26 : i32
    %add3A_28 = arith.constant 400 : i32
    %add3A_29 = arith.addi %mul3A_27, %add3A_28 : i32
    "tpu.region"() ({
      %run_scoped3A = tpu.sem_alloc : memref<!tpu.dma_semaphore, #tpu.memory_space<semaphore_mem>>
      %dma_start3A_77 = arith.constant 0 : i32
      %dma_start3A_78 = tpu.memref_slice %arg12[%add3A_29, %dma_start3A_77] : memref<10240x128xf32, #tpu.memory_space<vmem_shared>> -> memref<80x128xf32, #tpu.memory_space<vmem_shared>>
      %dma_start3A_79 = arith.constant 0 : i32
      %dma_start3A_80 = tpu.memref_slice %arg12[%add3A_29, %dma_start3A_79] : memref<10240x128xf32, #tpu.memory_space<vmem_shared>> -> memref<80x128xf32, #tpu.memory_space<vmem_shared>>
      tpu.enqueue_dma source(%arg11 : memref<80x128xf32, #tpu.memory_space<vmem>>) target(%dma_start3A_80 : memref<80x128xf32, #tpu.memory_space<vmem_shared>>) target_semaphore(%run_scoped3A : memref<!tpu.dma_semaphore, #tpu.memory_space<semaphore_mem>>)
      %dma_wait3A_81 = arith.constant 0 : i32
      %dma_wait3A_82 = tpu.memref_slice %arg12[%add3A_29, %dma_wait3A_81] : memref<10240x128xf32, #tpu.memory_space<vmem_shared>> -> memref<80x128xf32, #tpu.memory_space<vmem_shared>>
      %dma_wait3A_83 = arith.constant 0 : i32
      %dma_wait3A_84 = tpu.memref_slice %arg12[%add3A_29, %dma_wait3A_83] : memref<10240x128xf32, #tpu.memory_space<vmem_shared>> -> memref<80x128xf32, #tpu.memory_space<vmem_shared>>
      tpu.wait_dma2 semaphore(%run_scoped3A : memref<!tpu.dma_semaphore, #tpu.memory_space<semaphore_mem>>) src(%arg11 : memref<80x128xf32, #tpu.memory_space<vmem>>) dst(%dma_wait3A_84 : memref<80x128xf32, #tpu.memory_space<vmem_shared>>)
      tpu.yield
    }) : () -> ()
    %mul3A_30 = arith.constant 640 : i32
    %mul3A_31 = arith.muli %arg1, %mul3A_30 : i32
    %add3A_32 = arith.constant 480 : i32
    %add3A_33 = arith.addi %mul3A_31, %add3A_32 : i32
    "tpu.region"() ({
      %run_scoped3A = tpu.sem_alloc : memref<!tpu.dma_semaphore, #tpu.memory_space<semaphore_mem>>
      %dma_start3A_77 = arith.constant 0 : i32
      %dma_start3A_78 = tpu.memref_slice %arg12[%add3A_33, %dma_start3A_77] : memref<10240x128xf32, #tpu.memory_space<vmem_shared>> -> memref<80x128xf32, #tpu.memory_space<vmem_shared>>
      %dma_start3A_79 = arith.constant 0 : i32
      %dma_start3A_80 = tpu.memref_slice %arg12[%add3A_33, %dma_start3A_79] : memref<10240x128xf32, #tpu.memory_space<vmem_shared>> -> memref<80x128xf32, #tpu.memory_space<vmem_shared>>
      tpu.enqueue_dma source(%arg11 : memref<80x128xf32, #tpu.memory_space<vmem>>) target(%dma_start3A_80 : memref<80x128xf32, #tpu.memory_space<vmem_shared>>) target_semaphore(%run_scoped3A : memref<!tpu.dma_semaphore, #tpu.memory_space<semaphore_mem>>)
      %dma_wait3A_81 = arith.constant 0 : i32
      %dma_wait3A_82 = tpu.memref_slice %arg12[%add3A_33, %dma_wait3A_81] : memref<10240x128xf32, #tpu.memory_space<vmem_shared>> -> memref<80x128xf32, #tpu.memory_space<vmem_shared>>
      %dma_wait3A_83 = arith.constant 0 : i32
      %dma_wait3A_84 = tpu.memref_slice %arg12[%add3A_33, %dma_wait3A_83] : memref<10240x128xf32, #tpu.memory_space<vmem_shared>> -> memref<80x128xf32, #tpu.memory_space<vmem_shared>>
      tpu.wait_dma2 semaphore(%run_scoped3A : memref<!tpu.dma_semaphore, #tpu.memory_space<semaphore_mem>>) src(%arg11 : memref<80x128xf32, #tpu.memory_space<vmem>>) dst(%dma_wait3A_84 : memref<80x128xf32, #tpu.memory_space<vmem_shared>>)
      tpu.yield
    }) : () -> ()
    %mul3A_34 = arith.constant 640 : i32
    %mul3A_35 = arith.muli %arg1, %mul3A_34 : i32
    %add3A_36 = arith.constant 560 : i32
    %add3A_37 = arith.addi %mul3A_35, %add3A_36 : i32
    "tpu.region"() ({
      %run_scoped3A = tpu.sem_alloc : memref<!tpu.dma_semaphore, #tpu.memory_space<semaphore_mem>>
      %dma_start3A_77 = arith.constant 0 : i32
      %dma_start3A_78 = tpu.memref_slice %arg12[%add3A_37, %dma_start3A_77] : memref<10240x128xf32, #tpu.memory_space<vmem_shared>> -> memref<80x128xf32, #tpu.memory_space<vmem_shared>>
      %dma_start3A_79 = arith.constant 0 : i32
      %dma_start3A_80 = tpu.memref_slice %arg12[%add3A_37, %dma_start3A_79] : memref<10240x128xf32, #tpu.memory_space<vmem_shared>> -> memref<80x128xf32, #tpu.memory_space<vmem_shared>>
      tpu.enqueue_dma source(%arg11 : memref<80x128xf32, #tpu.memory_space<vmem>>) target(%dma_start3A_80 : memref<80x128xf32, #tpu.memory_space<vmem_shared>>) target_semaphore(%run_scoped3A : memref<!tpu.dma_semaphore, #tpu.memory_space<semaphore_mem>>)
      %dma_wait3A_81 = arith.constant 0 : i32
      %dma_wait3A_82 = tpu.memref_slice %arg12[%add3A_37, %dma_wait3A_81] : memref<10240x128xf32, #tpu.memory_space<vmem_shared>> -> memref<80x128xf32, #tpu.memory_space<vmem_shared>>
      %dma_wait3A_83 = arith.constant 0 : i32
      %dma_wait3A_84 = tpu.memref_slice %arg12[%add3A_37, %dma_wait3A_83] : memref<10240x128xf32, #tpu.memory_space<vmem_shared>> -> memref<80x128xf32, #tpu.memory_space<vmem_shared>>
      tpu.wait_dma2 semaphore(%run_scoped3A : memref<!tpu.dma_semaphore, #tpu.memory_space<semaphore_mem>>) src(%arg11 : memref<80x128xf32, #tpu.memory_space<vmem>>) dst(%dma_wait3A_84 : memref<80x128xf32, #tpu.memory_space<vmem_shared>>)
      tpu.yield
    }) : () -> ()
    %barrier3A = arith.constant 0 : index
    tpu.barrier barrier_id(%barrier3A)
    %mul3A_38 = arith.constant 125 : i32
    %mul3A_39 = arith.muli %add3A, %mul3A_38 : i32
    %add3A_40 = arith.constant 0 : i32
    %add3A_41 = arith.addi %mul3A_39, %add3A_40 : i32
    %dma_start3A = arith.constant 0 : i32
    %dma_start3A_42 = tpu.memref_slice %arg4[%add3A_41, %dma_start3A] : memref<4000x80xi32, #tpu.memory_space<hbm>> -> memref<1x80xi32, #tpu.memory_space<hbm>>
    %dma_start3A_43 = tpu.memref_squeeze %dma_start3A_42 : memref<1x80xi32, #tpu.memory_space<hbm>> -> memref<80xi32, #tpu.memory_space<hbm>>
    %dma_start3A_44 = arith.constant 0 : i32
    %dma_start3A_45 = tpu.memref_slice %arg4[%add3A_41, %dma_start3A_44] : memref<4000x80xi32, #tpu.memory_space<hbm>> -> memref<1x80xi32, #tpu.memory_space<hbm>>
    %dma_start3A_46 = tpu.memref_squeeze %dma_start3A_45 : memref<1x80xi32, #tpu.memory_space<hbm>> -> memref<80xi32, #tpu.memory_space<hbm>>
    tpu.enqueue_dma source(%dma_start3A_46 : memref<80xi32, #tpu.memory_space<hbm>>) target(%arg7 : memref<80xi32, #tpu.memory_space<vmem>>) target_semaphore(%arg13 : memref<!tpu.dma_semaphore, #tpu.memory_space<semaphore_mem>>)
    %dma_start3A_47 = arith.constant 0 : i32
    %dma_start3A_48 = tpu.memref_slice %arg6[%dma_start3A_47] : memref<10000xi32, #tpu.memory_space<vmem>> -> memref<80xi32, #tpu.memory_space<vmem>>
    %dma_start3A_49 = arith.constant 0 : i32
    %dma_start3A_50 = arith.constant 0 : i32
    %dma_start3A_51 = tpu.memref_slice %arg2[%dma_start3A_49, %dma_start3A_50] : memref<10000x128xf32, #tpu.memory_space<hbm>> -> memref<10000x128xf32, #tpu.memory_space<hbm>>
    tpu.enqueue_indirect_dma source(%dma_start3A_51 : memref<10000x128xf32, #tpu.memory_space<hbm>>) target(%arg9 : memref<80x128xf32, #tpu.memory_space<vmem>>) offsets(%dma_start3A_48 : memref<80xi32, #tpu.memory_space<vmem>>) semaphore(%arg15 : memref<!tpu.dma_semaphore, #tpu.memory_space<semaphore_mem>>)
    %scan3A_52 = arith.constant 0 : i32
    %scan3A_53 = arith.constant 0 : i32
    %scan3A_54 = arith.constant 62 : i32
    %scan3A_55 = arith.addi %scan3A_53, %scan3A_54 : i32
    %scan3A_56 = arith.constant 1 : i32
    scf.for %scan3A_77 = %scan3A_53 to %scan3A_55 step %scan3A_56  : i32 {
      %mul3A_78 = arith.constant 2 : i32
      %mul3A_79 = arith.muli %mul3A_78, %scan3A_77 : i32
      %add3A_80 = arith.constant 1 : i32
      %add3A_81 = arith.addi %mul3A_79, %add3A_80 : i32
      %mul3A_82 = arith.constant 125 : i32
      %mul3A_83 = arith.muli %add3A, %mul3A_82 : i32
      %add3A_84 = arith.addi %mul3A_83, %add3A_81 : i32
      %dma_start3A_85 = arith.constant 0 : i32
      %dma_start3A_86 = tpu.memref_slice %arg4[%add3A_84, %dma_start3A_85] : memref<4000x80xi32, #tpu.memory_space<hbm>> -> memref<1x80xi32, #tpu.memory_space<hbm>>
      %dma_start3A_87 = tpu.memref_squeeze %dma_start3A_86 : memref<1x80xi32, #tpu.memory_space<hbm>> -> memref<80xi32, #tpu.memory_space<hbm>>
      %dma_start3A_88 = arith.constant 0 : i32
      %dma_start3A_89 = tpu.memref_slice %arg4[%add3A_84, %dma_start3A_88] : memref<4000x80xi32, #tpu.memory_space<hbm>> -> memref<1x80xi32, #tpu.memory_space<hbm>>
      %dma_start3A_90 = tpu.memref_squeeze %dma_start3A_89 : memref<1x80xi32, #tpu.memory_space<hbm>> -> memref<80xi32, #tpu.memory_space<hbm>>
      tpu.enqueue_dma source(%dma_start3A_90 : memref<80xi32, #tpu.memory_space<hbm>>) target(%arg8 : memref<80xi32, #tpu.memory_space<vmem>>) target_semaphore(%arg14 : memref<!tpu.dma_semaphore, #tpu.memory_space<semaphore_mem>>)
      %mul3A_91 = arith.constant 80 : i32
      %mul3A_92 = arith.muli %add3A_81, %mul3A_91 : i32
      %dma_start3A_93 = tpu.memref_slice %arg6[%mul3A_92] : memref<10000xi32, #tpu.memory_space<vmem>> -> memref<80xi32, #tpu.memory_space<vmem>>
      %dma_start3A_94 = arith.constant 0 : i32
      %dma_start3A_95 = arith.constant 0 : i32
      %dma_start3A_96 = tpu.memref_slice %arg2[%dma_start3A_94, %dma_start3A_95] : memref<10000x128xf32, #tpu.memory_space<hbm>> -> memref<10000x128xf32, #tpu.memory_space<hbm>>
      tpu.enqueue_indirect_dma source(%dma_start3A_96 : memref<10000x128xf32, #tpu.memory_space<hbm>>) target(%arg10 : memref<80x128xf32, #tpu.memory_space<vmem>>) offsets(%dma_start3A_93 : memref<80xi32, #tpu.memory_space<vmem>>) semaphore(%arg16 : memref<!tpu.dma_semaphore, #tpu.memory_space<semaphore_mem>>)
      %mul3A_97 = arith.constant 125 : i32
      %mul3A_98 = arith.muli %add3A, %mul3A_97 : i32
      %add3A_99 = arith.addi %mul3A_98, %mul3A_79 : i32
      %dma_wait3A_100 = arith.constant 0 : i32
      %dma_wait3A_101 = tpu.memref_slice %arg4[%add3A_99, %dma_wait3A_100] : memref<4000x80xi32, #tpu.memory_space<hbm>> -> memref<1x80xi32, #tpu.memory_space<hbm>>
      %dma_wait3A_102 = tpu.memref_squeeze %dma_wait3A_101 : memref<1x80xi32, #tpu.memory_space<hbm>> -> memref<80xi32, #tpu.memory_space<hbm>>
      %dma_wait3A_103 = arith.constant 0 : i32
      %dma_wait3A_104 = tpu.memref_slice %arg4[%add3A_99, %dma_wait3A_103] : memref<4000x80xi32, #tpu.memory_space<hbm>> -> memref<1x80xi32, #tpu.memory_space<hbm>>
      %dma_wait3A_105 = tpu.memref_squeeze %dma_wait3A_104 : memref<1x80xi32, #tpu.memory_space<hbm>> -> memref<80xi32, #tpu.memory_space<hbm>>
      tpu.wait_dma2 semaphore(%arg13 : memref<!tpu.dma_semaphore, #tpu.memory_space<semaphore_mem>>) src(%dma_wait3A_105 : memref<80xi32, #tpu.memory_space<hbm>>) dst(%arg7 : memref<80xi32, #tpu.memory_space<vmem>>)
      %mul3A_106 = arith.constant 80 : i32
      %mul3A_107 = arith.muli %mul3A_79, %mul3A_106 : i32
      %dma_wait3A_108 = tpu.memref_slice %arg6[%mul3A_107] : memref<10000xi32, #tpu.memory_space<vmem>> -> memref<80xi32, #tpu.memory_space<vmem>>
      %dma_wait3A_109 = arith.constant 0 : i32
      %dma_wait3A_110 = arith.constant 0 : i32
      %dma_wait3A_111 = tpu.memref_slice %arg2[%dma_wait3A_109, %dma_wait3A_110] : memref<10000x128xf32, #tpu.memory_space<hbm>> -> memref<10000x128xf32, #tpu.memory_space<hbm>>
      tpu.wait_indirect_dma semaphore(%arg15 : memref<!tpu.dma_semaphore, #tpu.memory_space<semaphore_mem>>) src(%dma_wait3A_111 : memref<10000x128xf32, #tpu.memory_space<hbm>>) dst(%arg9 : memref<80x128xf32, #tpu.memory_space<vmem>>)
      "tpu.region"() ({
        %run_scoped3A = tpu.sem_alloc : memref<!tpu.dma_semaphore, #tpu.memory_space<semaphore_mem>>
        %dma_start3A_146 = arith.constant 0 : i32
        %dma_start3A_147 = arith.constant 0 : i32
        %dma_start3A_148 = tpu.memref_slice %arg12[%dma_start3A_146, %dma_start3A_147] : memref<10240x128xf32, #tpu.memory_space<vmem_shared>> -> memref<10240x128xf32, #tpu.memory_space<vmem_shared>>
        tpu.enqueue_indirect_dma source(%arg9 : memref<80x128xf32, #tpu.memory_space<vmem>>) target(%dma_start3A_148 : memref<10240x128xf32, #tpu.memory_space<vmem_shared>>) offsets(%arg7 : memref<80xi32, #tpu.memory_space<vmem>>) semaphore(%run_scoped3A : memref<!tpu.dma_semaphore, #tpu.memory_space<semaphore_mem>>) {add = true}
        %dma_wait3A_149 = arith.constant 0 : i32
        %dma_wait3A_150 = arith.constant 0 : i32
        %dma_wait3A_151 = tpu.memref_slice %arg12[%dma_wait3A_149, %dma_wait3A_150] : memref<10240x128xf32, #tpu.memory_space<vmem_shared>> -> memref<10240x128xf32, #tpu.memory_space<vmem_shared>>
        tpu.wait_indirect_dma semaphore(%run_scoped3A : memref<!tpu.dma_semaphore, #tpu.memory_space<semaphore_mem>>) src(%arg9 : memref<80x128xf32, #tpu.memory_space<vmem>>) dst(%dma_wait3A_151 : memref<10240x128xf32, #tpu.memory_space<vmem_shared>>)
        tpu.yield
      }) : () -> ()
      %add3A_112 = arith.constant 2 : i32
      %add3A_113 = arith.addi %mul3A_79, %add3A_112 : i32
      %mul3A_114 = arith.constant 125 : i32
      %mul3A_115 = arith.muli %add3A, %mul3A_114 : i32
      %add3A_116 = arith.addi %mul3A_115, %add3A_113 : i32
      %dma_start3A_117 = arith.constant 0 : i32
      %dma_start3A_118 = tpu.memref_slice %arg4[%add3A_116, %dma_start3A_117] : memref<4000x80xi32, #tpu.memory_space<hbm>> -> memref<1x80xi32, #tpu.memory_space<hbm>>
      %dma_start3A_119 = tpu.memref_squeeze %dma_start3A_118 : memref<1x80xi32, #tpu.memory_space<hbm>> -> memref<80xi32, #tpu.memory_space<hbm>>
      %dma_start3A_120 = arith.constant 0 : i32
      %dma_start3A_121 = tpu.memref_slice %arg4[%add3A_116, %dma_start3A_120] : memref<4000x80xi32, #tpu.memory_space<hbm>> -> memref<1x80xi32, #tpu.memory_space<hbm>>
      %dma_start3A_122 = tpu.memref_squeeze %dma_start3A_121 : memref<1x80xi32, #tpu.memory_space<hbm>> -> memref<80xi32, #tpu.memory_space<hbm>>
      tpu.enqueue_dma source(%dma_start3A_122 : memref<80xi32, #tpu.memory_space<hbm>>) target(%arg7 : memref<80xi32, #tpu.memory_space<vmem>>) target_semaphore(%arg13 : memref<!tpu.dma_semaphore, #tpu.memory_space<semaphore_mem>>)
      %mul3A_123 = arith.constant 80 : i32
      %mul3A_124 = arith.muli %add3A_113, %mul3A_123 : i32
      %dma_start3A_125 = tpu.memref_slice %arg6[%mul3A_124] : memref<10000xi32, #tpu.memory_space<vmem>> -> memref<80xi32, #tpu.memory_space<vmem>>
      %dma_start3A_126 = arith.constant 0 : i32
      %dma_start3A_127 = arith.constant 0 : i32
      %dma_start3A_128 = tpu.memref_slice %arg2[%dma_start3A_126, %dma_start3A_127] : memref<10000x128xf32, #tpu.memory_space<hbm>> -> memref<10000x128xf32, #tpu.memory_space<hbm>>
      tpu.enqueue_indirect_dma source(%dma_start3A_128 : memref<10000x128xf32, #tpu.memory_space<hbm>>) target(%arg9 : memref<80x128xf32, #tpu.memory_space<vmem>>) offsets(%dma_start3A_125 : memref<80xi32, #tpu.memory_space<vmem>>) semaphore(%arg15 : memref<!tpu.dma_semaphore, #tpu.memory_space<semaphore_mem>>)
      %add3A_129 = arith.constant 1 : i32
      %add3A_130 = arith.addi %mul3A_79, %add3A_129 : i32
      %mul3A_131 = arith.constant 125 : i32
      %mul3A_132 = arith.muli %add3A, %mul3A_131 : i32
      %add3A_133 = arith.addi %mul3A_132, %add3A_130 : i32
      %dma_wait3A_134 = arith.constant 0 : i32
      %dma_wait3A_135 = tpu.memref_slice %arg4[%add3A_133, %dma_wait3A_134] : memref<4000x80xi32, #tpu.memory_space<hbm>> -> memref<1x80xi32, #tpu.memory_space<hbm>>
      %dma_wait3A_136 = tpu.memref_squeeze %dma_wait3A_135 : memref<1x80xi32, #tpu.memory_space<hbm>> -> memref<80xi32, #tpu.memory_space<hbm>>
      %dma_wait3A_137 = arith.constant 0 : i32
      %dma_wait3A_138 = tpu.memref_slice %arg4[%add3A_133, %dma_wait3A_137] : memref<4000x80xi32, #tpu.memory_space<hbm>> -> memref<1x80xi32, #tpu.memory_space<hbm>>
      %dma_wait3A_139 = tpu.memref_squeeze %dma_wait3A_138 : memref<1x80xi32, #tpu.memory_space<hbm>> -> memref<80xi32, #tpu.memory_space<hbm>>
      tpu.wait_dma2 semaphore(%arg14 : memref<!tpu.dma_semaphore, #tpu.memory_space<semaphore_mem>>) src(%dma_wait3A_139 : memref<80xi32, #tpu.memory_space<hbm>>) dst(%arg8 : memref<80xi32, #tpu.memory_space<vmem>>)
      %mul3A_140 = arith.constant 80 : i32
      %mul3A_141 = arith.muli %add3A_130, %mul3A_140 : i32
      %dma_wait3A_142 = tpu.memref_slice %arg6[%mul3A_141] : memref<10000xi32, #tpu.memory_space<vmem>> -> memref<80xi32, #tpu.memory_space<vmem>>
      %dma_wait3A_143 = arith.constant 0 : i32
      %dma_wait3A_144 = arith.constant 0 : i32
      %dma_wait3A_145 = tpu.memref_slice %arg2[%dma_wait3A_143, %dma_wait3A_144] : memref<10000x128xf32, #tpu.memory_space<hbm>> -> memref<10000x128xf32, #tpu.memory_space<hbm>>
      tpu.wait_indirect_dma semaphore(%arg16 : memref<!tpu.dma_semaphore, #tpu.memory_space<semaphore_mem>>) src(%dma_wait3A_145 : memref<10000x128xf32, #tpu.memory_space<hbm>>) dst(%arg10 : memref<80x128xf32, #tpu.memory_space<vmem>>)
      "tpu.region"() ({
        %run_scoped3A = tpu.sem_alloc : memref<!tpu.dma_semaphore, #tpu.memory_space<semaphore_mem>>
        %dma_start3A_146 = arith.constant 0 : i32
        %dma_start3A_147 = arith.constant 0 : i32
        %dma_start3A_148 = tpu.memref_slice %arg12[%dma_start3A_146, %dma_start3A_147] : memref<10240x128xf32, #tpu.memory_space<vmem_shared>> -> memref<10240x128xf32, #tpu.memory_space<vmem_shared>>
        tpu.enqueue_indirect_dma source(%arg10 : memref<80x128xf32, #tpu.memory_space<vmem>>) target(%dma_start3A_148 : memref<10240x128xf32, #tpu.memory_space<vmem_shared>>) offsets(%arg8 : memref<80xi32, #tpu.memory_space<vmem>>) semaphore(%run_scoped3A : memref<!tpu.dma_semaphore, #tpu.memory_space<semaphore_mem>>) {add = true}
        %dma_wait3A_149 = arith.constant 0 : i32
        %dma_wait3A_150 = arith.constant 0 : i32
        %dma_wait3A_151 = tpu.memref_slice %arg12[%dma_wait3A_149, %dma_wait3A_150] : memref<10240x128xf32, #tpu.memory_space<vmem_shared>> -> memref<10240x128xf32, #tpu.memory_space<vmem_shared>>
        tpu.wait_indirect_dma semaphore(%run_scoped3A : memref<!tpu.dma_semaphore, #tpu.memory_space<semaphore_mem>>) src(%arg10 : memref<80x128xf32, #tpu.memory_space<vmem>>) dst(%dma_wait3A_151 : memref<10240x128xf32, #tpu.memory_space<vmem_shared>>)
        tpu.yield
      }) : () -> ()
    }
    %scan3A_57 = arith.constant 62 : i32
    %mul3A_58 = arith.constant 125 : i32
    %mul3A_59 = arith.muli %add3A, %mul3A_58 : i32
    %add3A_60 = arith.constant 124 : i32
    %add3A_61 = arith.addi %mul3A_59, %add3A_60 : i32
    %dma_wait3A = arith.constant 0 : i32
    %dma_wait3A_62 = tpu.memref_slice %arg4[%add3A_61, %dma_wait3A] : memref<4000x80xi32, #tpu.memory_space<hbm>> -> memref<1x80xi32, #tpu.memory_space<hbm>>
    %dma_wait3A_63 = tpu.memref_squeeze %dma_wait3A_62 : memref<1x80xi32, #tpu.memory_space<hbm>> -> memref<80xi32, #tpu.memory_space<hbm>>
    %dma_wait3A_64 = arith.constant 0 : i32
    %dma_wait3A_65 = tpu.memref_slice %arg4[%add3A_61, %dma_wait3A_64] : memref<4000x80xi32, #tpu.memory_space<hbm>> -> memref<1x80xi32, #tpu.memory_space<hbm>>
    %dma_wait3A_66 = tpu.memref_squeeze %dma_wait3A_65 : memref<1x80xi32, #tpu.memory_space<hbm>> -> memref<80xi32, #tpu.memory_space<hbm>>
    tpu.wait_dma2 semaphore(%arg13 : memref<!tpu.dma_semaphore, #tpu.memory_space<semaphore_mem>>) src(%dma_wait3A_66 : memref<80xi32, #tpu.memory_space<hbm>>) dst(%arg7 : memref<80xi32, #tpu.memory_space<vmem>>)
    %dma_wait3A_67 = arith.constant 9920 : i32
    %dma_wait3A_68 = tpu.memref_slice %arg6[%dma_wait3A_67] : memref<10000xi32, #tpu.memory_space<vmem>> -> memref<80xi32, #tpu.memory_space<vmem>>
    %dma_wait3A_69 = arith.constant 0 : i32
    %dma_wait3A_70 = arith.constant 0 : i32
    %dma_wait3A_71 = tpu.memref_slice %arg2[%dma_wait3A_69, %dma_wait3A_70] : memref<10000x128xf32, #tpu.memory_space<hbm>> -> memref<10000x128xf32, #tpu.memory_space<hbm>>
    tpu.wait_indirect_dma semaphore(%arg15 : memref<!tpu.dma_semaphore, #tpu.memory_space<semaphore_mem>>) src(%dma_wait3A_71 : memref<10000x128xf32, #tpu.memory_space<hbm>>) dst(%arg9 : memref<80x128xf32, #tpu.memory_space<vmem>>)
    "tpu.region"() ({
      %run_scoped3A = tpu.sem_alloc : memref<!tpu.dma_semaphore, #tpu.memory_space<semaphore_mem>>
      %dma_start3A_77 = arith.constant 0 : i32
      %dma_start3A_78 = arith.constant 0 : i32
      %dma_start3A_79 = tpu.memref_slice %arg12[%dma_start3A_77, %dma_start3A_78] : memref<10240x128xf32, #tpu.memory_space<vmem_shared>> -> memref<10240x128xf32, #tpu.memory_space<vmem_shared>>
      tpu.enqueue_indirect_dma source(%arg9 : memref<80x128xf32, #tpu.memory_space<vmem>>) target(%dma_start3A_79 : memref<10240x128xf32, #tpu.memory_space<vmem_shared>>) offsets(%arg7 : memref<80xi32, #tpu.memory_space<vmem>>) semaphore(%run_scoped3A : memref<!tpu.dma_semaphore, #tpu.memory_space<semaphore_mem>>) {add = true}
      %dma_wait3A_80 = arith.constant 0 : i32
      %dma_wait3A_81 = arith.constant 0 : i32
      %dma_wait3A_82 = tpu.memref_slice %arg12[%dma_wait3A_80, %dma_wait3A_81] : memref<10240x128xf32, #tpu.memory_space<vmem_shared>> -> memref<10240x128xf32, #tpu.memory_space<vmem_shared>>
      tpu.wait_indirect_dma semaphore(%run_scoped3A : memref<!tpu.dma_semaphore, #tpu.memory_space<semaphore_mem>>) src(%arg9 : memref<80x128xf32, #tpu.memory_space<vmem>>) dst(%dma_wait3A_82 : memref<10240x128xf32, #tpu.memory_space<vmem_shared>>)
      tpu.yield
    }) : () -> ()
    %barrier3A_72 = arith.constant 0 : index
    tpu.barrier barrier_id(%barrier3A_72)
    %mul3A_73 = arith.constant 640 : i32
    %mul3A_74 = arith.muli %arg1, %mul3A_73 : i32
    %mul3A_75 = arith.constant 640 : i32
    %mul3A_76 = arith.muli %arg1, %mul3A_75 : i32
    "tpu.region"() ({
      %run_scoped3A = tpu.sem_alloc : memref<!tpu.dma_semaphore, #tpu.memory_space<semaphore_mem>>
      %dma_start3A_77 = arith.constant 0 : i32
      %dma_start3A_78 = tpu.memref_slice %arg5[%arg0, %mul3A_76, %dma_start3A_77] : memref<2x10240x128xf32, #tpu.memory_space<hbm>> -> memref<1x640x128xf32, #tpu.memory_space<hbm>>
      %dma_start3A_79 = tpu.memref_squeeze %dma_start3A_78 : memref<1x640x128xf32, #tpu.memory_space<hbm>> -> memref<640x128xf32, #tpu.memory_space<hbm>>
      %dma_start3A_80 = arith.constant 0 : i32
      %dma_start3A_81 = tpu.memref_slice %arg12[%mul3A_74, %dma_start3A_80] : memref<10240x128xf32, #tpu.memory_space<vmem_shared>> -> memref<640x128xf32, #tpu.memory_space<vmem_shared>>
      tpu.enqueue_dma source(%dma_start3A_81 : memref<640x128xf32, #tpu.memory_space<vmem_shared>>) target(%dma_start3A_79 : memref<640x128xf32, #tpu.memory_space<hbm>>) target_semaphore(%run_scoped3A : memref<!tpu.dma_semaphore, #tpu.memory_space<semaphore_mem>>)
      %dma_wait3A_82 = arith.constant 0 : i32
      %dma_wait3A_83 = tpu.memref_slice %arg5[%arg0, %mul3A_76, %dma_wait3A_82] : memref<2x10240x128xf32, #tpu.memory_space<hbm>> -> memref<1x640x128xf32, #tpu.memory_space<hbm>>
      %dma_wait3A_84 = tpu.memref_squeeze %dma_wait3A_83 : memref<1x640x128xf32, #tpu.memory_space<hbm>> -> memref<640x128xf32, #tpu.memory_space<hbm>>
      %dma_wait3A_85 = arith.constant 0 : i32
      %dma_wait3A_86 = tpu.memref_slice %arg12[%mul3A_74, %dma_wait3A_85] : memref<10240x128xf32, #tpu.memory_space<vmem_shared>> -> memref<640x128xf32, #tpu.memory_space<vmem_shared>>
      tpu.wait_dma2 semaphore(%run_scoped3A : memref<!tpu.dma_semaphore, #tpu.memory_space<semaphore_mem>>) src(%dma_wait3A_86 : memref<640x128xf32, #tpu.memory_space<vmem_shared>>) dst(%dma_wait3A_84 : memref<640x128xf32, #tpu.memory_space<hbm>>)
      tpu.yield
    }) : () -> ()
    return
  }
}

#map = affine_map<(d0, d1) -> (0, 0)>
#map1 = affine_map<(d0, d1) -> (0, 0, 0)>
module attributes {stable_mosaic.version = 14 : i64} {
  func.func @sc_aggregate(%arg0: i32, %arg1: i32, %arg2: memref<10000x128xf32, #tpu.memory_space<hbm>>, %arg3: memref<32x10000xi32, #tpu.memory_space<hbm>>, %arg4: memref<4000x80xi32, #tpu.memory_space<hbm>>, %arg5: memref<2x10240x128xf32, #tpu.memory_space<hbm>>, %arg6: memref<10000xi32, #tpu.memory_space<vmem>>, %arg7: memref<80xi32, #tpu.memory_space<vmem>>, %arg8: memref<80xi32, #tpu.memory_space<vmem>>, %arg9: memref<80x128xf32, #tpu.memory_space<vmem>>, %arg10: memref<80x128xf32, #tpu.memory_space<vmem>>, %arg11: memref<80x128xf32, #tpu.memory_space<vmem>>, %arg12: memref<10240x128xf32, #tpu.memory_space<vmem_shared>>, %arg13: memref<!tpu.dma_semaphore, #tpu.memory_space<semaphore_mem>>, %arg14: memref<!tpu.dma_semaphore, #tpu.memory_space<semaphore_mem>>, %arg15: memref<!tpu.dma_semaphore, #tpu.memory_space<semaphore_mem>>, %arg16: memref<!tpu.dma_semaphore, #tpu.memory_space<semaphore_mem>>) attributes {dimension_semantics = [#tpu.dimension_semantics<core_parallel>, #tpu.dimension_semantics<subcore_parallel>], iteration_bounds = array<i64: 2, 16>, scalar_prefetch = 0 : i64, scratch_operands = 11 : i64, tpu.core_type = #tpu.core_type<sc_vector_subcore>, window_params = [{transform_indices = #map}, {transform_indices = #map}, {transform_indices = #map}, {transform_indices = #map1}]} {
    %mul3A = arith.constant 16 : i32
    %mul3A_0 = arith.muli %arg0, %mul3A : i32
    %add3A = arith.addi %mul3A_0, %arg1 : i32
    %scan3A = arith.constant 0 : i32
    %scan3A_1 = arith.constant 0 : i32
    %scan3A_2 = arith.constant 640 : i32
    %scan3A_3 = arith.addi %scan3A_1, %scan3A_2 : i32
    %scan3A_4 = arith.constant 1 : i32
    scf.for %scan3A_77 = %scan3A_1 to %scan3A_3 step %scan3A_4  : i32 {
      %broadcast_in_dim3A = arith.constant 0.000000e+00 : f32
      %broadcast_in_dim3A_78 = vector.broadcast %broadcast_in_dim3A : f32 to vector<16xf32>
      %jit3A = arith.constant 8 : i32
      %div3A = arith.divsi %scan3A_77, %jit3A : i32
      %sign3A = arith.constant 0 : i32
      %sign3A_79 = arith.cmpi sgt, %scan3A_77, %sign3A : i32
      %sign3A_80 = arith.extui %sign3A_79 : i1 to i32
      %sign3A_81 = arith.constant 0 : i32
      %sign3A_82 = arith.cmpi slt, %scan3A_77, %sign3A_81 : i32
      %sign3A_83 = arith.extui %sign3A_82 : i1 to i32
      %sign3A_84 = arith.subi %sign3A_80, %sign3A_83 : i32
      %sign3A_85 = arith.constant 0 : i32
      %sign3A_86 = arith.cmpi sgt, %jit3A, %sign3A_85 : i32
      %sign3A_87 = arith.extui %sign3A_86 : i1 to i32
      %sign3A_88 = arith.constant 0 : i32
      %sign3A_89 = arith.cmpi slt, %jit3A, %sign3A_88 : i32
      %sign3A_90 = arith.extui %sign3A_89 : i1 to i32
      %sign3A_91 = arith.subi %sign3A_87, %sign3A_90 : i32
      %ne3A = arith.cmpi ne, %sign3A_84, %sign3A_91 : i32
      %rem3A = arith.remsi %scan3A_77, %jit3A : i32
      %ne3A_92 = arith.constant 0 : i32
      %ne3A_93 = arith.cmpi ne, %rem3A, %ne3A_92 : i32
      %and3A = arith.andi %ne3A, %ne3A_93 : i1
      %sub3A = arith.constant 1 : i32
      %sub3A_94 = arith.subi %div3A, %sub3A : i32
      %select_n3A = arith.select %and3A, %sub3A_94, %div3A : i32
      %jit3A_95 = arith.constant 8 : i32
      %eq3A = arith.constant 0 : i32
      %eq3A_96 = arith.cmpi eq, %jit3A_95, %eq3A : i32
      %jit3A_97 = arith.constant 1 : i32
      %select_n3A_98 = arith.select %eq3A_96, %jit3A_97, %jit3A_95 : i32
      %rem3A_99 = arith.remsi %scan3A_77, %select_n3A_98 : i32
      %ne3A_100 = arith.constant 0 : i32
      %ne3A_101 = arith.cmpi ne, %rem3A_99, %ne3A_100 : i32
      %lt3A = arith.constant 0 : i32
      %lt3A_102 = arith.cmpi slt, %rem3A_99, %lt3A : i32
      %lt3A_103 = arith.constant 0 : i32
      %lt3A_104 = arith.cmpi slt, %select_n3A_98, %lt3A_103 : i32
      %ne3A_105 = arith.xori %lt3A_102, %lt3A_104 : i1
      %and3A_106 = arith.andi %ne3A_105, %ne3A_101 : i1
      %add3A_107 = arith.addi %rem3A_99, %select_n3A_98 : i32
      %select_n3A_108 = arith.select %and3A_106, %add3A_107, %rem3A_99 : i32
      %mul3A_109 = arith.constant 16 : i32
      %mul3A_110 = arith.muli %select_n3A_108, %mul3A_109 : i32
      %swap3A = arith.index_cast %select_n3A : i32 to index
      %swap3A_111 = arith.index_cast %mul3A_110 : i32 to index
      %swap3A_112 = tpu.vector_load %arg11[%swap3A, %swap3A_111] {strides = array<i32>} : memref<80x128xf32, #tpu.memory_space<vmem>>, vector<1x16xf32>,
      %swap3A_113 = vector.shape_cast %swap3A_112 : vector<1x16xf32> to vector<16xf32>
      %swap3A_114 = vector.shape_cast %broadcast_in_dim3A_78 : vector<16xf32> to vector<1x16xf32>
      tpu.vector_store %arg11[%swap3A, %swap3A_111], %swap3A_114 {strides = array<i32>} : memref<80x128xf32, #tpu.memory_space<vmem>>, vector<1x16xf32>,
    }
    %scan3A_5 = arith.constant 640 : i32
    "tpu.region"() ({
      %run_scoped3A = tpu.sem_alloc : memref<!tpu.dma_semaphore, #tpu.memory_space<semaphore_mem>>
      %dma_start3A_77 = arith.constant 0 : i32
      %dma_start3A_78 = tpu.memref_slice %arg3[%add3A, %dma_start3A_77] : memref<32x10000xi32, #tpu.memory_space<hbm>> -> memref<1x10000xi32, #tpu.memory_space<hbm>>
      %dma_start3A_79 = tpu.memref_squeeze %dma_start3A_78 : memref<1x10000xi32, #tpu.memory_space<hbm>> -> memref<10000xi32, #tpu.memory_space<hbm>>
      %dma_start3A_80 = arith.constant 0 : i32
      %dma_start3A_81 = tpu.memref_slice %arg3[%add3A, %dma_start3A_80] : memref<32x10000xi32, #tpu.memory_space<hbm>> -> memref<1x10000xi32, #tpu.memory_space<hbm>>
      %dma_start3A_82 = tpu.memref_squeeze %dma_start3A_81 : memref<1x10000xi32, #tpu.memory_space<hbm>> -> memref<10000xi32, #tpu.memory_space<hbm>>
      tpu.enqueue_dma source(%dma_start3A_82 : memref<10000xi32, #tpu.memory_space<hbm>>) target(%arg6 : memref<10000xi32, #tpu.memory_space<vmem>>) target_semaphore(%run_scoped3A : memref<!tpu.dma_semaphore, #tpu.memory_space<semaphore_mem>>)
      %dma_wait3A_83 = arith.constant 0 : i32
      %dma_wait3A_84 = tpu.memref_slice %arg3[%add3A, %dma_wait3A_83] : memref<32x10000xi32, #tpu.memory_space<hbm>> -> memref<1x10000xi32, #tpu.memory_space<hbm>>
      %dma_wait3A_85 = tpu.memref_squeeze %dma_wait3A_84 : memref<1x10000xi32, #tpu.memory_space<hbm>> -> memref<10000xi32, #tpu.memory_space<hbm>>
      %dma_wait3A_86 = arith.constant 0 : i32
      %dma_wait3A_87 = tpu.memref_slice %arg3[%add3A, %dma_wait3A_86] : memref<32x10000xi32, #tpu.memory_space<hbm>> -> memref<1x10000xi32, #tpu.memory_space<hbm>>
      %dma_wait3A_88 = tpu.memref_squeeze %dma_wait3A_87 : memref<1x10000xi32, #tpu.memory_space<hbm>> -> memref<10000xi32, #tpu.memory_space<hbm>>
      tpu.wait_dma2 semaphore(%run_scoped3A : memref<!tpu.dma_semaphore, #tpu.memory_space<semaphore_mem>>) src(%dma_wait3A_88 : memref<10000xi32, #tpu.memory_space<hbm>>) dst(%arg6 : memref<10000xi32, #tpu.memory_space<vmem>>)
      tpu.yield
    }) : () -> ()
    %mul3A_6 = arith.constant 640 : i32
    %mul3A_7 = arith.muli %arg1, %mul3A_6 : i32
    %add3A_8 = arith.constant 0 : i32
    %add3A_9 = arith.addi %mul3A_7, %add3A_8 : i32
    "tpu.region"() ({
      %run_scoped3A = tpu.sem_alloc : memref<!tpu.dma_semaphore, #tpu.memory_space<semaphore_mem>>
      %dma_start3A_77 = arith.constant 0 : i32
      %dma_start3A_78 = tpu.memref_slice %arg12[%add3A_9, %dma_start3A_77] : memref<10240x128xf32, #tpu.memory_space<vmem_shared>> -> memref<80x128xf32, #tpu.memory_space<vmem_shared>>
      %dma_start3A_79 = arith.constant 0 : i32
      %dma_start3A_80 = tpu.memref_slice %arg12[%add3A_9, %dma_start3A_79] : memref<10240x128xf32, #tpu.memory_space<vmem_shared>> -> memref<80x128xf32, #tpu.memory_space<vmem_shared>>
      tpu.enqueue_dma source(%arg11 : memref<80x128xf32, #tpu.memory_space<vmem>>) target(%dma_start3A_80 : memref<80x128xf32, #tpu.memory_space<vmem_shared>>) target_semaphore(%run_scoped3A : memref<!tpu.dma_semaphore, #tpu.memory_space<semaphore_mem>>)
      %dma_wait3A_81 = arith.constant 0 : i32
      %dma_wait3A_82 = tpu.memref_slice %arg12[%add3A_9, %dma_wait3A_81] : memref<10240x128xf32, #tpu.memory_space<vmem_shared>> -> memref<80x128xf32, #tpu.memory_space<vmem_shared>>
      %dma_wait3A_83 = arith.constant 0 : i32
      %dma_wait3A_84 = tpu.memref_slice %arg12[%add3A_9, %dma_wait3A_83] : memref<10240x128xf32, #tpu.memory_space<vmem_shared>> -> memref<80x128xf32, #tpu.memory_space<vmem_shared>>
      tpu.wait_dma2 semaphore(%run_scoped3A : memref<!tpu.dma_semaphore, #tpu.memory_space<semaphore_mem>>) src(%arg11 : memref<80x128xf32, #tpu.memory_space<vmem>>) dst(%dma_wait3A_84 : memref<80x128xf32, #tpu.memory_space<vmem_shared>>)
      tpu.yield
    }) : () -> ()
    %mul3A_10 = arith.constant 640 : i32
    %mul3A_11 = arith.muli %arg1, %mul3A_10 : i32
    %add3A_12 = arith.constant 80 : i32
    %add3A_13 = arith.addi %mul3A_11, %add3A_12 : i32
    "tpu.region"() ({
      %run_scoped3A = tpu.sem_alloc : memref<!tpu.dma_semaphore, #tpu.memory_space<semaphore_mem>>
      %dma_start3A_77 = arith.constant 0 : i32
      %dma_start3A_78 = tpu.memref_slice %arg12[%add3A_13, %dma_start3A_77] : memref<10240x128xf32, #tpu.memory_space<vmem_shared>> -> memref<80x128xf32, #tpu.memory_space<vmem_shared>>
      %dma_start3A_79 = arith.constant 0 : i32
      %dma_start3A_80 = tpu.memref_slice %arg12[%add3A_13, %dma_start3A_79] : memref<10240x128xf32, #tpu.memory_space<vmem_shared>> -> memref<80x128xf32, #tpu.memory_space<vmem_shared>>
      tpu.enqueue_dma source(%arg11 : memref<80x128xf32, #tpu.memory_space<vmem>>) target(%dma_start3A_80 : memref<80x128xf32, #tpu.memory_space<vmem_shared>>) target_semaphore(%run_scoped3A : memref<!tpu.dma_semaphore, #tpu.memory_space<semaphore_mem>>)
      %dma_wait3A_81 = arith.constant 0 : i32
      %dma_wait3A_82 = tpu.memref_slice %arg12[%add3A_13, %dma_wait3A_81] : memref<10240x128xf32, #tpu.memory_space<vmem_shared>> -> memref<80x128xf32, #tpu.memory_space<vmem_shared>>
      %dma_wait3A_83 = arith.constant 0 : i32
      %dma_wait3A_84 = tpu.memref_slice %arg12[%add3A_13, %dma_wait3A_83] : memref<10240x128xf32, #tpu.memory_space<vmem_shared>> -> memref<80x128xf32, #tpu.memory_space<vmem_shared>>
      tpu.wait_dma2 semaphore(%run_scoped3A : memref<!tpu.dma_semaphore, #tpu.memory_space<semaphore_mem>>) src(%arg11 : memref<80x128xf32, #tpu.memory_space<vmem>>) dst(%dma_wait3A_84 : memref<80x128xf32, #tpu.memory_space<vmem_shared>>)
      tpu.yield
    }) : () -> ()
    %mul3A_14 = arith.constant 640 : i32
    %mul3A_15 = arith.muli %arg1, %mul3A_14 : i32
    %add3A_16 = arith.constant 160 : i32
    %add3A_17 = arith.addi %mul3A_15, %add3A_16 : i32
    "tpu.region"() ({
      %run_scoped3A = tpu.sem_alloc : memref<!tpu.dma_semaphore, #tpu.memory_space<semaphore_mem>>
      %dma_start3A_77 = arith.constant 0 : i32
      %dma_start3A_78 = tpu.memref_slice %arg12[%add3A_17, %dma_start3A_77] : memref<10240x128xf32, #tpu.memory_space<vmem_shared>> -> memref<80x128xf32, #tpu.memory_space<vmem_shared>>
      %dma_start3A_79 = arith.constant 0 : i32
      %dma_start3A_80 = tpu.memref_slice %arg12[%add3A_17, %dma_start3A_79] : memref<10240x128xf32, #tpu.memory_space<vmem_shared>> -> memref<80x128xf32, #tpu.memory_space<vmem_shared>>
      tpu.enqueue_dma source(%arg11 : memref<80x128xf32, #tpu.memory_space<vmem>>) target(%dma_start3A_80 : memref<80x128xf32, #tpu.memory_space<vmem_shared>>) target_semaphore(%run_scoped3A : memref<!tpu.dma_semaphore, #tpu.memory_space<semaphore_mem>>)
      %dma_wait3A_81 = arith.constant 0 : i32
      %dma_wait3A_82 = tpu.memref_slice %arg12[%add3A_17, %dma_wait3A_81] : memref<10240x128xf32, #tpu.memory_space<vmem_shared>> -> memref<80x128xf32, #tpu.memory_space<vmem_shared>>
      %dma_wait3A_83 = arith.constant 0 : i32
      %dma_wait3A_84 = tpu.memref_slice %arg12[%add3A_17, %dma_wait3A_83] : memref<10240x128xf32, #tpu.memory_space<vmem_shared>> -> memref<80x128xf32, #tpu.memory_space<vmem_shared>>
      tpu.wait_dma2 semaphore(%run_scoped3A : memref<!tpu.dma_semaphore, #tpu.memory_space<semaphore_mem>>) src(%arg11 : memref<80x128xf32, #tpu.memory_space<vmem>>) dst(%dma_wait3A_84 : memref<80x128xf32, #tpu.memory_space<vmem_shared>>)
      tpu.yield
    }) : () -> ()
    %mul3A_18 = arith.constant 640 : i32
    %mul3A_19 = arith.muli %arg1, %mul3A_18 : i32
    %add3A_20 = arith.constant 240 : i32
    %add3A_21 = arith.addi %mul3A_19, %add3A_20 : i32
    "tpu.region"() ({
      %run_scoped3A = tpu.sem_alloc : memref<!tpu.dma_semaphore, #tpu.memory_space<semaphore_mem>>
      %dma_start3A_77 = arith.constant 0 : i32
      %dma_start3A_78 = tpu.memref_slice %arg12[%add3A_21, %dma_start3A_77] : memref<10240x128xf32, #tpu.memory_space<vmem_shared>> -> memref<80x128xf32, #tpu.memory_space<vmem_shared>>
      %dma_start3A_79 = arith.constant 0 : i32
      %dma_start3A_80 = tpu.memref_slice %arg12[%add3A_21, %dma_start3A_79] : memref<10240x128xf32, #tpu.memory_space<vmem_shared>> -> memref<80x128xf32, #tpu.memory_space<vmem_shared>>
      tpu.enqueue_dma source(%arg11 : memref<80x128xf32, #tpu.memory_space<vmem>>) target(%dma_start3A_80 : memref<80x128xf32, #tpu.memory_space<vmem_shared>>) target_semaphore(%run_scoped3A : memref<!tpu.dma_semaphore, #tpu.memory_space<semaphore_mem>>)
      %dma_wait3A_81 = arith.constant 0 : i32
      %dma_wait3A_82 = tpu.memref_slice %arg12[%add3A_21, %dma_wait3A_81] : memref<10240x128xf32, #tpu.memory_space<vmem_shared>> -> memref<80x128xf32, #tpu.memory_space<vmem_shared>>
      %dma_wait3A_83 = arith.constant 0 : i32
      %dma_wait3A_84 = tpu.memref_slice %arg12[%add3A_21, %dma_wait3A_83] : memref<10240x128xf32, #tpu.memory_space<vmem_shared>> -> memref<80x128xf32, #tpu.memory_space<vmem_shared>>
      tpu.wait_dma2 semaphore(%run_scoped3A : memref<!tpu.dma_semaphore, #tpu.memory_space<semaphore_mem>>) src(%arg11 : memref<80x128xf32, #tpu.memory_space<vmem>>) dst(%dma_wait3A_84 : memref<80x128xf32, #tpu.memory_space<vmem_shared>>)
      tpu.yield
    }) : () -> ()
    %mul3A_22 = arith.constant 640 : i32
    %mul3A_23 = arith.muli %arg1, %mul3A_22 : i32
    %add3A_24 = arith.constant 320 : i32
    %add3A_25 = arith.addi %mul3A_23, %add3A_24 : i32
    "tpu.region"() ({
      %run_scoped3A = tpu.sem_alloc : memref<!tpu.dma_semaphore, #tpu.memory_space<semaphore_mem>>
      %dma_start3A_77 = arith.constant 0 : i32
      %dma_start3A_78 = tpu.memref_slice %arg12[%add3A_25, %dma_start3A_77] : memref<10240x128xf32, #tpu.memory_space<vmem_shared>> -> memref<80x128xf32, #tpu.memory_space<vmem_shared>>
      %dma_start3A_79 = arith.constant 0 : i32
      %dma_start3A_80 = tpu.memref_slice %arg12[%add3A_25, %dma_start3A_79] : memref<10240x128xf32, #tpu.memory_space<vmem_shared>> -> memref<80x128xf32, #tpu.memory_space<vmem_shared>>
      tpu.enqueue_dma source(%arg11 : memref<80x128xf32, #tpu.memory_space<vmem>>) target(%dma_start3A_80 : memref<80x128xf32, #tpu.memory_space<vmem_shared>>) target_semaphore(%run_scoped3A : memref<!tpu.dma_semaphore, #tpu.memory_space<semaphore_mem>>)
      %dma_wait3A_81 = arith.constant 0 : i32
      %dma_wait3A_82 = tpu.memref_slice %arg12[%add3A_25, %dma_wait3A_81] : memref<10240x128xf32, #tpu.memory_space<vmem_shared>> -> memref<80x128xf32, #tpu.memory_space<vmem_shared>>
      %dma_wait3A_83 = arith.constant 0 : i32
      %dma_wait3A_84 = tpu.memref_slice %arg12[%add3A_25, %dma_wait3A_83] : memref<10240x128xf32, #tpu.memory_space<vmem_shared>> -> memref<80x128xf32, #tpu.memory_space<vmem_shared>>
      tpu.wait_dma2 semaphore(%run_scoped3A : memref<!tpu.dma_semaphore, #tpu.memory_space<semaphore_mem>>) src(%arg11 : memref<80x128xf32, #tpu.memory_space<vmem>>) dst(%dma_wait3A_84 : memref<80x128xf32, #tpu.memory_space<vmem_shared>>)
      tpu.yield
    }) : () -> ()
    %mul3A_26 = arith.constant 640 : i32
    %mul3A_27 = arith.muli %arg1, %mul3A_26 : i32
    %add3A_28 = arith.constant 400 : i32
    %add3A_29 = arith.addi %mul3A_27, %add3A_28 : i32
    "tpu.region"() ({
      %run_scoped3A = tpu.sem_alloc : memref<!tpu.dma_semaphore, #tpu.memory_space<semaphore_mem>>
      %dma_start3A_77 = arith.constant 0 : i32
      %dma_start3A_78 = tpu.memref_slice %arg12[%add3A_29, %dma_start3A_77] : memref<10240x128xf32, #tpu.memory_space<vmem_shared>> -> memref<80x128xf32, #tpu.memory_space<vmem_shared>>
      %dma_start3A_79 = arith.constant 0 : i32
      %dma_start3A_80 = tpu.memref_slice %arg12[%add3A_29, %dma_start3A_79] : memref<10240x128xf32, #tpu.memory_space<vmem_shared>> -> memref<80x128xf32, #tpu.memory_space<vmem_shared>>
      tpu.enqueue_dma source(%arg11 : memref<80x128xf32, #tpu.memory_space<vmem>>) target(%dma_start3A_80 : memref<80x128xf32, #tpu.memory_space<vmem_shared>>) target_semaphore(%run_scoped3A : memref<!tpu.dma_semaphore, #tpu.memory_space<semaphore_mem>>)
      %dma_wait3A_81 = arith.constant 0 : i32
      %dma_wait3A_82 = tpu.memref_slice %arg12[%add3A_29, %dma_wait3A_81] : memref<10240x128xf32, #tpu.memory_space<vmem_shared>> -> memref<80x128xf32, #tpu.memory_space<vmem_shared>>
      %dma_wait3A_83 = arith.constant 0 : i32
      %dma_wait3A_84 = tpu.memref_slice %arg12[%add3A_29, %dma_wait3A_83] : memref<10240x128xf32, #tpu.memory_space<vmem_shared>> -> memref<80x128xf32, #tpu.memory_space<vmem_shared>>
      tpu.wait_dma2 semaphore(%run_scoped3A : memref<!tpu.dma_semaphore, #tpu.memory_space<semaphore_mem>>) src(%arg11 : memref<80x128xf32, #tpu.memory_space<vmem>>) dst(%dma_wait3A_84 : memref<80x128xf32, #tpu.memory_space<vmem_shared>>)
      tpu.yield
    }) : () -> ()
    %mul3A_30 = arith.constant 640 : i32
    %mul3A_31 = arith.muli %arg1, %mul3A_30 : i32
    %add3A_32 = arith.constant 480 : i32
    %add3A_33 = arith.addi %mul3A_31, %add3A_32 : i32
    "tpu.region"() ({
      %run_scoped3A = tpu.sem_alloc : memref<!tpu.dma_semaphore, #tpu.memory_space<semaphore_mem>>
      %dma_start3A_77 = arith.constant 0 : i32
      %dma_start3A_78 = tpu.memref_slice %arg12[%add3A_33, %dma_start3A_77] : memref<10240x128xf32, #tpu.memory_space<vmem_shared>> -> memref<80x128xf32, #tpu.memory_space<vmem_shared>>
      %dma_start3A_79 = arith.constant 0 : i32
      %dma_start3A_80 = tpu.memref_slice %arg12[%add3A_33, %dma_start3A_79] : memref<10240x128xf32, #tpu.memory_space<vmem_shared>> -> memref<80x128xf32, #tpu.memory_space<vmem_shared>>
      tpu.enqueue_dma source(%arg11 : memref<80x128xf32, #tpu.memory_space<vmem>>) target(%dma_start3A_80 : memref<80x128xf32, #tpu.memory_space<vmem_shared>>) target_semaphore(%run_scoped3A : memref<!tpu.dma_semaphore, #tpu.memory_space<semaphore_mem>>)
      %dma_wait3A_81 = arith.constant 0 : i32
      %dma_wait3A_82 = tpu.memref_slice %arg12[%add3A_33, %dma_wait3A_81] : memref<10240x128xf32, #tpu.memory_space<vmem_shared>> -> memref<80x128xf32, #tpu.memory_space<vmem_shared>>
      %dma_wait3A_83 = arith.constant 0 : i32
      %dma_wait3A_84 = tpu.memref_slice %arg12[%add3A_33, %dma_wait3A_83] : memref<10240x128xf32, #tpu.memory_space<vmem_shared>> -> memref<80x128xf32, #tpu.memory_space<vmem_shared>>
      tpu.wait_dma2 semaphore(%run_scoped3A : memref<!tpu.dma_semaphore, #tpu.memory_space<semaphore_mem>>) src(%arg11 : memref<80x128xf32, #tpu.memory_space<vmem>>) dst(%dma_wait3A_84 : memref<80x128xf32, #tpu.memory_space<vmem_shared>>)
      tpu.yield
    }) : () -> ()
    %mul3A_34 = arith.constant 640 : i32
    %mul3A_35 = arith.muli %arg1, %mul3A_34 : i32
    %add3A_36 = arith.constant 560 : i32
    %add3A_37 = arith.addi %mul3A_35, %add3A_36 : i32
    "tpu.region"() ({
      %run_scoped3A = tpu.sem_alloc : memref<!tpu.dma_semaphore, #tpu.memory_space<semaphore_mem>>
      %dma_start3A_77 = arith.constant 0 : i32
      %dma_start3A_78 = tpu.memref_slice %arg12[%add3A_37, %dma_start3A_77] : memref<10240x128xf32, #tpu.memory_space<vmem_shared>> -> memref<80x128xf32, #tpu.memory_space<vmem_shared>>
      %dma_start3A_79 = arith.constant 0 : i32
      %dma_start3A_80 = tpu.memref_slice %arg12[%add3A_37, %dma_start3A_79] : memref<10240x128xf32, #tpu.memory_space<vmem_shared>> -> memref<80x128xf32, #tpu.memory_space<vmem_shared>>
      tpu.enqueue_dma source(%arg11 : memref<80x128xf32, #tpu.memory_space<vmem>>) target(%dma_start3A_80 : memref<80x128xf32, #tpu.memory_space<vmem_shared>>) target_semaphore(%run_scoped3A : memref<!tpu.dma_semaphore, #tpu.memory_space<semaphore_mem>>)
      %dma_wait3A_81 = arith.constant 0 : i32
      %dma_wait3A_82 = tpu.memref_slice %arg12[%add3A_37, %dma_wait3A_81] : memref<10240x128xf32, #tpu.memory_space<vmem_shared>> -> memref<80x128xf32, #tpu.memory_space<vmem_shared>>
      %dma_wait3A_83 = arith.constant 0 : i32
      %dma_wait3A_84 = tpu.memref_slice %arg12[%add3A_37, %dma_wait3A_83] : memref<10240x128xf32, #tpu.memory_space<vmem_shared>> -> memref<80x128xf32, #tpu.memory_space<vmem_shared>>
      tpu.wait_dma2 semaphore(%run_scoped3A : memref<!tpu.dma_semaphore, #tpu.memory_space<semaphore_mem>>) src(%arg11 : memref<80x128xf32, #tpu.memory_space<vmem>>) dst(%dma_wait3A_84 : memref<80x128xf32, #tpu.memory_space<vmem_shared>>)
      tpu.yield
    }) : () -> ()
    %barrier3A = arith.constant 0 : index
    tpu.barrier barrier_id(%barrier3A)
    %mul3A_38 = arith.constant 125 : i32
    %mul3A_39 = arith.muli %add3A, %mul3A_38 : i32
    %add3A_40 = arith.constant 0 : i32
    %add3A_41 = arith.addi %mul3A_39, %add3A_40 : i32
    %dma_start3A = arith.constant 0 : i32
    %dma_start3A_42 = tpu.memref_slice %arg4[%add3A_41, %dma_start3A] : memref<4000x80xi32, #tpu.memory_space<hbm>> -> memref<1x80xi32, #tpu.memory_space<hbm>>
    %dma_start3A_43 = tpu.memref_squeeze %dma_start3A_42 : memref<1x80xi32, #tpu.memory_space<hbm>> -> memref<80xi32, #tpu.memory_space<hbm>>
    %dma_start3A_44 = arith.constant 0 : i32
    %dma_start3A_45 = tpu.memref_slice %arg4[%add3A_41, %dma_start3A_44] : memref<4000x80xi32, #tpu.memory_space<hbm>> -> memref<1x80xi32, #tpu.memory_space<hbm>>
    %dma_start3A_46 = tpu.memref_squeeze %dma_start3A_45 : memref<1x80xi32, #tpu.memory_space<hbm>> -> memref<80xi32, #tpu.memory_space<hbm>>
    tpu.enqueue_dma source(%dma_start3A_46 : memref<80xi32, #tpu.memory_space<hbm>>) target(%arg7 : memref<80xi32, #tpu.memory_space<vmem>>) target_semaphore(%arg13 : memref<!tpu.dma_semaphore, #tpu.memory_space<semaphore_mem>>)
    %dma_start3A_47 = arith.constant 0 : i32
    %dma_start3A_48 = tpu.memref_slice %arg6[%dma_start3A_47] : memref<10000xi32, #tpu.memory_space<vmem>> -> memref<80xi32, #tpu.memory_space<vmem>>
    %dma_start3A_49 = arith.constant 0 : i32
    %dma_start3A_50 = arith.constant 0 : i32
    %dma_start3A_51 = tpu.memref_slice %arg2[%dma_start3A_49, %dma_start3A_50] : memref<10000x128xf32, #tpu.memory_space<hbm>> -> memref<10000x128xf32, #tpu.memory_space<hbm>>
    tpu.enqueue_indirect_dma source(%dma_start3A_51 : memref<10000x128xf32, #tpu.memory_space<hbm>>) target(%arg9 : memref<80x128xf32, #tpu.memory_space<vmem>>) offsets(%dma_start3A_48 : memref<80xi32, #tpu.memory_space<vmem>>) semaphore(%arg15 : memref<!tpu.dma_semaphore, #tpu.memory_space<semaphore_mem>>)
    %scan3A_52 = arith.constant 0 : i32
    %scan3A_53 = arith.constant 0 : i32
    %scan3A_54 = arith.constant 62 : i32
    %scan3A_55 = arith.addi %scan3A_53, %scan3A_54 : i32
    %scan3A_56 = arith.constant 1 : i32
    scf.for %scan3A_77 = %scan3A_53 to %scan3A_55 step %scan3A_56  : i32 {
      %mul3A_78 = arith.constant 2 : i32
      %mul3A_79 = arith.muli %mul3A_78, %scan3A_77 : i32
      %add3A_80 = arith.constant 1 : i32
      %add3A_81 = arith.addi %mul3A_79, %add3A_80 : i32
      %mul3A_82 = arith.constant 125 : i32
      %mul3A_83 = arith.muli %add3A, %mul3A_82 : i32
      %add3A_84 = arith.addi %mul3A_83, %add3A_81 : i32
      %dma_start3A_85 = arith.constant 0 : i32
      %dma_start3A_86 = tpu.memref_slice %arg4[%add3A_84, %dma_start3A_85] : memref<4000x80xi32, #tpu.memory_space<hbm>> -> memref<1x80xi32, #tpu.memory_space<hbm>>
      %dma_start3A_87 = tpu.memref_squeeze %dma_start3A_86 : memref<1x80xi32, #tpu.memory_space<hbm>> -> memref<80xi32, #tpu.memory_space<hbm>>
      %dma_start3A_88 = arith.constant 0 : i32
      %dma_start3A_89 = tpu.memref_slice %arg4[%add3A_84, %dma_start3A_88] : memref<4000x80xi32, #tpu.memory_space<hbm>> -> memref<1x80xi32, #tpu.memory_space<hbm>>
      %dma_start3A_90 = tpu.memref_squeeze %dma_start3A_89 : memref<1x80xi32, #tpu.memory_space<hbm>> -> memref<80xi32, #tpu.memory_space<hbm>>
      tpu.enqueue_dma source(%dma_start3A_90 : memref<80xi32, #tpu.memory_space<hbm>>) target(%arg8 : memref<80xi32, #tpu.memory_space<vmem>>) target_semaphore(%arg14 : memref<!tpu.dma_semaphore, #tpu.memory_space<semaphore_mem>>)
      %mul3A_91 = arith.constant 80 : i32
      %mul3A_92 = arith.muli %add3A_81, %mul3A_91 : i32
      %dma_start3A_93 = tpu.memref_slice %arg6[%mul3A_92] : memref<10000xi32, #tpu.memory_space<vmem>> -> memref<80xi32, #tpu.memory_space<vmem>>
      %dma_start3A_94 = arith.constant 0 : i32
      %dma_start3A_95 = arith.constant 0 : i32
      %dma_start3A_96 = tpu.memref_slice %arg2[%dma_start3A_94, %dma_start3A_95] : memref<10000x128xf32, #tpu.memory_space<hbm>> -> memref<10000x128xf32, #tpu.memory_space<hbm>>
      tpu.enqueue_indirect_dma source(%dma_start3A_96 : memref<10000x128xf32, #tpu.memory_space<hbm>>) target(%arg10 : memref<80x128xf32, #tpu.memory_space<vmem>>) offsets(%dma_start3A_93 : memref<80xi32, #tpu.memory_space<vmem>>) semaphore(%arg16 : memref<!tpu.dma_semaphore, #tpu.memory_space<semaphore_mem>>)
      %mul3A_97 = arith.constant 125 : i32
      %mul3A_98 = arith.muli %add3A, %mul3A_97 : i32
      %add3A_99 = arith.addi %mul3A_98, %mul3A_79 : i32
      %dma_wait3A_100 = arith.constant 0 : i32
      %dma_wait3A_101 = tpu.memref_slice %arg4[%add3A_99, %dma_wait3A_100] : memref<4000x80xi32, #tpu.memory_space<hbm>> -> memref<1x80xi32, #tpu.memory_space<hbm>>
      %dma_wait3A_102 = tpu.memref_squeeze %dma_wait3A_101 : memref<1x80xi32, #tpu.memory_space<hbm>> -> memref<80xi32, #tpu.memory_space<hbm>>
      %dma_wait3A_103 = arith.constant 0 : i32
      %dma_wait3A_104 = tpu.memref_slice %arg4[%add3A_99, %dma_wait3A_103] : memref<4000x80xi32, #tpu.memory_space<hbm>> -> memref<1x80xi32, #tpu.memory_space<hbm>>
      %dma_wait3A_105 = tpu.memref_squeeze %dma_wait3A_104 : memref<1x80xi32, #tpu.memory_space<hbm>> -> memref<80xi32, #tpu.memory_space<hbm>>
      tpu.wait_dma2 semaphore(%arg13 : memref<!tpu.dma_semaphore, #tpu.memory_space<semaphore_mem>>) src(%dma_wait3A_105 : memref<80xi32, #tpu.memory_space<hbm>>) dst(%arg7 : memref<80xi32, #tpu.memory_space<vmem>>)
      %mul3A_106 = arith.constant 80 : i32
      %mul3A_107 = arith.muli %mul3A_79, %mul3A_106 : i32
      %dma_wait3A_108 = tpu.memref_slice %arg6[%mul3A_107] : memref<10000xi32, #tpu.memory_space<vmem>> -> memref<80xi32, #tpu.memory_space<vmem>>
      %dma_wait3A_109 = arith.constant 0 : i32
      %dma_wait3A_110 = arith.constant 0 : i32
      %dma_wait3A_111 = tpu.memref_slice %arg2[%dma_wait3A_109, %dma_wait3A_110] : memref<10000x128xf32, #tpu.memory_space<hbm>> -> memref<10000x128xf32, #tpu.memory_space<hbm>>
      tpu.wait_indirect_dma semaphore(%arg15 : memref<!tpu.dma_semaphore, #tpu.memory_space<semaphore_mem>>) src(%dma_wait3A_111 : memref<10000x128xf32, #tpu.memory_space<hbm>>) dst(%arg9 : memref<80x128xf32, #tpu.memory_space<vmem>>)
      "tpu.region"() ({
        %run_scoped3A = tpu.sem_alloc : memref<!tpu.dma_semaphore, #tpu.memory_space<semaphore_mem>>
        %dma_start3A_146 = arith.constant 0 : i32
        %dma_start3A_147 = arith.constant 0 : i32
        %dma_start3A_148 = tpu.memref_slice %arg12[%dma_start3A_146, %dma_start3A_147] : memref<10240x128xf32, #tpu.memory_space<vmem_shared>> -> memref<10240x128xf32, #tpu.memory_space<vmem_shared>>
        tpu.enqueue_indirect_dma source(%arg9 : memref<80x128xf32, #tpu.memory_space<vmem>>) target(%dma_start3A_148 : memref<10240x128xf32, #tpu.memory_space<vmem_shared>>) offsets(%arg7 : memref<80xi32, #tpu.memory_space<vmem>>) semaphore(%run_scoped3A : memref<!tpu.dma_semaphore, #tpu.memory_space<semaphore_mem>>) {add = true}
        %dma_wait3A_149 = arith.constant 0 : i32
        %dma_wait3A_150 = arith.constant 0 : i32
        %dma_wait3A_151 = tpu.memref_slice %arg12[%dma_wait3A_149, %dma_wait3A_150] : memref<10240x128xf32, #tpu.memory_space<vmem_shared>> -> memref<10240x128xf32, #tpu.memory_space<vmem_shared>>
        tpu.wait_indirect_dma semaphore(%run_scoped3A : memref<!tpu.dma_semaphore, #tpu.memory_space<semaphore_mem>>) src(%arg9 : memref<80x128xf32, #tpu.memory_space<vmem>>) dst(%dma_wait3A_151 : memref<10240x128xf32, #tpu.memory_space<vmem_shared>>)
        tpu.yield
      }) : () -> ()
      %add3A_112 = arith.constant 2 : i32
      %add3A_113 = arith.addi %mul3A_79, %add3A_112 : i32
      %mul3A_114 = arith.constant 125 : i32
      %mul3A_115 = arith.muli %add3A, %mul3A_114 : i32
      %add3A_116 = arith.addi %mul3A_115, %add3A_113 : i32
      %dma_start3A_117 = arith.constant 0 : i32
      %dma_start3A_118 = tpu.memref_slice %arg4[%add3A_116, %dma_start3A_117] : memref<4000x80xi32, #tpu.memory_space<hbm>> -> memref<1x80xi32, #tpu.memory_space<hbm>>
      %dma_start3A_119 = tpu.memref_squeeze %dma_start3A_118 : memref<1x80xi32, #tpu.memory_space<hbm>> -> memref<80xi32, #tpu.memory_space<hbm>>
      %dma_start3A_120 = arith.constant 0 : i32
      %dma_start3A_121 = tpu.memref_slice %arg4[%add3A_116, %dma_start3A_120] : memref<4000x80xi32, #tpu.memory_space<hbm>> -> memref<1x80xi32, #tpu.memory_space<hbm>>
      %dma_start3A_122 = tpu.memref_squeeze %dma_start3A_121 : memref<1x80xi32, #tpu.memory_space<hbm>> -> memref<80xi32, #tpu.memory_space<hbm>>
      tpu.enqueue_dma source(%dma_start3A_122 : memref<80xi32, #tpu.memory_space<hbm>>) target(%arg7 : memref<80xi32, #tpu.memory_space<vmem>>) target_semaphore(%arg13 : memref<!tpu.dma_semaphore, #tpu.memory_space<semaphore_mem>>)
      %mul3A_123 = arith.constant 80 : i32
      %mul3A_124 = arith.muli %add3A_113, %mul3A_123 : i32
      %dma_start3A_125 = tpu.memref_slice %arg6[%mul3A_124] : memref<10000xi32, #tpu.memory_space<vmem>> -> memref<80xi32, #tpu.memory_space<vmem>>
      %dma_start3A_126 = arith.constant 0 : i32
      %dma_start3A_127 = arith.constant 0 : i32
      %dma_start3A_128 = tpu.memref_slice %arg2[%dma_start3A_126, %dma_start3A_127] : memref<10000x128xf32, #tpu.memory_space<hbm>> -> memref<10000x128xf32, #tpu.memory_space<hbm>>
      tpu.enqueue_indirect_dma source(%dma_start3A_128 : memref<10000x128xf32, #tpu.memory_space<hbm>>) target(%arg9 : memref<80x128xf32, #tpu.memory_space<vmem>>) offsets(%dma_start3A_125 : memref<80xi32, #tpu.memory_space<vmem>>) semaphore(%arg15 : memref<!tpu.dma_semaphore, #tpu.memory_space<semaphore_mem>>)
      %add3A_129 = arith.constant 1 : i32
      %add3A_130 = arith.addi %mul3A_79, %add3A_129 : i32
      %mul3A_131 = arith.constant 125 : i32
      %mul3A_132 = arith.muli %add3A, %mul3A_131 : i32
      %add3A_133 = arith.addi %mul3A_132, %add3A_130 : i32
      %dma_wait3A_134 = arith.constant 0 : i32
      %dma_wait3A_135 = tpu.memref_slice %arg4[%add3A_133, %dma_wait3A_134] : memref<4000x80xi32, #tpu.memory_space<hbm>> -> memref<1x80xi32, #tpu.memory_space<hbm>>
      %dma_wait3A_136 = tpu.memref_squeeze %dma_wait3A_135 : memref<1x80xi32, #tpu.memory_space<hbm>> -> memref<80xi32, #tpu.memory_space<hbm>>
      %dma_wait3A_137 = arith.constant 0 : i32
      %dma_wait3A_138 = tpu.memref_slice %arg4[%add3A_133, %dma_wait3A_137] : memref<4000x80xi32, #tpu.memory_space<hbm>> -> memref<1x80xi32, #tpu.memory_space<hbm>>
      %dma_wait3A_139 = tpu.memref_squeeze %dma_wait3A_138 : memref<1x80xi32, #tpu.memory_space<hbm>> -> memref<80xi32, #tpu.memory_space<hbm>>
      tpu.wait_dma2 semaphore(%arg14 : memref<!tpu.dma_semaphore, #tpu.memory_space<semaphore_mem>>) src(%dma_wait3A_139 : memref<80xi32, #tpu.memory_space<hbm>>) dst(%arg8 : memref<80xi32, #tpu.memory_space<vmem>>)
      %mul3A_140 = arith.constant 80 : i32
      %mul3A_141 = arith.muli %add3A_130, %mul3A_140 : i32
      %dma_wait3A_142 = tpu.memref_slice %arg6[%mul3A_141] : memref<10000xi32, #tpu.memory_space<vmem>> -> memref<80xi32, #tpu.memory_space<vmem>>
      %dma_wait3A_143 = arith.constant 0 : i32
      %dma_wait3A_144 = arith.constant 0 : i32
      %dma_wait3A_145 = tpu.memref_slice %arg2[%dma_wait3A_143, %dma_wait3A_144] : memref<10000x128xf32, #tpu.memory_space<hbm>> -> memref<10000x128xf32, #tpu.memory_space<hbm>>
      tpu.wait_indirect_dma semaphore(%arg16 : memref<!tpu.dma_semaphore, #tpu.memory_space<semaphore_mem>>) src(%dma_wait3A_145 : memref<10000x128xf32, #tpu.memory_space<hbm>>) dst(%arg10 : memref<80x128xf32, #tpu.memory_space<vmem>>)
      "tpu.region"() ({
        %run_scoped3A = tpu.sem_alloc : memref<!tpu.dma_semaphore, #tpu.memory_space<semaphore_mem>>
        %dma_start3A_146 = arith.constant 0 : i32
        %dma_start3A_147 = arith.constant 0 : i32
        %dma_start3A_148 = tpu.memref_slice %arg12[%dma_start3A_146, %dma_start3A_147] : memref<10240x128xf32, #tpu.memory_space<vmem_shared>> -> memref<10240x128xf32, #tpu.memory_space<vmem_shared>>
        tpu.enqueue_indirect_dma source(%arg10 : memref<80x128xf32, #tpu.memory_space<vmem>>) target(%dma_start3A_148 : memref<10240x128xf32, #tpu.memory_space<vmem_shared>>) offsets(%arg8 : memref<80xi32, #tpu.memory_space<vmem>>) semaphore(%run_scoped3A : memref<!tpu.dma_semaphore, #tpu.memory_space<semaphore_mem>>) {add = true}
        %dma_wait3A_149 = arith.constant 0 : i32
        %dma_wait3A_150 = arith.constant 0 : i32
        %dma_wait3A_151 = tpu.memref_slice %arg12[%dma_wait3A_149, %dma_wait3A_150] : memref<10240x128xf32, #tpu.memory_space<vmem_shared>> -> memref<10240x128xf32, #tpu.memory_space<vmem_shared>>
        tpu.wait_indirect_dma semaphore(%run_scoped3A : memref<!tpu.dma_semaphore, #tpu.memory_space<semaphore_mem>>) src(%arg10 : memref<80x128xf32, #tpu.memory_space<vmem>>) dst(%dma_wait3A_151 : memref<10240x128xf32, #tpu.memory_space<vmem_shared>>)
        tpu.yield
      }) : () -> ()
    }
    %scan3A_57 = arith.constant 62 : i32
    %mul3A_58 = arith.constant 125 : i32
    %mul3A_59 = arith.muli %add3A, %mul3A_58 : i32
    %add3A_60 = arith.constant 124 : i32
    %add3A_61 = arith.addi %mul3A_59, %add3A_60 : i32
    %dma_wait3A = arith.constant 0 : i32
    %dma_wait3A_62 = tpu.memref_slice %arg4[%add3A_61, %dma_wait3A] : memref<4000x80xi32, #tpu.memory_space<hbm>> -> memref<1x80xi32, #tpu.memory_space<hbm>>
    %dma_wait3A_63 = tpu.memref_squeeze %dma_wait3A_62 : memref<1x80xi32, #tpu.memory_space<hbm>> -> memref<80xi32, #tpu.memory_space<hbm>>
    %dma_wait3A_64 = arith.constant 0 : i32
    %dma_wait3A_65 = tpu.memref_slice %arg4[%add3A_61, %dma_wait3A_64] : memref<4000x80xi32, #tpu.memory_space<hbm>> -> memref<1x80xi32, #tpu.memory_space<hbm>>
    %dma_wait3A_66 = tpu.memref_squeeze %dma_wait3A_65 : memref<1x80xi32, #tpu.memory_space<hbm>> -> memref<80xi32, #tpu.memory_space<hbm>>
    tpu.wait_dma2 semaphore(%arg13 : memref<!tpu.dma_semaphore, #tpu.memory_space<semaphore_mem>>) src(%dma_wait3A_66 : memref<80xi32, #tpu.memory_space<hbm>>) dst(%arg7 : memref<80xi32, #tpu.memory_space<vmem>>)
    %dma_wait3A_67 = arith.constant 9920 : i32
    %dma_wait3A_68 = tpu.memref_slice %arg6[%dma_wait3A_67] : memref<10000xi32, #tpu.memory_space<vmem>> -> memref<80xi32, #tpu.memory_space<vmem>>
    %dma_wait3A_69 = arith.constant 0 : i32
    %dma_wait3A_70 = arith.constant 0 : i32
    %dma_wait3A_71 = tpu.memref_slice %arg2[%dma_wait3A_69, %dma_wait3A_70] : memref<10000x128xf32, #tpu.memory_space<hbm>> -> memref<10000x128xf32, #tpu.memory_space<hbm>>
    tpu.wait_indirect_dma semaphore(%arg15 : memref<!tpu.dma_semaphore, #tpu.memory_space<semaphore_mem>>) src(%dma_wait3A_71 : memref<10000x128xf32, #tpu.memory_space<hbm>>) dst(%arg9 : memref<80x128xf32, #tpu.memory_space<vmem>>)
    "tpu.region"() ({
      %run_scoped3A = tpu.sem_alloc : memref<!tpu.dma_semaphore, #tpu.memory_space<semaphore_mem>>
      %dma_start3A_77 = arith.constant 0 : i32
      %dma_start3A_78 = arith.constant 0 : i32
      %dma_start3A_79 = tpu.memref_slice %arg12[%dma_start3A_77, %dma_start3A_78] : memref<10240x128xf32, #tpu.memory_space<vmem_shared>> -> memref<10240x128xf32, #tpu.memory_space<vmem_shared>>
      tpu.enqueue_indirect_dma source(%arg9 : memref<80x128xf32, #tpu.memory_space<vmem>>) target(%dma_start3A_79 : memref<10240x128xf32, #tpu.memory_space<vmem_shared>>) offsets(%arg7 : memref<80xi32, #tpu.memory_space<vmem>>) semaphore(%run_scoped3A : memref<!tpu.dma_semaphore, #tpu.memory_space<semaphore_mem>>) {add = true}
      %dma_wait3A_80 = arith.constant 0 : i32
      %dma_wait3A_81 = arith.constant 0 : i32
      %dma_wait3A_82 = tpu.memref_slice %arg12[%dma_wait3A_80, %dma_wait3A_81] : memref<10240x128xf32, #tpu.memory_space<vmem_shared>> -> memref<10240x128xf32, #tpu.memory_space<vmem_shared>>
      tpu.wait_indirect_dma semaphore(%run_scoped3A : memref<!tpu.dma_semaphore, #tpu.memory_space<semaphore_mem>>) src(%arg9 : memref<80x128xf32, #tpu.memory_space<vmem>>) dst(%dma_wait3A_82 : memref<10240x128xf32, #tpu.memory_space<vmem_shared>>)
      tpu.yield
    }) : () -> ()
    %barrier3A_72 = arith.constant 0 : index
    tpu.barrier barrier_id(%barrier3A_72)
    %mul3A_73 = arith.constant 640 : i32
    %mul3A_74 = arith.muli %arg1, %mul3A_73 : i32
    %mul3A_75 = arith.constant 640 : i32
    %mul3A_76 = arith.muli %arg1, %mul3A_75 : i32
    "tpu.region"() ({
      %run_scoped3A = tpu.sem_alloc : memref<!tpu.dma_semaphore, #tpu.memory_space<semaphore_mem>>
      %dma_start3A_77 = arith.constant 0 : i32
      %dma_start3A_78 = tpu.memref_slice %arg5[%arg0, %mul3A_76, %dma_start3A_77] : memref<2x10240x128xf32, #tpu.memory_space<hbm>> -> memref<1x640x128xf32, #tpu.memory_space<hbm>>
      %dma_start3A_79 = tpu.memref_squeeze %dma_start3A_78 : memref<1x640x128xf32, #tpu.memory_space<hbm>> -> memref<640x128xf32, #tpu.memory_space<hbm>>
      %dma_start3A_80 = arith.constant 0 : i32
      %dma_start3A_81 = tpu.memref_slice %arg12[%mul3A_74, %dma_start3A_80] : memref<10240x128xf32, #tpu.memory_space<vmem_shared>> -> memref<640x128xf32, #tpu.memory_space<vmem_shared>>
      tpu.enqueue_dma source(%dma_start3A_81 : memref<640x128xf32, #tpu.memory_space<vmem_shared>>) target(%dma_start3A_79 : memref<640x128xf32, #tpu.memory_space<hbm>>) target_semaphore(%run_scoped3A : memref<!tpu.dma_semaphore, #tpu.memory_space<semaphore_mem>>)
      %dma_wait3A_82 = arith.constant 0 : i32
      %dma_wait3A_83 = tpu.memref_slice %arg5[%arg0, %mul3A_76, %dma_wait3A_82] : memref<2x10240x128xf32, #tpu.memory_space<hbm>> -> memref<1x640x128xf32, #tpu.memory_space<hbm>>
      %dma_wait3A_84 = tpu.memref_squeeze %dma_wait3A_83 : memref<1x640x128xf32, #tpu.memory_space<hbm>> -> memref<640x128xf32, #tpu.memory_space<hbm>>
      %dma_wait3A_85 = arith.constant 0 : i32
      %dma_wait3A_86 = tpu.memref_slice %arg12[%mul3A_74, %dma_wait3A_85] : memref<10240x128xf32, #tpu.memory_space<vmem_shared>> -> memref<640x128xf32, #tpu.memory_space<vmem_shared>>
      tpu.wait_dma2 semaphore(%run_scoped3A : memref<!tpu.dma_semaphore, #tpu.memory_space<semaphore_mem>>) src(%dma_wait3A_86 : memref<640x128xf32, #tpu.memory_space<vmem_shared>>) dst(%dma_wait3A_84 : memref<640x128xf32, #tpu.memory_space<hbm>>)
      tpu.yield
    }) : () -> ()
    return
  }
}

#map = affine_map<(d0, d1) -> (0, 0)>
module attributes {stable_mosaic.version = 14 : i64} {
  func.func @sc_pair_gather(%arg0: i32, %arg1: i32, %arg2: memref<10000x128xf32, #tpu.memory_space<hbm>>, %arg3: memref<32x3200xi32, #tpu.memory_space<hbm>>, %arg4: memref<32x3200xi32, #tpu.memory_space<hbm>>, %arg5: memref<102400x128xf32, #tpu.memory_space<hbm>>, %arg6: memref<102400x128xf32, #tpu.memory_space<hbm>>, %arg7: memref<3200xi32, #tpu.memory_space<vmem>>, %arg8: memref<3200xi32, #tpu.memory_space<vmem>>, %arg9: memref<128x128xf32, #tpu.memory_space<vmem>>, %arg10: memref<128x128xf32, #tpu.memory_space<vmem>>, %arg11: memref<10240x128xf32, #tpu.memory_space<vmem_shared>>, %arg12: memref<!tpu.dma_semaphore, #tpu.memory_space<semaphore_mem>>, %arg13: memref<!tpu.dma_semaphore, #tpu.memory_space<semaphore_mem>>) attributes {dimension_semantics = [#tpu.dimension_semantics<core_parallel>, #tpu.dimension_semantics<subcore_parallel>], iteration_bounds = array<i64: 2, 16>, scalar_prefetch = 0 : i64, scratch_operands = 7 : i64, tpu.core_type = #tpu.core_type<sc_vector_subcore>, window_params = [{transform_indices = #map}, {transform_indices = #map}, {transform_indices = #map}, {transform_indices = #map}, {transform_indices = #map}]} {
    %mul3A = arith.constant 16 : i32
    %mul3A_0 = arith.muli %arg0, %mul3A : i32
    %add3A = arith.addi %mul3A_0, %arg1 : i32
    "tpu.region"() ({
      %run_scoped3A = tpu.sem_alloc : memref<!tpu.dma_semaphore, #tpu.memory_space<semaphore_mem>>
      %dma_start3A_38 = arith.constant 0 : i32
      %dma_start3A_39 = tpu.memref_slice %arg3[%add3A, %dma_start3A_38] : memref<32x3200xi32, #tpu.memory_space<hbm>> -> memref<1x3200xi32, #tpu.memory_space<hbm>>
      %dma_start3A_40 = tpu.memref_squeeze %dma_start3A_39 : memref<1x3200xi32, #tpu.memory_space<hbm>> -> memref<3200xi32, #tpu.memory_space<hbm>>
      %dma_start3A_41 = arith.constant 0 : i32
      %dma_start3A_42 = tpu.memref_slice %arg3[%add3A, %dma_start3A_41] : memref<32x3200xi32, #tpu.memory_space<hbm>> -> memref<1x3200xi32, #tpu.memory_space<hbm>>
      %dma_start3A_43 = tpu.memref_squeeze %dma_start3A_42 : memref<1x3200xi32, #tpu.memory_space<hbm>> -> memref<3200xi32, #tpu.memory_space<hbm>>
      tpu.enqueue_dma source(%dma_start3A_43 : memref<3200xi32, #tpu.memory_space<hbm>>) target(%arg7 : memref<3200xi32, #tpu.memory_space<vmem>>) target_semaphore(%run_scoped3A : memref<!tpu.dma_semaphore, #tpu.memory_space<semaphore_mem>>)
      %dma_wait3A_44 = arith.constant 0 : i32
      %dma_wait3A_45 = tpu.memref_slice %arg3[%add3A, %dma_wait3A_44] : memref<32x3200xi32, #tpu.memory_space<hbm>> -> memref<1x3200xi32, #tpu.memory_space<hbm>>
      %dma_wait3A_46 = tpu.memref_squeeze %dma_wait3A_45 : memref<1x3200xi32, #tpu.memory_space<hbm>> -> memref<3200xi32, #tpu.memory_space<hbm>>
      %dma_wait3A_47 = arith.constant 0 : i32
      %dma_wait3A_48 = tpu.memref_slice %arg3[%add3A, %dma_wait3A_47] : memref<32x3200xi32, #tpu.memory_space<hbm>> -> memref<1x3200xi32, #tpu.memory_space<hbm>>
      %dma_wait3A_49 = tpu.memref_squeeze %dma_wait3A_48 : memref<1x3200xi32, #tpu.memory_space<hbm>> -> memref<3200xi32, #tpu.memory_space<hbm>>
      tpu.wait_dma2 semaphore(%run_scoped3A : memref<!tpu.dma_semaphore, #tpu.memory_space<semaphore_mem>>) src(%dma_wait3A_49 : memref<3200xi32, #tpu.memory_space<hbm>>) dst(%arg7 : memref<3200xi32, #tpu.memory_space<vmem>>)
      tpu.yield
    }) : () -> ()
    "tpu.region"() ({
      %run_scoped3A = tpu.sem_alloc : memref<!tpu.dma_semaphore, #tpu.memory_space<semaphore_mem>>
      %dma_start3A_38 = arith.constant 0 : i32
      %dma_start3A_39 = tpu.memref_slice %arg4[%add3A, %dma_start3A_38] : memref<32x3200xi32, #tpu.memory_space<hbm>> -> memref<1x3200xi32, #tpu.memory_space<hbm>>
      %dma_start3A_40 = tpu.memref_squeeze %dma_start3A_39 : memref<1x3200xi32, #tpu.memory_space<hbm>> -> memref<3200xi32, #tpu.memory_space<hbm>>
      %dma_start3A_41 = arith.constant 0 : i32
      %dma_start3A_42 = tpu.memref_slice %arg4[%add3A, %dma_start3A_41] : memref<32x3200xi32, #tpu.memory_space<hbm>> -> memref<1x3200xi32, #tpu.memory_space<hbm>>
      %dma_start3A_43 = tpu.memref_squeeze %dma_start3A_42 : memref<1x3200xi32, #tpu.memory_space<hbm>> -> memref<3200xi32, #tpu.memory_space<hbm>>
      tpu.enqueue_dma source(%dma_start3A_43 : memref<3200xi32, #tpu.memory_space<hbm>>) target(%arg8 : memref<3200xi32, #tpu.memory_space<vmem>>) target_semaphore(%run_scoped3A : memref<!tpu.dma_semaphore, #tpu.memory_space<semaphore_mem>>)
      %dma_wait3A_44 = arith.constant 0 : i32
      %dma_wait3A_45 = tpu.memref_slice %arg4[%add3A, %dma_wait3A_44] : memref<32x3200xi32, #tpu.memory_space<hbm>> -> memref<1x3200xi32, #tpu.memory_space<hbm>>
      %dma_wait3A_46 = tpu.memref_squeeze %dma_wait3A_45 : memref<1x3200xi32, #tpu.memory_space<hbm>> -> memref<3200xi32, #tpu.memory_space<hbm>>
      %dma_wait3A_47 = arith.constant 0 : i32
      %dma_wait3A_48 = tpu.memref_slice %arg4[%add3A, %dma_wait3A_47] : memref<32x3200xi32, #tpu.memory_space<hbm>> -> memref<1x3200xi32, #tpu.memory_space<hbm>>
      %dma_wait3A_49 = tpu.memref_squeeze %dma_wait3A_48 : memref<1x3200xi32, #tpu.memory_space<hbm>> -> memref<3200xi32, #tpu.memory_space<hbm>>
      tpu.wait_dma2 semaphore(%run_scoped3A : memref<!tpu.dma_semaphore, #tpu.memory_space<semaphore_mem>>) src(%dma_wait3A_49 : memref<3200xi32, #tpu.memory_space<hbm>>) dst(%arg8 : memref<3200xi32, #tpu.memory_space<vmem>>)
      tpu.yield
    }) : () -> ()
    %lt3A = arith.constant 15 : i32
    %lt3A_1 = arith.cmpi slt, %arg1, %lt3A : i32
    %convert_element_type3A = arith.extui %lt3A_1 : i1 to i32
    %cond3A = arith.constant 0 : i32
    %cond3A_2 = arith.cmpi ne, %convert_element_type3A, %cond3A : i32
    scf.if %cond3A_2 {
      %mul3A_38 = arith.constant 640 : i32
      %mul3A_39 = arith.muli %arg1, %mul3A_38 : i32
      %mul3A_40 = arith.constant 640 : i32
      %mul3A_41 = arith.muli %arg1, %mul3A_40 : i32
      "tpu.region"() ({
        %run_scoped3A = tpu.sem_alloc : memref<!tpu.dma_semaphore, #tpu.memory_space<semaphore_mem>>
        %dma_start3A_42 = arith.constant 0 : i32
        %dma_start3A_43 = tpu.memref_slice %arg11[%mul3A_41, %dma_start3A_42] : memref<10240x128xf32, #tpu.memory_space<vmem_shared>> -> memref<640x128xf32, #tpu.memory_space<vmem_shared>>
        %dma_start3A_44 = arith.constant 0 : i32
        %dma_start3A_45 = tpu.memref_slice %arg2[%mul3A_39, %dma_start3A_44] : memref<10000x128xf32, #tpu.memory_space<hbm>> -> memref<640x128xf32, #tpu.memory_space<hbm>>
        tpu.enqueue_dma source(%dma_start3A_45 : memref<640x128xf32, #tpu.memory_space<hbm>>) target(%dma_start3A_43 : memref<640x128xf32, #tpu.memory_space<vmem_shared>>) target_semaphore(%run_scoped3A : memref<!tpu.dma_semaphore, #tpu.memory_space<semaphore_mem>>)
        %dma_wait3A_46 = arith.constant 0 : i32
        %dma_wait3A_47 = tpu.memref_slice %arg11[%mul3A_41, %dma_wait3A_46] : memref<10240x128xf32, #tpu.memory_space<vmem_shared>> -> memref<640x128xf32, #tpu.memory_space<vmem_shared>>
        %dma_wait3A_48 = arith.constant 0 : i32
        %dma_wait3A_49 = tpu.memref_slice %arg2[%mul3A_39, %dma_wait3A_48] : memref<10000x128xf32, #tpu.memory_space<hbm>> -> memref<640x128xf32, #tpu.memory_space<hbm>>
        tpu.wait_dma2 semaphore(%run_scoped3A : memref<!tpu.dma_semaphore, #tpu.memory_space<semaphore_mem>>) src(%dma_wait3A_49 : memref<640x128xf32, #tpu.memory_space<hbm>>) dst(%dma_wait3A_47 : memref<640x128xf32, #tpu.memory_space<vmem_shared>>)
        tpu.yield
      }) : () -> ()
    } else {
    }
    %eq3A = arith.constant 15 : i32
    %eq3A_3 = arith.cmpi eq, %arg1, %eq3A : i32
    %convert_element_type3A_4 = arith.extui %eq3A_3 : i1 to i32
    %cond3A_5 = arith.constant 0 : i32
    %cond3A_6 = arith.cmpi ne, %convert_element_type3A_4, %cond3A_5 : i32
    scf.if %cond3A_6 {
      "tpu.region"() ({
        %run_scoped3A = tpu.sem_alloc : memref<!tpu.dma_semaphore, #tpu.memory_space<semaphore_mem>>
        %dma_start3A_38 = arith.constant 9600 : i32
        %dma_start3A_39 = arith.constant 0 : i32
        %dma_start3A_40 = tpu.memref_slice %arg11[%dma_start3A_38, %dma_start3A_39] : memref<10240x128xf32, #tpu.memory_space<vmem_shared>> -> memref<400x128xf32, #tpu.memory_space<vmem_shared>>
        %dma_start3A_41 = arith.constant 9600 : i32
        %dma_start3A_42 = arith.constant 0 : i32
        %dma_start3A_43 = tpu.memref_slice %arg2[%dma_start3A_41, %dma_start3A_42] : memref<10000x128xf32, #tpu.memory_space<hbm>> -> memref<400x128xf32, #tpu.memory_space<hbm>>
        tpu.enqueue_dma source(%dma_start3A_43 : memref<400x128xf32, #tpu.memory_space<hbm>>) target(%dma_start3A_40 : memref<400x128xf32, #tpu.memory_space<vmem_shared>>) target_semaphore(%run_scoped3A : memref<!tpu.dma_semaphore, #tpu.memory_space<semaphore_mem>>)
        %dma_wait3A_44 = arith.constant 9600 : i32
        %dma_wait3A_45 = arith.constant 0 : i32
        %dma_wait3A_46 = tpu.memref_slice %arg11[%dma_wait3A_44, %dma_wait3A_45] : memref<10240x128xf32, #tpu.memory_space<vmem_shared>> -> memref<400x128xf32, #tpu.memory_space<vmem_shared>>
        %dma_wait3A_47 = arith.constant 9600 : i32
        %dma_wait3A_48 = arith.constant 0 : i32
        %dma_wait3A_49 = tpu.memref_slice %arg2[%dma_wait3A_47, %dma_wait3A_48] : memref<10000x128xf32, #tpu.memory_space<hbm>> -> memref<400x128xf32, #tpu.memory_space<hbm>>
        tpu.wait_dma2 semaphore(%run_scoped3A : memref<!tpu.dma_semaphore, #tpu.memory_space<semaphore_mem>>) src(%dma_wait3A_49 : memref<400x128xf32, #tpu.memory_space<hbm>>) dst(%dma_wait3A_46 : memref<400x128xf32, #tpu.memory_space<vmem_shared>>)
        tpu.yield
      }) : () -> ()
    } else {
    }
    %barrier3A = arith.constant 0 : index
    tpu.barrier barrier_id(%barrier3A)
    %dma_start3A = arith.constant 0 : i32
    %dma_start3A_7 = tpu.memref_slice %arg7[%dma_start3A] : memref<3200xi32, #tpu.memory_space<vmem>> -> memref<128xi32, #tpu.memory_space<vmem>>
    %dma_start3A_8 = arith.constant 0 : i32
    %dma_start3A_9 = arith.constant 0 : i32
    %dma_start3A_10 = tpu.memref_slice %arg11[%dma_start3A_8, %dma_start3A_9] : memref<10240x128xf32, #tpu.memory_space<vmem_shared>> -> memref<10240x128xf32, #tpu.memory_space<vmem_shared>>
    tpu.enqueue_indirect_dma source(%dma_start3A_10 : memref<10240x128xf32, #tpu.memory_space<vmem_shared>>) target(%arg9 : memref<128x128xf32, #tpu.memory_space<vmem>>) offsets(%dma_start3A_7 : memref<128xi32, #tpu.memory_space<vmem>>) semaphore(%arg12 : memref<!tpu.dma_semaphore, #tpu.memory_space<semaphore_mem>>)
    %scan3A = arith.constant 0 : i32
    %scan3A_11 = arith.constant 0 : i32
    %scan3A_12 = arith.constant 24 : i32
    %scan3A_13 = arith.addi %scan3A_11, %scan3A_12 : i32
    %scan3A_14 = arith.constant 1 : i32
    scf.for %scan3A_38 = %scan3A_11 to %scan3A_13 step %scan3A_14  : i32 {
      %mul3A_39 = arith.constant 128 : i32
      %mul3A_40 = arith.muli %scan3A_38, %mul3A_39 : i32
      %dma_start3A_41 = tpu.memref_slice %arg8[%mul3A_40] : memref<3200xi32, #tpu.memory_space<vmem>> -> memref<128xi32, #tpu.memory_space<vmem>>
      %dma_start3A_42 = arith.constant 0 : i32
      %dma_start3A_43 = arith.constant 0 : i32
      %dma_start3A_44 = tpu.memref_slice %arg11[%dma_start3A_42, %dma_start3A_43] : memref<10240x128xf32, #tpu.memory_space<vmem_shared>> -> memref<10240x128xf32, #tpu.memory_space<vmem_shared>>
      tpu.enqueue_indirect_dma source(%dma_start3A_44 : memref<10240x128xf32, #tpu.memory_space<vmem_shared>>) target(%arg10 : memref<128x128xf32, #tpu.memory_space<vmem>>) offsets(%dma_start3A_41 : memref<128xi32, #tpu.memory_space<vmem>>) semaphore(%arg13 : memref<!tpu.dma_semaphore, #tpu.memory_space<semaphore_mem>>)
      %mul3A_45 = arith.constant 128 : i32
      %mul3A_46 = arith.muli %scan3A_38, %mul3A_45 : i32
      %dma_wait3A_47 = tpu.memref_slice %arg7[%mul3A_46] : memref<3200xi32, #tpu.memory_space<vmem>> -> memref<128xi32, #tpu.memory_space<vmem>>
      %dma_wait3A_48 = arith.constant 0 : i32
      %dma_wait3A_49 = arith.constant 0 : i32
      %dma_wait3A_50 = tpu.memref_slice %arg11[%dma_wait3A_48, %dma_wait3A_49] : memref<10240x128xf32, #tpu.memory_space<vmem_shared>> -> memref<10240x128xf32, #tpu.memory_space<vmem_shared>>
      tpu.wait_indirect_dma semaphore(%arg12 : memref<!tpu.dma_semaphore, #tpu.memory_space<semaphore_mem>>) src(%dma_wait3A_50 : memref<10240x128xf32, #tpu.memory_space<vmem_shared>>) dst(%arg9 : memref<128x128xf32, #tpu.memory_space<vmem>>)
      %mul3A_51 = arith.constant 3200 : i32
      %mul3A_52 = arith.muli %add3A, %mul3A_51 : i32
      %mul3A_53 = arith.constant 128 : i32
      %mul3A_54 = arith.muli %scan3A_38, %mul3A_53 : i32
      %add3A_55 = arith.addi %mul3A_52, %mul3A_54 : i32
      "tpu.region"() ({
        %run_scoped3A = tpu.sem_alloc : memref<!tpu.dma_semaphore, #tpu.memory_space<semaphore_mem>>
        %dma_start3A_75 = arith.constant 0 : i32
        %dma_start3A_76 = tpu.memref_slice %arg5[%add3A_55, %dma_start3A_75] : memref<102400x128xf32, #tpu.memory_space<hbm>> -> memref<128x128xf32, #tpu.memory_space<hbm>>
        %dma_start3A_77 = arith.constant 0 : i32
        %dma_start3A_78 = tpu.memref_slice %arg5[%add3A_55, %dma_start3A_77] : memref<102400x128xf32, #tpu.memory_space<hbm>> -> memref<128x128xf32, #tpu.memory_space<hbm>>
        tpu.enqueue_dma source(%arg9 : memref<128x128xf32, #tpu.memory_space<vmem>>) target(%dma_start3A_78 : memref<128x128xf32, #tpu.memory_space<hbm>>) target_semaphore(%run_scoped3A : memref<!tpu.dma_semaphore, #tpu.memory_space<semaphore_mem>>)
        %dma_wait3A_79 = arith.constant 0 : i32
        %dma_wait3A_80 = tpu.memref_slice %arg5[%add3A_55, %dma_wait3A_79] : memref<102400x128xf32, #tpu.memory_space<hbm>> -> memref<128x128xf32, #tpu.memory_space<hbm>>
        %dma_wait3A_81 = arith.constant 0 : i32
        %dma_wait3A_82 = tpu.memref_slice %arg5[%add3A_55, %dma_wait3A_81] : memref<102400x128xf32, #tpu.memory_space<hbm>> -> memref<128x128xf32, #tpu.memory_space<hbm>>
        tpu.wait_dma2 semaphore(%run_scoped3A : memref<!tpu.dma_semaphore, #tpu.memory_space<semaphore_mem>>) src(%arg9 : memref<128x128xf32, #tpu.memory_space<vmem>>) dst(%dma_wait3A_82 : memref<128x128xf32, #tpu.memory_space<hbm>>)
        tpu.yield
      }) : () -> ()
      %add3A_56 = arith.constant 1 : i32
      %add3A_57 = arith.addi %scan3A_38, %add3A_56 : i32
      %mul3A_58 = arith.constant 128 : i32
      %mul3A_59 = arith.muli %add3A_57, %mul3A_58 : i32
      %dma_start3A_60 = tpu.memref_slice %arg7[%mul3A_59] : memref<3200xi32, #tpu.memory_space<vmem>> -> memref<128xi32, #tpu.memory_space<vmem>>
      %dma_start3A_61 = arith.constant 0 : i32
      %dma_start3A_62 = arith.constant 0 : i32
      %dma_start3A_63 = tpu.memref_slice %arg11[%dma_start3A_61, %dma_start3A_62] : memref<10240x128xf32, #tpu.memory_space<vmem_shared>> -> memref<10240x128xf32, #tpu.memory_space<vmem_shared>>
      tpu.enqueue_indirect_dma source(%dma_start3A_63 : memref<10240x128xf32, #tpu.memory_space<vmem_shared>>) target(%arg9 : memref<128x128xf32, #tpu.memory_space<vmem>>) offsets(%dma_start3A_60 : memref<128xi32, #tpu.memory_space<vmem>>) semaphore(%arg12 : memref<!tpu.dma_semaphore, #tpu.memory_space<semaphore_mem>>)
      %mul3A_64 = arith.constant 128 : i32
      %mul3A_65 = arith.muli %scan3A_38, %mul3A_64 : i32
      %dma_wait3A_66 = tpu.memref_slice %arg8[%mul3A_65] : memref<3200xi32, #tpu.memory_space<vmem>> -> memref<128xi32, #tpu.memory_space<vmem>>
      %dma_wait3A_67 = arith.constant 0 : i32
      %dma_wait3A_68 = arith.constant 0 : i32
      %dma_wait3A_69 = tpu.memref_slice %arg11[%dma_wait3A_67, %dma_wait3A_68] : memref<10240x128xf32, #tpu.memory_space<vmem_shared>> -> memref<10240x128xf32, #tpu.memory_space<vmem_shared>>
      tpu.wait_indirect_dma semaphore(%arg13 : memref<!tpu.dma_semaphore, #tpu.memory_space<semaphore_mem>>) src(%dma_wait3A_69 : memref<10240x128xf32, #tpu.memory_space<vmem_shared>>) dst(%arg10 : memref<128x128xf32, #tpu.memory_space<vmem>>)
      %mul3A_70 = arith.constant 3200 : i32
      %mul3A_71 = arith.muli %add3A, %mul3A_70 : i32
      %mul3A_72 = arith.constant 128 : i32
      %mul3A_73 = arith.muli %scan3A_38, %mul3A_72 : i32
      %add3A_74 = arith.addi %mul3A_71, %mul3A_73 : i32
      "tpu.region"() ({
        %run_scoped3A = tpu.sem_alloc : memref<!tpu.dma_semaphore, #tpu.memory_space<semaphore_mem>>
        %dma_start3A_75 = arith.constant 0 : i32
        %dma_start3A_76 = tpu.memref_slice %arg6[%add3A_74, %dma_start3A_75] : memref<102400x128xf32, #tpu.memory_space<hbm>> -> memref<128x128xf32, #tpu.memory_space<hbm>>
        %dma_start3A_77 = arith.constant 0 : i32
        %dma_start3A_78 = tpu.memref_slice %arg6[%add3A_74, %dma_start3A_77] : memref<102400x128xf32, #tpu.memory_space<hbm>> -> memref<128x128xf32, #tpu.memory_space<hbm>>
        tpu.enqueue_dma source(%arg10 : memref<128x128xf32, #tpu.memory_space<vmem>>) target(%dma_start3A_78 : memref<128x128xf32, #tpu.memory_space<hbm>>) target_semaphore(%run_scoped3A : memref<!tpu.dma_semaphore, #tpu.memory_space<semaphore_mem>>)
        %dma_wait3A_79 = arith.constant 0 : i32
        %dma_wait3A_80 = tpu.memref_slice %arg6[%add3A_74, %dma_wait3A_79] : memref<102400x128xf32, #tpu.memory_space<hbm>> -> memref<128x128xf32, #tpu.memory_space<hbm>>
        %dma_wait3A_81 = arith.constant 0 : i32
        %dma_wait3A_82 = tpu.memref_slice %arg6[%add3A_74, %dma_wait3A_81] : memref<102400x128xf32, #tpu.memory_space<hbm>> -> memref<128x128xf32, #tpu.memory_space<hbm>>
        tpu.wait_dma2 semaphore(%run_scoped3A : memref<!tpu.dma_semaphore, #tpu.memory_space<semaphore_mem>>) src(%arg10 : memref<128x128xf32, #tpu.memory_space<vmem>>) dst(%dma_wait3A_82 : memref<128x128xf32, #tpu.memory_space<hbm>>)
        tpu.yield
      }) : () -> ()
    }
    %scan3A_15 = arith.constant 24 : i32
    %dma_start3A_16 = arith.constant 3072 : i32
    %dma_start3A_17 = tpu.memref_slice %arg8[%dma_start3A_16] : memref<3200xi32, #tpu.memory_space<vmem>> -> memref<128xi32, #tpu.memory_space<vmem>>
    %dma_start3A_18 = arith.constant 0 : i32
    %dma_start3A_19 = arith.constant 0 : i32
    %dma_start3A_20 = tpu.memref_slice %arg11[%dma_start3A_18, %dma_start3A_19] : memref<10240x128xf32, #tpu.memory_space<vmem_shared>> -> memref<10240x128xf32, #tpu.memory_space<vmem_shared>>
    tpu.enqueue_indirect_dma source(%dma_start3A_20 : memref<10240x128xf32, #tpu.memory_space<vmem_shared>>) target(%arg10 : memref<128x128xf32, #tpu.memory_space<vmem>>) offsets(%dma_start3A_17 : memref<128xi32, #tpu.memory_space<vmem>>) semaphore(%arg13 : memref<!tpu.dma_semaphore, #tpu.memory_space<semaphore_mem>>)
    %dma_wait3A = arith.constant 3072 : i32
    %dma_wait3A_21 = tpu.memref_slice %arg7[%dma_wait3A] : memref<3200xi32, #tpu.memory_space<vmem>> -> memref<128xi32, #tpu.memory_space<vmem>>
    %dma_wait3A_22 = arith.constant 0 : i32
    %dma_wait3A_23 = arith.constant 0 : i32
    %dma_wait3A_24 = tpu.memref_slice %arg11[%dma_wait3A_22, %dma_wait3A_23] : memref<10240x128xf32, #tpu.memory_space<vmem_shared>> -> memref<10240x128xf32, #tpu.memory_space<vmem_shared>>
    tpu.wait_indirect_dma semaphore(%arg12 : memref<!tpu.dma_semaphore, #tpu.memory_space<semaphore_mem>>) src(%dma_wait3A_24 : memref<10240x128xf32, #tpu.memory_space<vmem_shared>>) dst(%arg9 : memref<128x128xf32, #tpu.memory_space<vmem>>)
    %mul3A_25 = arith.constant 3200 : i32
    %mul3A_26 = arith.muli %add3A, %mul3A_25 : i32
    %add3A_27 = arith.constant 3072 : i32
    %add3A_28 = arith.addi %mul3A_26, %add3A_27 : i32
    "tpu.region"() ({
      %run_scoped3A = tpu.sem_alloc : memref<!tpu.dma_semaphore, #tpu.memory_space<semaphore_mem>>
      %dma_start3A_38 = arith.constant 0 : i32
      %dma_start3A_39 = tpu.memref_slice %arg5[%add3A_28, %dma_start3A_38] : memref<102400x128xf32, #tpu.memory_space<hbm>> -> memref<128x128xf32, #tpu.memory_space<hbm>>
      %dma_start3A_40 = arith.constant 0 : i32
      %dma_start3A_41 = tpu.memref_slice %arg5[%add3A_28, %dma_start3A_40] : memref<102400x128xf32, #tpu.memory_space<hbm>> -> memref<128x128xf32, #tpu.memory_space<hbm>>
      tpu.enqueue_dma source(%arg9 : memref<128x128xf32, #tpu.memory_space<vmem>>) target(%dma_start3A_41 : memref<128x128xf32, #tpu.memory_space<hbm>>) target_semaphore(%run_scoped3A : memref<!tpu.dma_semaphore, #tpu.memory_space<semaphore_mem>>)
      %dma_wait3A_42 = arith.constant 0 : i32
      %dma_wait3A_43 = tpu.memref_slice %arg5[%add3A_28, %dma_wait3A_42] : memref<102400x128xf32, #tpu.memory_space<hbm>> -> memref<128x128xf32, #tpu.memory_space<hbm>>
      %dma_wait3A_44 = arith.constant 0 : i32
      %dma_wait3A_45 = tpu.memref_slice %arg5[%add3A_28, %dma_wait3A_44] : memref<102400x128xf32, #tpu.memory_space<hbm>> -> memref<128x128xf32, #tpu.memory_space<hbm>>
      tpu.wait_dma2 semaphore(%run_scoped3A : memref<!tpu.dma_semaphore, #tpu.memory_space<semaphore_mem>>) src(%arg9 : memref<128x128xf32, #tpu.memory_space<vmem>>) dst(%dma_wait3A_45 : memref<128x128xf32, #tpu.memory_space<hbm>>)
      tpu.yield
    }) : () -> ()
    %dma_wait3A_29 = arith.constant 3072 : i32
    %dma_wait3A_30 = tpu.memref_slice %arg8[%dma_wait3A_29] : memref<3200xi32, #tpu.memory_space<vmem>> -> memref<128xi32, #tpu.memory_space<vmem>>
    %dma_wait3A_31 = arith.constant 0 : i32
    %dma_wait3A_32 = arith.constant 0 : i32
    %dma_wait3A_33 = tpu.memref_slice %arg11[%dma_wait3A_31, %dma_wait3A_32] : memref<10240x128xf32, #tpu.memory_space<vmem_shared>> -> memref<10240x128xf32, #tpu.memory_space<vmem_shared>>
    tpu.wait_indirect_dma semaphore(%arg13 : memref<!tpu.dma_semaphore, #tpu.memory_space<semaphore_mem>>) src(%dma_wait3A_33 : memref<10240x128xf32, #tpu.memory_space<vmem_shared>>) dst(%arg10 : memref<128x128xf32, #tpu.memory_space<vmem>>)
    %mul3A_34 = arith.constant 3200 : i32
    %mul3A_35 = arith.muli %add3A, %mul3A_34 : i32
    %add3A_36 = arith.constant 3072 : i32
    %add3A_37 = arith.addi %mul3A_35, %add3A_36 : i32
    "tpu.region"() ({
      %run_scoped3A = tpu.sem_alloc : memref<!tpu.dma_semaphore, #tpu.memory_space<semaphore_mem>>
      %dma_start3A_38 = arith.constant 0 : i32
      %dma_start3A_39 = tpu.memref_slice %arg6[%add3A_37, %dma_start3A_38] : memref<102400x128xf32, #tpu.memory_space<hbm>> -> memref<128x128xf32, #tpu.memory_space<hbm>>
      %dma_start3A_40 = arith.constant 0 : i32
      %dma_start3A_41 = tpu.memref_slice %arg6[%add3A_37, %dma_start3A_40] : memref<102400x128xf32, #tpu.memory_space<hbm>> -> memref<128x128xf32, #tpu.memory_space<hbm>>
      tpu.enqueue_dma source(%arg10 : memref<128x128xf32, #tpu.memory_space<vmem>>) target(%dma_start3A_41 : memref<128x128xf32, #tpu.memory_space<hbm>>) target_semaphore(%run_scoped3A : memref<!tpu.dma_semaphore, #tpu.memory_space<semaphore_mem>>)
      %dma_wait3A_42 = arith.constant 0 : i32
      %dma_wait3A_43 = tpu.memref_slice %arg6[%add3A_37, %dma_wait3A_42] : memref<102400x128xf32, #tpu.memory_space<hbm>> -> memref<128x128xf32, #tpu.memory_space<hbm>>
      %dma_wait3A_44 = arith.constant 0 : i32
      %dma_wait3A_45 = tpu.memref_slice %arg6[%add3A_37, %dma_wait3A_44] : memref<102400x128xf32, #tpu.memory_space<hbm>> -> memref<128x128xf32, #tpu.memory_space<hbm>>
      tpu.wait_dma2 semaphore(%run_scoped3A : memref<!tpu.dma_semaphore, #tpu.memory_space<semaphore_mem>>) src(%arg10 : memref<128x128xf32, #tpu.memory_space<vmem>>) dst(%dma_wait3A_45 : memref<128x128xf32, #tpu.memory_space<hbm>>)
      tpu.yield
    }) : () -> ()
    return
  }
}

module attributes {stable_mosaic.version = 14 : i64} {
  func.func @_layer_body(%arg0: memref<10000x128xf32, #tpu.memory_space<vmem>>, %arg1: memref<2x10240x128xf32, #tpu.memory_space<vmem>>, %arg2: memref<10000x1xf32, #tpu.memory_space<vmem>>, %arg3: memref<128x128xf32, #tpu.memory_space<vmem>>, %arg4: memref<128x128xf32, #tpu.memory_space<vmem>>, %arg5: memref<1x128xf32, #tpu.memory_space<vmem>>, %arg6: memref<1x128xf32, #tpu.memory_space<vmem>>, %arg7: memref<1x128xf32, #tpu.memory_space<vmem>>, %arg8: memref<10000x128xf32, #tpu.memory_space<vmem>>) attributes {dimension_semantics = [], scalar_prefetch = 0 : i64, scratch_operands = 0 : i64, tpu.core_type = #tpu.core_type<tc>} {
    %get3A = arith.constant 0 : index
    %get3A_0 = arith.constant 0 : index
    %get3A_1 = vector.load %arg2[%get3A, %get3A_0] : memref<10000x1xf32, #tpu.memory_space<vmem>>, vector<10000x1xf32>
    %max3A = arith.constant 1.000000e+00 : f32
    %max3A_2 = vector.broadcast %max3A : f32 to vector<10000x1xf32>
    %max3A_3 = arith.maximumf %get3A_1, %max3A_2 : vector<10000x1xf32>
    %get3A_4 = arith.constant 0 : index
    %get3A_5 = arith.constant 0 : index
    %get3A_6 = arith.constant 0 : index
    %get3A_7 = vector.load %arg1[%get3A_4, %get3A_5, %get3A_6] : memref<2x10240x128xf32, #tpu.memory_space<vmem>>, vector<1x10000x128xf32>
    %get3A_8 = vector.shape_cast %get3A_7 : vector<1x10000x128xf32> to vector<10000x128xf32>
    %get3A_9 = arith.constant 1 : index
    %get3A_10 = arith.constant 0 : index
    %get3A_11 = arith.constant 0 : index
    %get3A_12 = vector.load %arg1[%get3A_9, %get3A_10, %get3A_11] : memref<2x10240x128xf32, #tpu.memory_space<vmem>>, vector<1x10000x128xf32>
    %get3A_13 = vector.shape_cast %get3A_12 : vector<1x10000x128xf32> to vector<10000x128xf32>
    %add3A = arith.addf %get3A_8, %get3A_13 : vector<10000x128xf32>
    %div3A = vector.broadcast %max3A_3 : vector<10000x1xf32> to vector<10000x128xf32>
    %div3A_14 = arith.divf %add3A, %div3A : vector<10000x128xf32>
    %get3A_15 = arith.constant 0 : index
    %get3A_16 = arith.constant 0 : index
    %get3A_17 = vector.load %arg0[%get3A_15, %get3A_16] : memref<10000x128xf32, #tpu.memory_space<vmem>>, vector<10000x128xf32>
    %get3A_18 = arith.constant 0 : index
    %get3A_19 = arith.constant 0 : index
    %get3A_20 = vector.load %arg3[%get3A_18, %get3A_19] : memref<128x128xf32, #tpu.memory_space<vmem>>, vector<128x128xf32>
    %dot_general3A = arith.constant dense<0.000000e+00> : vector<10000x128xf32>
    %dot_general3A_21 = tpu.matmul %get3A_17, %get3A_20, %dot_general3A {dimension_numbers = #tpu.dot_dimension_numbers<[1], [0], [0], [1], [0, 0, 1, 1], [], []>, transpose_lhs_hint = false} : vector<10000x128xf32>, vector<128x128xf32>, vector<10000x128xf32> -> vector<10000x128xf32>
    %get3A_22 = arith.constant 0 : index
    %get3A_23 = arith.constant 0 : index
    %get3A_24 = vector.load %arg4[%get3A_22, %get3A_23] : memref<128x128xf32, #tpu.memory_space<vmem>>, vector<128x128xf32>
    %dot_general3A_25 = arith.constant dense<0.000000e+00> : vector<10000x128xf32>
    %dot_general3A_26 = tpu.matmul %div3A_14, %get3A_24, %dot_general3A_25 {dimension_numbers = #tpu.dot_dimension_numbers<[1], [0], [0], [1], [0, 0, 1, 1], [], []>, transpose_lhs_hint = false} : vector<10000x128xf32>, vector<128x128xf32>, vector<10000x128xf32> -> vector<10000x128xf32>
    %add3A_27 = arith.addf %dot_general3A_21, %dot_general3A_26 : vector<10000x128xf32>
    %get3A_28 = arith.constant 0 : index
    %get3A_29 = arith.constant 0 : index
    %get3A_30 = vector.load %arg5[%get3A_28, %get3A_29] : memref<1x128xf32, #tpu.memory_space<vmem>>, vector<1x128xf32>
    %add3A_31 = vector.broadcast %get3A_30 : vector<1x128xf32> to vector<10000x128xf32>
    %add3A_32 = arith.addf %add3A_27, %add3A_31 : vector<10000x128xf32>
    %reduce_sum3A = arith.constant dense<0.000000e+00> : vector<128xf32>
    %reduce_sum3A_33 = vector.multi_reduction <add>, %add3A_32, %reduce_sum3A [0] : vector<10000x128xf32> to vector<128xf32>
    %broadcast_in_dim3A = vector.shape_cast %reduce_sum3A_33 : vector<128xf32> to vector<1x128xf32>
    %div3A_34 = arith.constant 1.000000e+04 : f32
    %div3A_35 = vector.broadcast %div3A_34 : f32 to vector<1x128xf32>
    %div3A_36 = arith.divf %broadcast_in_dim3A, %div3A_35 : vector<1x128xf32>
    %sub3A = vector.broadcast %div3A_36 : vector<1x128xf32> to vector<10000x128xf32>
    %sub3A_37 = arith.subf %add3A_32, %sub3A : vector<10000x128xf32>
    %sub3A_38 = vector.broadcast %div3A_36 : vector<1x128xf32> to vector<10000x128xf32>
    %sub3A_39 = arith.subf %add3A_32, %sub3A_38 : vector<10000x128xf32>
    %mul3A = arith.mulf %sub3A_37, %sub3A_39 : vector<10000x128xf32>
    %reduce_sum3A_40 = arith.constant dense<0.000000e+00> : vector<128xf32>
    %reduce_sum3A_41 = vector.multi_reduction <add>, %mul3A, %reduce_sum3A_40 [0] : vector<10000x128xf32> to vector<128xf32>
    %broadcast_in_dim3A_42 = vector.shape_cast %reduce_sum3A_41 : vector<128xf32> to vector<1x128xf32>
    %div3A_43 = arith.constant 1.000000e+04 : f32
    %div3A_44 = vector.broadcast %div3A_43 : f32 to vector<1x128xf32>
    %div3A_45 = arith.divf %broadcast_in_dim3A_42, %div3A_44 : vector<1x128xf32>
    %get3A_46 = arith.constant 0 : index
    %get3A_47 = arith.constant 0 : index
    %get3A_48 = vector.load %arg6[%get3A_46, %get3A_47] : memref<1x128xf32, #tpu.memory_space<vmem>>, vector<1x128xf32>
    %sub3A_49 = vector.broadcast %div3A_36 : vector<1x128xf32> to vector<10000x128xf32>
    %sub3A_50 = arith.subf %add3A_32, %sub3A_49 : vector<10000x128xf32>
    %mul3A_51 = vector.broadcast %get3A_48 : vector<1x128xf32> to vector<10000x128xf32>
    %mul3A_52 = arith.mulf %mul3A_51, %sub3A_50 : vector<10000x128xf32>
    %add3A_53 = arith.constant 9.99999974E-6 : f32
    %add3A_54 = vector.broadcast %add3A_53 : f32 to vector<1x128xf32>
    %add3A_55 = arith.addf %div3A_45, %add3A_54 : vector<1x128xf32>
    %sqrt3A = math.sqrt %add3A_55 : vector<1x128xf32>
    %div3A_56 = vector.broadcast %sqrt3A : vector<1x128xf32> to vector<10000x128xf32>
    %div3A_57 = arith.divf %mul3A_52, %div3A_56 : vector<10000x128xf32>
    %get3A_58 = arith.constant 0 : index
    %get3A_59 = arith.constant 0 : index
    %get3A_60 = vector.load %arg7[%get3A_58, %get3A_59] : memref<1x128xf32, #tpu.memory_space<vmem>>, vector<1x128xf32>
    %add3A_61 = vector.broadcast %get3A_60 : vector<1x128xf32> to vector<10000x128xf32>
    %add3A_62 = arith.addf %div3A_57, %add3A_61 : vector<10000x128xf32>
    %max3A_63 = arith.constant 0.000000e+00 : f32
    %max3A_64 = vector.broadcast %max3A_63 : f32 to vector<10000x128xf32>
    %max3A_65 = arith.maximumf %add3A_62, %max3A_64 : vector<10000x128xf32>
    %swap3A = arith.constant 0 : index
    %swap3A_66 = arith.constant 0 : index
    %swap3A_67 = vector.load %arg8[%swap3A, %swap3A_66] : memref<10000x128xf32, #tpu.memory_space<vmem>>, vector<10000x128xf32>
    tpu.vector_store %arg8[%swap3A, %swap3A_66], %max3A_65 {strides = array<i32>} : memref<10000x128xf32, #tpu.memory_space<vmem>>, vector<10000x128xf32>,
    return
  }
}

module attributes {stable_mosaic.version = 14 : i64} {
  func.func @_mlp_body(%arg0: i32, %arg1: memref<2000x128xf32, #tpu.memory_space<vmem>>, %arg2: memref<2000x128xf32, #tpu.memory_space<vmem>>, %arg3: memref<2000x16xf32, #tpu.memory_space<vmem>>, %arg4: memref<128x128xf32, #tpu.memory_space<vmem>>, %arg5: memref<128x128xf32, #tpu.memory_space<vmem>>, %arg6: memref<16x128xf32, #tpu.memory_space<vmem>>, %arg7: memref<1x128xf32, #tpu.memory_space<vmem>>, %arg8: memref<128x8xf32, #tpu.memory_space<vmem>>, %arg9: memref<1x8xf32, #tpu.memory_space<vmem>>, %arg10: memref<2000x8xf32, #tpu.memory_space<vmem>>) attributes {dimension_semantics = [#tpu.dimension_semantics<arbitrary>], iteration_bounds = array<i64: 50>, scalar_prefetch = 0 : i64, scratch_operands = 0 : i64, tpu.core_type = #tpu.core_type<tc>, window_params = [{transform_indices = @transform_0, window_bounds = array<i64: 2000, 128>}, {transform_indices = @transform_1, window_bounds = array<i64: 2000, 128>}, {transform_indices = @transform_2, window_bounds = array<i64: 2000, 16>}, {pipeline_mode = #tpu.pipeline_mode<synchronous>, transform_indices = @transform_3, window_bounds = array<i64: 128, 128>}, {pipeline_mode = #tpu.pipeline_mode<synchronous>, transform_indices = @transform_4, window_bounds = array<i64: 128, 128>}, {pipeline_mode = #tpu.pipeline_mode<synchronous>, transform_indices = @transform_5, window_bounds = array<i64: 16, 128>}, {pipeline_mode = #tpu.pipeline_mode<synchronous>, transform_indices = @transform_6, window_bounds = array<i64: 1, 128>}, {pipeline_mode = #tpu.pipeline_mode<synchronous>, transform_indices = @transform_7, window_bounds = array<i64: 128, 8>}, {pipeline_mode = #tpu.pipeline_mode<synchronous>, transform_indices = @transform_8, window_bounds = array<i64: 1, 8>}, {transform_indices = @transform_9, window_bounds = array<i64: 2000, 8>}]} {
    %get3A = arith.constant 0 : index
    %get3A_0 = arith.constant 0 : index
    %get3A_1 = vector.load %arg1[%get3A, %get3A_0] : memref<2000x128xf32, #tpu.memory_space<vmem>>, vector<2000x128xf32>
    %get3A_2 = arith.constant 0 : index
    %get3A_3 = arith.constant 0 : index
    %get3A_4 = vector.load %arg4[%get3A_2, %get3A_3] : memref<128x128xf32, #tpu.memory_space<vmem>>, vector<128x128xf32>
    %dot_general3A = arith.constant dense<0.000000e+00> : vector<2000x128xf32>
    %dot_general3A_5 = tpu.matmul %get3A_1, %get3A_4, %dot_general3A {dimension_numbers = #tpu.dot_dimension_numbers<[1], [0], [0], [1], [0, 0, 1, 1], [], []>, transpose_lhs_hint = false} : vector<2000x128xf32>, vector<128x128xf32>, vector<2000x128xf32> -> vector<2000x128xf32>
    %get3A_6 = arith.constant 0 : index
    %get3A_7 = arith.constant 0 : index
    %get3A_8 = vector.load %arg2[%get3A_6, %get3A_7] : memref<2000x128xf32, #tpu.memory_space<vmem>>, vector<2000x128xf32>
    %get3A_9 = arith.constant 0 : index
    %get3A_10 = arith.constant 0 : index
    %get3A_11 = vector.load %arg5[%get3A_9, %get3A_10] : memref<128x128xf32, #tpu.memory_space<vmem>>, vector<128x128xf32>
    %dot_general3A_12 = arith.constant dense<0.000000e+00> : vector<2000x128xf32>
    %dot_general3A_13 = tpu.matmul %get3A_8, %get3A_11, %dot_general3A_12 {dimension_numbers = #tpu.dot_dimension_numbers<[1], [0], [0], [1], [0, 0, 1, 1], [], []>, transpose_lhs_hint = false} : vector<2000x128xf32>, vector<128x128xf32>, vector<2000x128xf32> -> vector<2000x128xf32>
    %add3A = arith.addf %dot_general3A_5, %dot_general3A_13 : vector<2000x128xf32>
    %get3A_14 = arith.constant 0 : index
    %get3A_15 = arith.constant 0 : index
    %get3A_16 = vector.load %arg3[%get3A_14, %get3A_15] : memref<2000x16xf32, #tpu.memory_space<vmem>>, vector<2000x16xf32>
    %get3A_17 = arith.constant 0 : index
    %get3A_18 = arith.constant 0 : index
    %get3A_19 = vector.load %arg6[%get3A_17, %get3A_18] : memref<16x128xf32, #tpu.memory_space<vmem>>, vector<16x128xf32>
    %dot_general3A_20 = arith.constant dense<0.000000e+00> : vector<2000x128xf32>
    %dot_general3A_21 = tpu.matmul %get3A_16, %get3A_19, %dot_general3A_20 {dimension_numbers = #tpu.dot_dimension_numbers<[1], [0], [0], [1], [0, 0, 1, 1], [], []>, transpose_lhs_hint = false} : vector<2000x16xf32>, vector<16x128xf32>, vector<2000x128xf32> -> vector<2000x128xf32>
    %add3A_22 = arith.addf %add3A, %dot_general3A_21 : vector<2000x128xf32>
    %get3A_23 = arith.constant 0 : index
    %get3A_24 = arith.constant 0 : index
    %get3A_25 = vector.load %arg7[%get3A_23, %get3A_24] : memref<1x128xf32, #tpu.memory_space<vmem>>, vector<1x128xf32>
    %add3A_26 = vector.broadcast %get3A_25 : vector<1x128xf32> to vector<2000x128xf32>
    %add3A_27 = arith.addf %add3A_22, %add3A_26 : vector<2000x128xf32>
    %max3A = arith.constant 0.000000e+00 : f32
    %max3A_28 = vector.broadcast %max3A : f32 to vector<2000x128xf32>
    %max3A_29 = arith.maximumf %add3A_27, %max3A_28 : vector<2000x128xf32>
    %get3A_30 = arith.constant 0 : index
    %get3A_31 = arith.constant 0 : index
    %get3A_32 = vector.load %arg8[%get3A_30, %get3A_31] : memref<128x8xf32, #tpu.memory_space<vmem>>, vector<128x8xf32>
    %dot_general3A_33 = arith.constant dense<0.000000e+00> : vector<2000x8xf32>
    %dot_general3A_34 = tpu.matmul %max3A_29, %get3A_32, %dot_general3A_33 {dimension_numbers = #tpu.dot_dimension_numbers<[1], [0], [0], [1], [0, 0, 1, 1], [], []>, transpose_lhs_hint = false} : vector<2000x128xf32>, vector<128x8xf32>, vector<2000x8xf32> -> vector<2000x8xf32>
    %get3A_35 = arith.constant 0 : index
    %get3A_36 = arith.constant 0 : index
    %get3A_37 = vector.load %arg9[%get3A_35, %get3A_36] : memref<1x8xf32, #tpu.memory_space<vmem>>, vector<1x8xf32>
    %add3A_38 = vector.broadcast %get3A_37 : vector<1x8xf32> to vector<2000x8xf32>
    %add3A_39 = arith.addf %dot_general3A_34, %add3A_38 : vector<2000x8xf32>
    %swap3A = arith.constant 0 : index
    %swap3A_40 = arith.constant 0 : index
    %swap3A_41 = vector.load %arg10[%swap3A, %swap3A_40] : memref<2000x8xf32, #tpu.memory_space<vmem>>, vector<2000x8xf32>
    tpu.vector_store %arg10[%swap3A, %swap3A_40], %add3A_39 {strides = array<i32>} : memref<2000x8xf32, #tpu.memory_space<vmem>>, vector<2000x8xf32>,
    return
  }
  func.func @transform_0(%arg0: i32) -> (i32, i32) {
    %c0_i32 = arith.constant 0 : i32
    %c0_i32_0 = arith.constant 0 : i32
    return %arg0, %c0_i32 : i32, i32
  }
  func.func @transform_1(%arg0: i32) -> (i32, i32) {
    %c0_i32 = arith.constant 0 : i32
    %c0_i32_0 = arith.constant 0 : i32
    return %arg0, %c0_i32 : i32, i32
  }
  func.func @transform_2(%arg0: i32) -> (i32, i32) {
    %c0_i32 = arith.constant 0 : i32
    %c0_i32_0 = arith.constant 0 : i32
    return %arg0, %c0_i32 : i32, i32
  }
  func.func @transform_3(%arg0: i32) -> (i32, i32) {
    %c0_i32 = arith.constant 0 : i32
    %c0_i32_0 = arith.constant 0 : i32
    %c0_i32_1 = arith.constant 0 : i32
    return %c0_i32, %c0_i32_0 : i32, i32
  }
  func.func @transform_4(%arg0: i32) -> (i32, i32) {
    %c0_i32 = arith.constant 0 : i32
    %c0_i32_0 = arith.constant 0 : i32
    %c0_i32_1 = arith.constant 0 : i32
    return %c0_i32, %c0_i32_0 : i32, i32
  }
  func.func @transform_5(%arg0: i32) -> (i32, i32) {
    %c0_i32 = arith.constant 0 : i32
    %c0_i32_0 = arith.constant 0 : i32
    %c0_i32_1 = arith.constant 0 : i32
    return %c0_i32, %c0_i32_0 : i32, i32
  }
  func.func @transform_6(%arg0: i32) -> (i32, i32) {
    %c0_i32 = arith.constant 0 : i32
    %c0_i32_0 = arith.constant 0 : i32
    %c0_i32_1 = arith.constant 0 : i32
    return %c0_i32, %c0_i32_0 : i32, i32
  }
  func.func @transform_7(%arg0: i32) -> (i32, i32) {
    %c0_i32 = arith.constant 0 : i32
    %c0_i32_0 = arith.constant 0 : i32
    %c0_i32_1 = arith.constant 0 : i32
    return %c0_i32, %c0_i32_0 : i32, i32
  }
  func.func @transform_8(%arg0: i32) -> (i32, i32) {
    %c0_i32 = arith.constant 0 : i32
    %c0_i32_0 = arith.constant 0 : i32
    %c0_i32_1 = arith.constant 0 : i32
    return %c0_i32, %c0_i32_0 : i32, i32
  }
  func.func @transform_9(%arg0: i32) -> (i32, i32) {
    %c0_i32 = arith.constant 0 : i32
    %c0_i32_0 = arith.constant 0 : i32
    return %arg0, %c0_i32 : i32, i32
  }
}

</mosaic_0001>

<sc_bundles>
// kernel: kernel.12.cloned.1.call-start
scs
__scs_entry_jumppad:
0x0: {  	(pc) =	sbr.rel $0x88, $3  }
0x1: {  	(tag) =	ssettag $0x0;
	lr =	simm.s32 $0x1  }
0x2: {  	[smem:$0x3F8D] =	sst lr;
	_ =	strace $0xD0000000  }
0x3: {  	_ = 	snop  }
0x4: {  	_ = 	snop  }
0x5: {  	_ = 	snop  }
0x6: {  	_ = 	snop  }
0x7: {  	_ = 	snop  }
__scs_overlays_trampoline_lowered:
0x8: {  	[smem:$0x3F9C] =	sst s0  }
0x9: {  	[smem:$0x3F9D] =	sst s1  }
0xa: {  	[smem:$0x3F9E] =	sst s2  }
0xb: {  	[smem:$0x3F9F] =	sst s3  }
0xc: {  	[smem:$0x3FA0] =	sst s4  }
0xd: {  	[smem:$0x3FA1] =	sst s5  }
0xe: {  	[smem:$0x3FA2] =	sst s6  }
0xf: {  	[smem:$0x3FA3] =	sst s7  }
0x10: {  	[smem:$0x3FA4] =	sst s8  }
0x11: {  	[smem:$0x3FA5] =	sst s9;
	s0 =	simm.s32 @!p0 $0x0  }
0x12: {  	s1 =	sld [smem:$0x3F8B];
	s0 =	simm.s32 @p0 $0x1  }
0x13: {  	[smem:$0x3FA6] =	sst s0;
	s0 =	simm.s32 @!p1 $0x0  }
0x14: {  	s2 =	sld [smem:$0x3F8A];
	s0 =	simm.s32 @p1 $0x1  }
0x15: {  	[smem:$0x3FA7] =	sst s0;
	s0 =	simm.s32 @!p2 $0x0  }
0x16: {  	s3 =	sld [smem:$0x3FDB];
	s0 =	simm.s32 @p2 $0x1  }
0x17: {  	s4 =	simm.s32 $0x1BF5;
	[smem:$0x3FA9] =	sst s0  }
0x18: {  	s0 =	sld [smem:$0x3F8C];
	_ =	swait.ge [sflag:s4], $0x0  }
0x19: {  	s7 =	sld [smem:$0x3F8D]  }
0x1a: {  	s8 =	sadd.s32 $0xFFFFE003, lr  }
0x1b: {  	s9 =	sadd.s32 $0xFFFFFEF7, lr;
	s5 =	simm.s32 $0xFFFFFFFF;
	p2 =	slt.u32 s8, $0xFFFFF086  }
0x1c: {  	p1 =	slt.u32 s9, $0xF7A;
	s5 =	simm.s32 @!p2 $0x0  }
0x1d: {  	s5 =	simm.s32 @p1 $0x1;
	p0 =	seq.s32 s7, s2  }
0x1e: {  	s7 =	smul.u32 @!p0 $0xF7A, s2;
	p2 =	seq.s32 @!p0 s5, $0x0  }
0x1f: {  	s9 =	smul.u32 $0xF7A, s1;
	s8 =	simm.s32 @!p0 $0x1BF5;
	p2 =	por !p2, p0  }
0x20: {  	[sflag:s8] =	ssyncset.s32 @!p0 $0xFFFFF086;
	s6 =	sadd.s32 @!p0 s3, s7;
	s7 =	simm.s32 @!p0 $0x108  }
0x21: {  	s3 =	sadd.s32 s3, s9;
	s6 =	sadd.s32 @!p0 $0x88, s6;
	s7 =	simm.s32 @p2 $0x1082  }
0x22: {  	[simem:s7], [sflag:s8] =	dma.local @!p0 [hbm:s6], $0xF7A  }
0x23: {  	s9 =	sor.u32 $0xD0000000, s2;
	s6 =	simm.s32 $0x108;
	_ =	swait.ge @!p0 [sflag:s8], $0x0  }
0x24: {  	s3 =	sadd.s32 $0x88, s3;
	s6 =	simm.s32 @!p1 $0x1082;
	[sflag:s4] =	ssyncset.s32 $0xFFFFF086  }
0x25: {  	[simem:s6], [sflag:s4] =	dma.local [hbm:s3], $0xF7A  }
0x26: {  	[smem:$0x3F8D] =	sst s1;
	(tag) =	ssettag s2;
	_ =	strace s9  }
0x27: {  	s1 =	sld [smem:$0x3F9D]  }
0x28: {  	s2 =	sld [smem:$0x3F9E]  }
0x29: {  	s4 =	sld [smem:$0x3FA0]  }
0x2a: {  	p0 =	seq.s32 s5, $0x0;
	s5 =	sld [smem:$0x3FA1]  }
0x2b: {  	s6 =	sld [smem:$0x3FA2]  }
0x2c: {  	s7 =	sld [smem:$0x3FA3]  }
0x2d: {  	s3 =	simm.s32 $0x108;
	s8 =	sld [smem:$0x3FA4]  }
0x2e: {  	s3 =	simm.s32 @!p0 $0x1082;
	s9 =	sld [smem:$0x3FA5]  }
0x2f: {  	lr =	sadd.s32 s0, s3;
	s0 =	sld [smem:$0x3F9C]  }
0x30: {  	s3 =	sld [smem:$0x3F9F]  }
0x31: {  	[smem:$0x3FA8] =	sst s10  }
0x32: {  	s10 =	sld [smem:$0x3FA6];
	_ =	sdelay $0x3  }
0x33: {  	p0 =	seq.s32 s10, $0x1;
	s10 =	sld [smem:$0x3FA8];
	_ =	sdelay $0x3  }
0x34: {  	[smem:$0x3FA8] =	sst s10  }
0x35: {  	s10 =	sld [smem:$0x3FA7];
	_ =	sdelay $0x3  }
0x36: {  	p1 =	seq.s32 s10, $0x1;
	s10 =	sld [smem:$0x3FA8];
	_ =	sdelay $0x3  }
0x37: {  	[smem:$0x3FA8] =	sst s10  }
0x38: {  	s10 =	sld [smem:$0x3FA9]  }
0x39: {  	_ = 	snop;
	(pc) =	sbr.ind lr, $3  }
0x3a: {  	_ = 	snop  }
0x3b: {  	_ = 	snop  }
0x3c: {  	p2 =	seq.s32 s10, $0x1;
	s10 =	sld [smem:$0x3FA8]  }
0x3d: {  	_ =	shalt  }
0x3e: {  	_ =	shalt  }
0x3f: {  	_ =	shalt  }
0x40: {  	_ =	shalt  }
0x41: {  	_ =	shalt  }
0x42: {  	_ =	shalt  }
0x43: {  	_ =	shalt  }
0x44: {  	_ =	shalt  }
0x45: {  	_ =	shalt  }
0x46: {  	_ =	shalt  }
0x47: {  	_ =	shalt  }
0x48: {  	_ =	shalt  }
0x49: {  	_ =	shalt  }
0x4a: {  	_ =	shalt  }
0x4b: {  	_ =	shalt  }
0x4c: {  	_ =	shalt  }
0x4d: {  	_ =	shalt  }
0x4e: {  	_ =	shalt  }
0x4f: {  	_ =	shalt  }
0x50: {  	_ =	shalt  }
0x51: {  	_ =	shalt  }
0x52: {  	_ =	shalt  }
0x53: {  	_ =	shalt  }
0x54: {  	_ =	shalt  }
0x55: {  	_ =	shalt  }
0x56: {  	_ =	shalt  }
0x57: {  	_ =	shalt  }
0x58: {  	_ =	shalt  }
0x59: {  	_ =	shalt  }
0x5a: {  	_ =	shalt  }
0x5b: {  	_ =	shalt  }
0x5c: {  	_ =	shalt  }
0x5d: {  	_ =	shalt  }
0x5e: {  	_ =	shalt  }
0x5f: {  	_ =	shalt  }
0x60: {  	_ =	shalt  }
0x61: {  	_ =	shalt  }
0x62: {  	_ =	shalt  }
0x63: {  	_ =	shalt  }
0x64: {  	_ =	shalt  }
0x65: {  	_ =	shalt  }
0x66: {  	_ =	shalt  }
0x67: {  	_ =	shalt  }
0x68: {  	_ =	shalt  }
0x69: {  	_ =	shalt  }
0x6a: {  	_ =	shalt  }
0x6b: {  	_ =	shalt  }
0x6c: {  	_ =	shalt  }
0x6d: {  	_ =	shalt  }
0x6e: {  	_ =	shalt  }
0x6f: {  	_ =	shalt  }
0x70: {  	_ =	shalt  }
0x71: {  	_ =	shalt  }
0x72: {  	_ =	shalt  }
0x73: {  	_ =	shalt  }
0x74: {  	_ =	shalt  }
0x75: {  	_ =	shalt  }
0x76: {  	_ =	shalt  }
0x77: {  	_ =	shalt  }
0x78: {  	_ =	shalt  }
0x79: {  	_ =	shalt  }
0x7a: {  	_ =	shalt  }
0x7b: {  	_ =	shalt  }
0x7c: {  	_ =	shalt  }
0x7d: {  	_ =	shalt  }
0x7e: {  	_ =	shalt  }
0x7f: {  	_ =	shalt  }
0x80: {  	_ =	shalt  }
0x81: {  	_ =	shalt  }
0x82: {  	_ =	shalt  }
0x83: {  	_ =	shalt  }
0x84: {  	_ =	shalt  }
0x85: {  	_ =	shalt  }
0x86: {  	_ =	shalt  }
0x87: {  	_ =	shalt  }
.Lfunc_end0:
.L_simem_size_0:
called_computation.1_lowered:
.L_overlay_start_0:
0x88: {  	s2 =	sld [smem:$0x3FD9]  }
0x89: {  	s3 =	sld [smem:$0x3FFE];
	_ =	sdelay $0x1  }
0x8a: {  	s1 =	srdreg.scid  }
0x8b: {  	s0 =	sand.u32 $0x1, s1  }
0x8c: {  	s17 =	sshll.u32 s0, $0xA;
	s2 =	sadd.s32 s3, s2  }
0x8d: {  	s2 =	sadd.s32 s2, s17  }
0x8e: {  	[smem:$0x3FB4] =	sst s2  }
0x8f: {  	_ = 	snop  }
0x90: {  	s4 =	sld [smem:$0x3FC9]  }
0x91: {  	s18 =	sld [smem:$0x3FD0];
	(tm) =	ssettm $0x1  }
0x92: {  	s19 =	sld [smem:$0x3FFB];
	_ =	sdelay $0x3  }
0x93: {  	_ =	strace s19  }
0x94: {  	s2 =	sld [smem:$0x3FFC];
	_ =	sdelay $0x3  }
0x95: {  	_ =	strace s2  }
0x96: {  	s2 =	sld [smem:$0x3FFD];
	_ =	sdelay $0x3  }
0x97: {  	_ =	strace s2  }
0x98: {  	_ =	strace $0x8FFFFFFF  }
0x99: {  	s20 =	sld [smem:$0x3FDB];
	_ =	sdelay $0x1  }
0x9a: {  	s5 =	simm.s32 $_scs_section_size  }
0x9b: {  	s6 =	simm.s32 $_size__tile_overlayer_lowered;
	s7 =	simm.s32 $_tile_overlayer_lowered  }
0x9c: {  	s8 =	simm.s32 $0x1BFF;
	s21 =	sshll.u32 s7, $0x1;
	s5 =	sadd.s32 s5, s20  }
0x9d: {  	s22 =	simm.s32 $0x0;
	s6 =	sshll.u32 s6, $0x1;
	s7 =	sadd.s32 s21, s5  }
0x9e: {  	[timem:s22], [sflag:s8] =	dma.local [hbm:s7], s6  }
0x9f: {  	_ =	swait.ge [sflag:s8], s6  }
0xa0: {  	s6 =	ssub.s32 $0x0, s6;
	[sflag:s8] =	ssyncset.done $0x0  }
0xa1: {  	[sflag:s8] =	ssyncadd.s32 s6;
	_ =	sdelay $0x1  }
0xa2: {  	s23 =	simm.s32 $0x1B8B  }
0xa3: {  	_ =	swait.ge [sflag:s23], $0x1  }
0xa4: {  	[sflag:s23] =	ssyncset.done $0x0  }
0xa5: {  	[sflag:s23] =	ssyncadd.s32 $0xFFFFFFFF  }
0xa6: {  	s6 =	sld [smem:$0x0]  }
0xa7: {  	s7 =	sand.u32 $0xFFFFFFFE, s1  }
0xa8: {  	p0 =	sne.s32 s1, s7  }
0xa9: {  	s7 =	sshll.u32 @p0 s7, $0xE  }
0xaa: {  	s7 =	sadd.s32 @p0 $0x11B8D, s7;
	s8 =	sshll.u32 @p0 s6, $0x11  }
0xab: {  	s7 =	sor.u32 @p0 s8, s7  }
0xac: {  	[sflag:s7] =	ssyncadd.remote.s32 @p0 $0x1;
	_ =	sdelay $0x1  }
0xad: {  	s7 =	simm.s32 @p0 $0x1B8D  }
0xae: {  	_ =	swait.eq @p0 [sflag:s7], $0x1  }
0xaf: {  	[sflag:s7] =	ssyncadd.s32 @p0 $0xFFFFFFFF  }
0xb0: {  	s8 =	sshll.u32 @!p0 s1, $0xE  }
0xb1: {  	s8 =	sor.u32 @!p0 $0x4000, s8;
	s7 =	simm.s32 @!p0 $0x1B8D  }
0xb2: {  	s6 =	sshll.u32 @!p0 s6, $0x11;
	s8 =	sadd.s32 @!p0 $0x11B8D, s8;
	_ =	swait.eq @!p0 [sflag:s7], $0x1  }
0xb3: {  	s6 =	sor.u32 @!p0 s6, s8;
	[sflag:s7] =	ssyncadd.s32 @!p0 $0xFFFFFFFF  }
0xb4: {  	s25 =	simm.s32 $0x1B8E;
	s24 =	sld [smem:$0x3FFE];
	[sflag:s6] =	ssyncadd.remote.s32 @!p0 $0x1  }
0xb5: {  	s26 =	simm.s32 $execute0_lowered;
	[smem:$0x3FD2] =	sst s25  }
0xb6: {  	s7 =	sshll.u32 s26, $0x1;
	_ =	strace $0x80000049;
	[dreg:$0x1] =	wrdreg $0xFFFFFFFF  }
0xb7: {  	s28 =	simm.s32 $_size_execute0_lowered;
	s5 =	sadd.s32 s5, s7;
	[dreg:$0x0] =	wrdreg $0x0  }
0xb8: {  	s7 =	sshll.u32 s28, $0x1;
	[dreg:$0x2] =	wrdreg s5  }
0xb9: {  	[dreg:$0x3] =	wrdreg s7  }
0xba: {  	[dreg:$0x4] =	wrdreg $0xC0  }
0xbb: {  	_ =	task [dreg:s22], $0x5FFFF  }
0xbc: {  	[dreg:$0x1] =	wrdreg $0xFFFFFFFF  }
0xbd: {  	[dreg:$0x0] =	wrdreg $0x60  }
0xbe: {  	[dreg:$0x2] =	wrdreg s4  }
0xbf: {  	[dreg:$0x3] =	wrdreg s24  }
0xc0: {  	[dreg:$0x4] =	wrdreg s18  }
0xc1: {  	[dreg:$0x5] =	wrdreg $0xA0800  }
0xc2: {  	[dreg:$0x6] =	wrdreg $0xA  }
0xc3: {  	_ =	task.clear_ibuf [dreg:s22], $0x7FFFF;
	_ =	strace $0x90000049  }
0xc4: {  	s29 =	simm.s32 $0xA;
	_ =	strace $0x8000004B  }
0xc5: {  	_ =	swait.ge [sflag:s29], $0x1  }
0xc6: {  	[sflag:s29] =	ssyncadd.s32 $0xFFFFFFFF  }
0xc7: {  	_ =	strace $0x9000004B  }
0xc8: {  	_ =	sfence  }
0xc9: {  	s30 =	sld [smem:$0x0];
	_ =	sdelay $0x2  }
0xca: {  	s31 =	sshll.u32 s1, $0xD;
	s1 =	sshrl.u32 s1, $0x2  }
0xcb: {  	s4 =	sand.u32 $0x4000, s31;
	s1 =	sadd.s32 s1, s30  }
0xcc: {  	s0 =	sor.u32 s4, s0;
	s1 =	sshll.u32 s1, $0x11  }
0xcd: {  	s0 =	sor.u32 s1, s0  }
0xce: {  	s0 =	sadd.s32 $0x8F2B, s0  }
0xcf: {  	[sflag:s0] =	ssyncadd.remote.s32 $0x1  }
0xd0: {  	_ =	sfence.sel $0xFFFF  }
0xd1: {  	[dreg:$0x0] =	wrdreg $0xFFFFFFFF;
	(pc) =	sbr.abs _section_cstart, $3  }
0xd2: {  	[dreg:$0x1] =	wrdreg $0xFFFFFFFF  }
0xd3: {  	_ =	task.clear_ibuf [dreg:s22], $0x2FFFF;
	_ =	strace $0x9FFFFFFF  }
0xd4: {  	(tm) =	ssettm $0x7FFFFFFF  }
0xd5: {  	_ =	shalt  }
tec
execute0_lowered:
.L_overlay_start_1:
0x0: {  	(tag) =	ssettag $0x1  }
0x1: {  	s1 =	rddreg [dreg:$0x0]  }
0x2: {  	s5 =	rddreg [dreg:$0x1]  }
0x3: {  	s0 =	srdreg.scid;
	s6 =	rddreg [dreg:$0x2]  }
0x4: {  	s12 =	stileid.u32;
	s3 =	rddreg [dreg:$0x3];
	s28 =	simm.s32 $0x5080  }
0x5: {  	s29 =	simm.s32 $0x1;
	s30 =	simm.s32 $0x3;
	s10 =	smul.u32 $0x14000, s12  }
0x6: {  	s31 =	simm.s32 $0x2;
	s0 =	sand.u32 $0x1, s0;
	s21 =	smul.u32 $0x50000, s12  }
0x7: {  	s9 =	sshll.u32 s12, $0x7;
	s2 =	sshll.u32 s0, $0x4;
	s8 =	smul.u32 $0x140000, s0  }
0x8: {  	s9 =	sand.u32 $0x380, s9;
	s22 =	ssub.s32 $0x2, s0;
	s0 =	smul.u32 $0x7D0, s0  }
0x9: {  	s2 =	sor.u32 s12, s2;
	s23 =	sshrl.u32 s22, $0x1;
	s12 =	smul.u32 $0x7D, s12  }
0xa: {  	s4 =	sshrl.u32 s2, $0x3;
	s8 =	sadd.s32 s10, s8;
	s11 =	smul.u32 $0x3E80, s2  }
0xb: {  	s16 =	ssub.s32 s22, s23;
	s2 =	smul.u32 $0x280, s2;
	s22 =	simm.s32 $0x7880  }
0xc: {  	s23 =	simm.s32 $0x2780;
	s7 =	smul.u32 $0x13C00, s4;
	s4 =	simm.s32 $0x0  }
0xd: {  	s8 =	sshrl.u32 s8, $0x3;
	s0 =	sadd.s32 s12, s0;
	s16 =	smax.u32 s16, $0x1  }
0xe: {  	[smem:$0x7FF] =	sst s4;
	s15 =	sadd.s32 s8, s5;
	s13 =	sand.u32 $0x7FC00, s11  }
0xf: {  	s2 =	sand.u32 $0x380, s2;
	s0 =	sshll.u32 s0, $0x4;
	_ =	strace $0x8000004A  }
0x10: {  	s7 =	sor.u32 s9, s7;
	s9 =	sshrl.u32 s21, $0x2;
	s2 =	sor.u32 s2, s13  }
0x11: {  	s0 =	sadd.s32 s0, s6;
	s15 =	sadd.s32 $0x22800, s15;
	s21 =	simm.s32 $0x5  }
0x12: {  	s7 =	sshrl.u32 s7, $0x3;
	s2 =	sshrl.u32 s2, $0x3;
	s17 =	sadd.s32 $0x10, s0  }
0x13: {  	s18 =	sadd.s32 $0x20, s0;
	s0 =	simm.s32 $0x0;
	s7 =	sadd.s32 s7, s5  }
0x14: {  	s5 =	sadd.s32 s9, s3;
	s14 =	sadd.s32 s6, s2;
	s7 =	sadd.s32 $0x18A00, s7  }
0x15: {  	s2 =	simm.s32 $0x4;
	s24 =	sadd.s32 $0x2800, s5;
	[dreg:$0x5] =	wrdreg s7  }
0x16: {  	s25 =	sadd.s32 $0x5000, s5;
	s26 =	sadd.s32 $0x7800, s5;
	[dreg:$0x6] =	wrdreg s24  }
0x17: {  	s10 =	sadd.s32 $0xA000, s5;
	s11 =	sadd.s32 $0xC800, s5;
	[dreg:$0x7] =	wrdreg s25  }
0x18: {  	s12 =	sadd.s32 $0xF000, s5;
	s13 =	sadd.s32 $0x11800, s5;
	[dreg:$0x8] =	wrdreg s26  }
0x19: {  	v0 =	vimm.f32 $0.0e+00;
	s24 =	simm.s32 $0x2880;
	s25 =	simm.s32 $0x2800;
	s26 =	simm.s32 $0x50  }
.LBB2_1:
0x1a: {  	s6 =	sand.u32 $0xFE00, s4  }
0x1b: {  	s20 =	sand.u32 $0x70, s4;
	s6 =	sshrl.u32 s6, $0x2  }
0x1c: {  	s19 =	simm.s32 $0x40;
	s6 =	sor.u32 s20, s6;
	s20 =	simm.s32 $0x0  }
.LBB2_2:
0x1d: {  	p0 =	sne.s32 s19, $0x9FC0  }
0x1e: {  	[tilespmem:s6+$0x7880] =	vst v0;
	s20 =	sadd.s32 $0x10, s20;
	s6 =	smov.u32 s19;
	s19 =	sadd.s32 $0x40, s19  }
.Ltmp0:
0x1f: {  	(pc) =	sbr.rel @p0 .LBB2_2-.Ltmp0, $4  }
0x20: {  	_ = 	snop  }
0x21: {  	s6 =	sand.u32 $0xFE00, s6  }
0x22: {  	s7 =	sand.u32 $0x70, s20;
	s6 =	sshrl.u32 s6, $0x2  }
0x23: {  	s6 =	sor.u32 s7, s6  }
0x24: {  	[tilespmem:s6+$0x7880] =	vst v0;
	s6 =	simm.s32 $0x0  }
0x25: {  	s7 =	rddreg [dreg:$0x5];
	s8 =	simm.s32 $0x80;
	s9 =	simm.s32 $0x400  }
0x26: {  	[tilespmem:s6], [sflag:$0x5] =	stream.strided.gather [hbm4b:s7+s8], $0x2780, s9, s8, $0x38;
	[tilespmem:$0x1E080] =	vst v63  }
0x27: {  	_ =	swait.ge [sflag:s21], $0x2780  }
0x28: {  	[sflag:s21] =	ssyncset.done $0x0  }
0x29: {  	[sflag:s21] =	ssyncadd.s32 $0xFFFFD880  }
0x2a: {  	[spmem:s5] =	stream.linear.scatter [tilespmem:s22], [sflag:$0x5], $0x2800, $0x38;
	[tilespmem:$0x1E080] =	vst v63  }
0x2b: {  	_ =	swait.ge [sflag:s21], $0x2800  }
0x2c: {  	[sflag:s21] =	ssyncset.done $0x0  }
0x2d: {  	s9 =	rddreg [dreg:$0x6];
	[sflag:s21] =	ssyncadd.s32 $0xFFFFD800  }
0x2e: {  	[spmem:s9] =	stream.linear.scatter [tilespmem:s22], [sflag:$0x5], $0x2800, $0x38;
	[tilespmem:$0x1E080] =	vst v63  }
0x2f: {  	_ =	swait.ge [sflag:s21], $0x2800  }
0x30: {  	[sflag:s21] =	ssyncset.done $0x0  }
0x31: {  	s19 =	rddreg [dreg:$0x7];
	[sflag:s21] =	ssyncadd.s32 $0xFFFFD800  }
0x32: {  	[spmem:s19] =	stream.linear.scatter [tilespmem:s22], [sflag:$0x5], $0x2800, $0x38;
	[tilespmem:$0x1E080] =	vst v63  }
0x33: {  	_ =	swait.ge [sflag:s21], $0x2800  }
0x34: {  	[sflag:s21] =	ssyncset.done $0x0  }
0x35: {  	s20 =	rddreg [dreg:$0x8];
	[sflag:s21] =	ssyncadd.s32 $0xFFFFD800  }
0x36: {  	[spmem:s20] =	stream.linear.scatter [tilespmem:s22], [sflag:$0x5], $0x2800, $0x38;
	[tilespmem:$0x1E080] =	vst v63  }
0x37: {  	_ =	swait.ge [sflag:s21], $0x2800  }
0x38: {  	[sflag:s21] =	ssyncset.done $0x0  }
0x39: {  	[sflag:s21] =	ssyncadd.s32 $0xFFFFD800  }
0x3a: {  	[spmem:s10] =	stream.linear.scatter [tilespmem:s22], [sflag:$0x5], $0x2800, $0x38;
	[tilespmem:$0x1E080] =	vst v63  }
0x3b: {  	_ =	swait.ge [sflag:s21], $0x2800  }
0x3c: {  	[sflag:s21] =	ssyncset.done $0x0  }
0x3d: {  	[sflag:s21] =	ssyncadd.s32 $0xFFFFD800  }
0x3e: {  	[spmem:s11] =	stream.linear.scatter [tilespmem:s22], [sflag:$0x5], $0x2800, $0x38;
	[tilespmem:$0x1E080] =	vst v63  }
0x3f: {  	_ =	swait.ge [sflag:s21], $0x2800  }
0x40: {  	[sflag:s21] =	ssyncset.done $0x0  }
0x41: {  	[sflag:s21] =	ssyncadd.s32 $0xFFFFD800  }
0x42: {  	[spmem:s12] =	stream.linear.scatter [tilespmem:s22], [sflag:$0x5], $0x2800, $0x38;
	[tilespmem:$0x1E080] =	vst v63  }
0x43: {  	_ =	swait.ge [sflag:s21], $0x2800  }
0x44: {  	[sflag:s21] =	ssyncset.done $0x0  }
0x45: {  	[sflag:s21] =	ssyncadd.s32 $0xFFFFD800  }
0x46: {  	[spmem:s13] =	stream.linear.scatter [tilespmem:s22], [sflag:$0x5], $0x2800, $0x38;
	[tilespmem:$0x1E080] =	vst v63  }
0x47: {  	_ =	swait.ge [sflag:s21], $0x2800  }
0x48: {  	[sflag:s21] =	ssyncset.done $0x0  }
0x49: {  	[sflag:s21] =	ssyncadd.s32 $0xFFFFD800  }
0x4a: {  	[bflag:$0x0] =	sbarrier.arrive $0xFFFF  }
0x4b: {  	[tilespmem:s23], [sflag:$0x1] =	stream.linear.gather [hbm4b:s14+s6], $0x80, $0x38;
	[tilespmem:$0x1E080] =	vst v63  }
0x4c: {  	s8 =	simm.s32 $0x50  }
0x4d: {  	[tilespmem:s24], [sflag:$0x3] =	stream.indirect.gather [hbm4b:s1+s8], $0x80, s6, s8, $0xb8;
	[tilespmem:$0x1E080] =	vst v63  }
0x4e: {  	s9 =	sadd.s32 $0x0, s17  }
0x4f: {  	[tilespmem:s25], [sflag:$0x2] =	stream.linear.gather [hbm4b:s9+s4], $0x80, $0x38;
	[tilespmem:$0x1E080] =	vst v63  }
0x50: {  	_ = 	snop  }
0x51: {  	[tilespmem:s28], [sflag:$0x4] =	stream.indirect.gather [hbm4b:s1+s26], $0x80, s8, s26, $0xb8;
	[tilespmem:$0x1E080] =	vst v63  }
0x52: {  	_ =	swait.ge [sflag:s29], $0x80  }
0x53: {  	[sflag:s29] =	ssyncset.done $0x0  }
0x54: {  	[sflag:s29] =	ssyncadd.s32 $0xFFFFFF80  }
0x55: {  	_ =	swait.ge [sflag:s30], $0x2800  }
0x56: {  	[sflag:s30] =	ssyncset.done $0x0  }
0x57: {  	[sflag:s30] =	ssyncadd.s32 $0xFFFFD800  }
0x58: {  	[spmem:s3] =	stream.indirect.scatter.add.f32 [tilespmem:s24], [sflag:$0x5], $0x80, s23, s26, $0xb8;
	[tilespmem:$0x1E080] =	vst v63  }
0x59: {  	_ =	swait.ge [sflag:s21], $0x2800  }
0x5a: {  	[sflag:s21] =	ssyncset.done $0x0  }
0x5b: {  	s19 =	sadd.s32 $0x0, s18;
	[sflag:s21] =	ssyncadd.s32 $0xFFFFD800  }
0x5c: {  	[tilespmem:s23], [sflag:$0x1] =	stream.linear.gather [hbm4b:s19+s4], $0x80, $0x38;
	[tilespmem:$0x1E080] =	vst v63  }
0x5d: {  	s20 =	simm.s32 $0xA0  }
0x5e: {  	[tilespmem:s24], [sflag:$0x3] =	stream.indirect.gather [hbm4b:s1+s26], $0x80, s20, s26, $0xb8;
	[tilespmem:$0x1E080] =	vst v63  }
0x5f: {  	_ =	swait.ge [sflag:s31], $0x80  }
0x60: {  	[sflag:s31] =	ssyncset.done $0x0  }
0x61: {  	[sflag:s31] =	ssyncadd.s32 $0xFFFFFF80  }
0x62: {  	_ =	swait.ge [sflag:s2], $0x2800  }
0x63: {  	[sflag:s2] =	ssyncset.done $0x0  }
0x64: {  	[sflag:s2] =	ssyncadd.s32 $0xFFFFD800  }
0x65: {  	[spmem:s3] =	stream.indirect.scatter.add.f32 [tilespmem:s28], [sflag:$0x5], $0x80, s25, s26, $0xb8;
	[tilespmem:$0x1E080] =	vst v63  }
0x66: {  	s6 =	simm.s32 $0x40;
	_ =	swait.ge [sflag:s21], $0x2800  }
0x67: {  	s19 =	simm.s32 $0x20;
	s20 =	simm.s32 $0xF0;
	[sflag:s21] =	ssyncset.done $0x0  }
.LBB2_4:
0x68: {  	s7 =	sadd.s32 s19, s17  }
0x69: {  	[sflag:s21] =	ssyncadd.s32 $0xFFFFD800;
	s8 =	smov.u32 s6;
	s9 =	sadd.s32 $0x20, s6  }
0x6a: {  	[tilespmem:s25], [sflag:$0x2] =	stream.linear.gather [hbm4b:s7+s4], $0x80, $0x38;
	[tilespmem:$0x1E080] =	vst v63  }
0x6b: {  	p0 =	sne.s32 s6, $0x7A0  }
0x6c: {  	[tilespmem:s28], [sflag:$0x4] =	stream.indirect.gather [hbm4b:s1+s26], $0x80, s20, s26, $0xb8;
	[tilespmem:$0x1E080] =	vst v63  }
0x6d: {  	_ =	swait.ge [sflag:s29], $0x80  }
0x6e: {  	[sflag:s29] =	ssyncset.done $0x0  }
0x6f: {  	[sflag:s29] =	ssyncadd.s32 $0xFFFFFF80  }
0x70: {  	_ =	swait.ge [sflag:s30], $0x2800  }
0x71: {  	[sflag:s30] =	ssyncset.done $0x0  }
0x72: {  	[sflag:s30] =	ssyncadd.s32 $0xFFFFD800  }
0x73: {  	[spmem:s3] =	stream.indirect.scatter.add.f32 [tilespmem:s24], [sflag:$0x5], $0x80, s23, s26, $0xb8;
	[tilespmem:$0x1E080] =	vst v63  }
0x74: {  	_ =	swait.ge [sflag:s21], $0x2800  }
0x75: {  	[sflag:s21] =	ssyncset.done $0x0  }
0x76: {  	s6 =	sadd.s32 s19, s18;
	s19 =	smov.u32 s8;
	[sflag:s21] =	ssyncadd.s32 $0xFFFFD800  }
0x77: {  	[tilespmem:s23], [sflag:$0x1] =	stream.linear.gather [hbm4b:s6+s4], $0x80, $0x38;
	[tilespmem:$0x1E080] =	vst v63  }
0x78: {  	s6 =	sadd.s32 $0x50, s20  }
0x79: {  	[tilespmem:s24], [sflag:$0x3] =	stream.indirect.gather [hbm4b:s1+s26], $0x80, s6, s26, $0xb8;
	[tilespmem:$0x1E080] =	vst v63  }
0x7a: {  	_ =	swait.ge [sflag:s31], $0x80  }
0x7b: {  	[sflag:s31] =	ssyncset.done $0x0  }
0x7c: {  	[sflag:s31] =	ssyncadd.s32 $0xFFFFFF80  }
0x7d: {  	_ =	swait.ge [sflag:s2], $0x2800  }
.Ltmp1:
0x7e: {  	[sflag:s2] =	ssyncset.done $0x0;
	(pc) =	sbr.rel @p0 .LBB2_4-.Ltmp1, $4  }
0x7f: {  	[sflag:s2] =	ssyncadd.s32 $0xFFFFD800  }
0x80: {  	[spmem:s3] =	stream.indirect.scatter.add.f32 [tilespmem:s28], [sflag:$0x5], $0x80, s25, s26, $0xb8;
	[tilespmem:$0x1E080] =	vst v63  }
0x81: {  	_ =	swait.ge [sflag:s21], $0x2800  }
0x82: {  	s20 =	sadd.s32 $0xA0, s20;
	s6 =	smov.u32 s9;
	[sflag:s21] =	ssyncset.done $0x0  }
0x83: {  	s6 =	sadd.s32 s19, s17;
	[sflag:s21] =	ssyncadd.s32 $0xFFFFD800  }
0x84: {  	[tilespmem:s25], [sflag:$0x2] =	stream.linear.gather [hbm4b:s6+s4], $0x80, $0x38;
	[tilespmem:$0x1E080] =	vst v63  }
0x85: {  	_ = 	snop  }
0x86: {  	[tilespmem:s28], [sflag:$0x4] =	stream.indirect.gather [hbm4b:s1+s26], $0x80, s20, s26, $0xb8;
	[tilespmem:$0x1E080] =	vst v63  }
0x87: {  	_ =	swait.ge [sflag:s29], $0x80  }
0x88: {  	[sflag:s29] =	ssyncset.done $0x0  }
0x89: {  	[sflag:s29] =	ssyncadd.s32 $0xFFFFFF80  }
0x8a: {  	_ =	swait.ge [sflag:s30], $0x2800  }
0x8b: {  	[sflag:s30] =	ssyncset.done $0x0  }
0x8c: {  	[sflag:s30] =	ssyncadd.s32 $0xFFFFD800  }
0x8d: {  	[spmem:s3] =	stream.indirect.scatter.add.f32 [tilespmem:s24], [sflag:$0x5], $0x80, s23, s26, $0xb8;
	[tilespmem:$0x1E080] =	vst v63  }
0x8e: {  	_ =	swait.ge [sflag:s21], $0x2800  }
0x8f: {  	[sflag:s21] =	ssyncset.done $0x0  }
0x90: {  	s9 =	sadd.s32 s19, s18;
	[sflag:s21] =	ssyncadd.s32 $0xFFFFD800  }
0x91: {  	[tilespmem:s23], [sflag:$0x1] =	stream.linear.gather [hbm4b:s9+s4], $0x80, $0x38;
	[tilespmem:$0x1E080] =	vst v63  }
0x92: {  	s19 =	sadd.s32 $0x50, s20  }
0x93: {  	[tilespmem:s24], [sflag:$0x3] =	stream.indirect.gather [hbm4b:s1+s26], $0x80, s19, s26, $0xb8;
	[tilespmem:$0x1E080] =	vst v63  }
0x94: {  	_ =	swait.ge [sflag:s31], $0x80  }
0x95: {  	[sflag:s31] =	ssyncset.done $0x0  }
0x96: {  	[sflag:s31] =	ssyncadd.s32 $0xFFFFFF80  }
0x97: {  	_ =	swait.ge [sflag:s2], $0x2800  }
0x98: {  	[sflag:s2] =	ssyncset.done $0x0  }
0x99: {  	[sflag:s2] =	ssyncadd.s32 $0xFFFFD800  }
0x9a: {  	[spmem:s3] =	stream.indirect.scatter.add.f32 [tilespmem:s28], [sflag:$0x5], $0x80, s25, s26, $0xb8;
	[tilespmem:$0x1E080] =	vst v63  }
0x9b: {  	_ =	swait.ge [sflag:s21], $0x2800  }
0x9c: {  	[sflag:s21] =	ssyncset.done $0x0  }
0x9d: {  	[sflag:s21] =	ssyncadd.s32 $0xFFFFD800  }
0x9e: {  	_ =	swait.ge [sflag:s29], $0x80  }
0x9f: {  	[sflag:s29] =	ssyncset.done $0x0  }
0xa0: {  	[sflag:s29] =	ssyncadd.s32 $0xFFFFFF80  }
0xa1: {  	_ =	swait.ge [sflag:s30], $0x2800  }
0xa2: {  	[sflag:s30] =	ssyncset.done $0x0  }
0xa3: {  	[sflag:s30] =	ssyncadd.s32 $0xFFFFD800  }
0xa4: {  	[spmem:s3] =	stream.indirect.scatter.add.f32 [tilespmem:s24], [sflag:$0x5], $0x80, s23, s26, $0xb8;
	[tilespmem:$0x1E080] =	vst v63  }
0xa5: {  	s7 =	sshrl.u32 s5, $0x3;
	_ =	swait.ge [sflag:s21], $0x2800  }
0xa6: {  	s0 =	sadd.s32 $0x1, s0;
	s20 =	stileid.u32;
	[sflag:s21] =	ssyncset.done $0x0  }
0xa7: {  	p0 =	sne.s32 s0, s16;
	s6 =	sshll.u32 s20, $0x6;
	[sflag:s21] =	ssyncadd.s32 $0xFFFFD800  }
.Ltmp2:
0xa8: {  	s6 =	sor.u32 $0x1C05, s6;
	[bflag:$0x0] =	sbarrier.arrive $0xFFFF;
	(pc) =	sbr.rel @p0 .LBB2_1-.Ltmp2, $4  }
0xa9: {  	[hbm:s15], [sflag:s6] =	dma.local [spmem:s7], $0x2800  }
0xaa: {  	_ =	swait.ge [sflag:s21], $0x2800  }
0xab: {  	[sflag:s21] =	ssyncset.done $0x0  }
0xac: {  	[sflag:s21] =	ssyncadd.s32 $0xFFFFD800  }
0xad: {  	_ =	sfence.sel $0x180000  }
0xae: {  	[bflag:$0x0] =	sbarrier.arrive $0xFFFF  }
0xaf: {  	_ =	strace $0x9000004A  }
0xb0: {  	s0 =	stileid.u32;
	[bflag:$0x2] =	sbarrier.arrive $0xFFFF  }
0xb1: {  	p0 =	sne.s32 s0, $0x0;
	s0 =	rddreg [dreg:$0x4]  }
0xb2: {  	s0 =	sadd.s32 @!p0 $0x100000, s0  }
0xb3: {  	[sflag:s0] =	ssyncadd.tile.s32 @!p0 $0x1;
	_ =	shalt  }
.Lfunc_end2:
_tile_overlayer_lowered:
.L_overlay_start_2:
0xb4: {  	(tag) =	ssettag $0x2  }
0xb5: {  	s0 =	rddreg [dreg:$0x0];
	s2 =	stileid.u32  }
0xb6: {  	s1 =	rddreg [dreg:$0x1];
	p0 =	sne.s32 s2, $0x0  }
0xb7: {  	s3 =	rddreg [dreg:$0x2];
	[bflag:$0x3] =	sbarrier.arrive $0xFFFF;
	s2 =	simm.s32 @!p0 $0x1C05  }
0xb8: {  	[timem:s3], [sflag:s2] =	dma.local @!p0 [hbm:s0], s1  }
0xb9: {  	s0 =	simm.s32 @!p0 $0x5  }
0xba: {  	_ =	swait.ge @!p0 [sflag:s0], s1  }
0xbb: {  	s1 =	ssub.s32 @!p0 $0x0, s1;
	[sflag:s0] =	ssyncset.done @!p0 $0x0  }
0xbc: {  	[sflag:s0] =	ssyncadd.s32 @!p0 s1  }
0xbd: {  	[bflag:$0x3] =	sbarrier.arrive $0xFFFF  }
0xbe: {  	_ =	shalt  }

// kernel: kernel.15.cloned.1.call-start
scs
__scs_entry_jumppad:
0x0: {  	(pc) =	sbr.rel $0x88, $3  }
0x1: {  	(tag) =	ssettag $0x0;
	lr =	simm.s32 $0x1  }
0x2: {  	[smem:$0x3F8D] =	sst lr;
	_ =	strace $0xD0000000  }
0x3: {  	_ = 	snop  }
0x4: {  	_ = 	snop  }
0x5: {  	_ = 	snop  }
0x6: {  	_ = 	snop  }
0x7: {  	_ = 	snop  }
__scs_overlays_trampoline_lowered:
0x8: {  	[smem:$0x3F9C] =	sst s0  }
0x9: {  	[smem:$0x3F9D] =	sst s1  }
0xa: {  	[smem:$0x3F9E] =	sst s2  }
0xb: {  	[smem:$0x3F9F] =	sst s3  }
0xc: {  	[smem:$0x3FA0] =	sst s4  }
0xd: {  	[smem:$0x3FA1] =	sst s5  }
0xe: {  	[smem:$0x3FA2] =	sst s6  }
0xf: {  	[smem:$0x3FA3] =	sst s7  }
0x10: {  	[smem:$0x3FA4] =	sst s8  }
0x11: {  	[smem:$0x3FA5] =	sst s9;
	s0 =	simm.s32 @!p0 $0x0  }
0x12: {  	s1 =	sld [smem:$0x3F8B];
	s0 =	simm.s32 @p0 $0x1  }
0x13: {  	[smem:$0x3FA6] =	sst s0;
	s0 =	simm.s32 @!p1 $0x0  }
0x14: {  	s2 =	sld [smem:$0x3F8A];
	s0 =	simm.s32 @p1 $0x1  }
0x15: {  	[smem:$0x3FA7] =	sst s0;
	s0 =	simm.s32 @!p2 $0x0  }
0x16: {  	s3 =	sld [smem:$0x3FDB];
	s0 =	simm.s32 @p2 $0x1  }
0x17: {  	s4 =	simm.s32 $0x1BF5;
	[smem:$0x3FA9] =	sst s0  }
0x18: {  	s0 =	sld [smem:$0x3F8C];
	_ =	swait.ge [sflag:s4], $0x0  }
0x19: {  	s7 =	sld [smem:$0x3F8D]  }
0x1a: {  	s8 =	sadd.s32 $0xFFFFE003, lr  }
0x1b: {  	s9 =	sadd.s32 $0xFFFFFEF7, lr;
	s5 =	simm.s32 $0xFFFFFFFF;
	p2 =	slt.u32 s8, $0xFFFFF086  }
0x1c: {  	p1 =	slt.u32 s9, $0xF7A;
	s5 =	simm.s32 @!p2 $0x0  }
0x1d: {  	s5 =	simm.s32 @p1 $0x1;
	p0 =	seq.s32 s7, s2  }
0x1e: {  	s7 =	smul.u32 @!p0 $0xF7A, s2;
	p2 =	seq.s32 @!p0 s5, $0x0  }
0x1f: {  	s9 =	smul.u32 $0xF7A, s1;
	s8 =	simm.s32 @!p0 $0x1BF5;
	p2 =	por !p2, p0  }
0x20: {  	[sflag:s8] =	ssyncset.s32 @!p0 $0xFFFFF086;
	s6 =	sadd.s32 @!p0 s3, s7;
	s7 =	simm.s32 @!p0 $0x108  }
0x21: {  	s3 =	sadd.s32 s3, s9;
	s6 =	sadd.s32 @!p0 $0x88, s6;
	s7 =	simm.s32 @p2 $0x1082  }
0x22: {  	[simem:s7], [sflag:s8] =	dma.local @!p0 [hbm:s6], $0xF7A  }
0x23: {  	s9 =	sor.u32 $0xD0000000, s2;
	s6 =	simm.s32 $0x108;
	_ =	swait.ge @!p0 [sflag:s8], $0x0  }
0x24: {  	s3 =	sadd.s32 $0x88, s3;
	s6 =	simm.s32 @!p1 $0x1082;
	[sflag:s4] =	ssyncset.s32 $0xFFFFF086  }
0x25: {  	[simem:s6], [sflag:s4] =	dma.local [hbm:s3], $0xF7A  }
0x26: {  	[smem:$0x3F8D] =	sst s1;
	(tag) =	ssettag s2;
	_ =	strace s9  }
0x27: {  	s1 =	sld [smem:$0x3F9D]  }
0x28: {  	s2 =	sld [smem:$0x3F9E]  }
0x29: {  	s4 =	sld [smem:$0x3FA0]  }
0x2a: {  	p0 =	seq.s32 s5, $0x0;
	s5 =	sld [smem:$0x3FA1]  }
0x2b: {  	s6 =	sld [smem:$0x3FA2]  }
0x2c: {  	s7 =	sld [smem:$0x3FA3]  }
0x2d: {  	s3 =	simm.s32 $0x108;
	s8 =	sld [smem:$0x3FA4]  }
0x2e: {  	s3 =	simm.s32 @!p0 $0x1082;
	s9 =	sld [smem:$0x3FA5]  }
0x2f: {  	lr =	sadd.s32 s0, s3;
	s0 =	sld [smem:$0x3F9C]  }
0x30: {  	s3 =	sld [smem:$0x3F9F]  }
0x31: {  	[smem:$0x3FA8] =	sst s10  }
0x32: {  	s10 =	sld [smem:$0x3FA6];
	_ =	sdelay $0x3  }
0x33: {  	p0 =	seq.s32 s10, $0x1;
	s10 =	sld [smem:$0x3FA8];
	_ =	sdelay $0x3  }
0x34: {  	[smem:$0x3FA8] =	sst s10  }
0x35: {  	s10 =	sld [smem:$0x3FA7];
	_ =	sdelay $0x3  }
0x36: {  	p1 =	seq.s32 s10, $0x1;
	s10 =	sld [smem:$0x3FA8];
	_ =	sdelay $0x3  }
0x37: {  	[smem:$0x3FA8] =	sst s10  }
0x38: {  	s10 =	sld [smem:$0x3FA9]  }
0x39: {  	_ = 	snop;
	(pc) =	sbr.ind lr, $3  }
0x3a: {  	_ = 	snop  }
0x3b: {  	_ = 	snop  }
0x3c: {  	p2 =	seq.s32 s10, $0x1;
	s10 =	sld [smem:$0x3FA8]  }
0x3d: {  	_ =	shalt  }
0x3e: {  	_ =	shalt  }
0x3f: {  	_ =	shalt  }
0x40: {  	_ =	shalt  }
0x41: {  	_ =	shalt  }
0x42: {  	_ =	shalt  }
0x43: {  	_ =	shalt  }
0x44: {  	_ =	shalt  }
0x45: {  	_ =	shalt  }
0x46: {  	_ =	shalt  }
0x47: {  	_ =	shalt  }
0x48: {  	_ =	shalt  }
0x49: {  	_ =	shalt  }
0x4a: {  	_ =	shalt  }
0x4b: {  	_ =	shalt  }
0x4c: {  	_ =	shalt  }
0x4d: {  	_ =	shalt  }
0x4e: {  	_ =	shalt  }
0x4f: {  	_ =	shalt  }
0x50: {  	_ =	shalt  }
0x51: {  	_ =	shalt  }
0x52: {  	_ =	shalt  }
0x53: {  	_ =	shalt  }
0x54: {  	_ =	shalt  }
0x55: {  	_ =	shalt  }
0x56: {  	_ =	shalt  }
0x57: {  	_ =	shalt  }
0x58: {  	_ =	shalt  }
0x59: {  	_ =	shalt  }
0x5a: {  	_ =	shalt  }
0x5b: {  	_ =	shalt  }
0x5c: {  	_ =	shalt  }
0x5d: {  	_ =	shalt  }
0x5e: {  	_ =	shalt  }
0x5f: {  	_ =	shalt  }
0x60: {  	_ =	shalt  }
0x61: {  	_ =	shalt  }
0x62: {  	_ =	shalt  }
0x63: {  	_ =	shalt  }
0x64: {  	_ =	shalt  }
0x65: {  	_ =	shalt  }
0x66: {  	_ =	shalt  }
0x67: {  	_ =	shalt  }
0x68: {  	_ =	shalt  }
0x69: {  	_ =	shalt  }
0x6a: {  	_ =	shalt  }
0x6b: {  	_ =	shalt  }
0x6c: {  	_ =	shalt  }
0x6d: {  	_ =	shalt  }
0x6e: {  	_ =	shalt  }
0x6f: {  	_ =	shalt  }
0x70: {  	_ =	shalt  }
0x71: {  	_ =	shalt  }
0x72: {  	_ =	shalt  }
0x73: {  	_ =	shalt  }
0x74: {  	_ =	shalt  }
0x75: {  	_ =	shalt  }
0x76: {  	_ =	shalt  }
0x77: {  	_ =	shalt  }
0x78: {  	_ =	shalt  }
0x79: {  	_ =	shalt  }
0x7a: {  	_ =	shalt  }
0x7b: {  	_ =	shalt  }
0x7c: {  	_ =	shalt  }
0x7d: {  	_ =	shalt  }
0x7e: {  	_ =	shalt  }
0x7f: {  	_ =	shalt  }
0x80: {  	_ =	shalt  }
0x81: {  	_ =	shalt  }
0x82: {  	_ =	shalt  }
0x83: {  	_ =	shalt  }
0x84: {  	_ =	shalt  }
0x85: {  	_ =	shalt  }
0x86: {  	_ =	shalt  }
0x87: {  	_ =	shalt  }
.Lfunc_end0:
.L_simem_size_0:
called_computation.2_lowered:
.L_overlay_start_0:
0x88: {  	s2 =	sld [smem:$0x3FD9]  }
0x89: {  	s3 =	sld [smem:$0x3FFE];
	_ =	sdelay $0x1  }
0x8a: {  	s1 =	srdreg.scid  }
0x8b: {  	s0 =	sand.u32 $0x1, s1  }
0x8c: {  	s16 =	sshll.u32 s0, $0xA;
	s2 =	sadd.s32 s3, s2  }
0x8d: {  	s2 =	sadd.s32 s2, s16  }
0x8e: {  	[smem:$0x3FB4] =	sst s2  }
0x8f: {  	_ = 	snop  }
0x90: {  	(tm) =	ssettm $0x1  }
0x91: {  	s17 =	sld [smem:$0x3FFB];
	_ =	sdelay $0x3  }
0x92: {  	_ =	strace s17  }
0x93: {  	s2 =	sld [smem:$0x3FFC];
	_ =	sdelay $0x3  }
0x94: {  	_ =	strace s2  }
0x95: {  	s2 =	sld [smem:$0x3FFD];
	_ =	sdelay $0x3  }
0x96: {  	_ =	strace s2  }
0x97: {  	_ =	strace $0x8FFFFFFF  }
0x98: {  	s18 =	sld [smem:$0x3FDB];
	_ =	sdelay $0x1  }
0x99: {  	s19 =	simm.s32 $_scs_section_size  }
0x9a: {  	s4 =	simm.s32 $_size__tile_overlayer_lowered;
	s5 =	simm.s32 $_tile_overlayer_lowered  }
0x9b: {  	s22 =	simm.s32 $0x1BFF;
	s21 =	sshll.u32 s5, $0x1;
	s2 =	sadd.s32 s19, s18  }
0x9c: {  	s6 =	simm.s32 $0x0;
	s20 =	sshll.u32 s4, $0x1;
	s4 =	sadd.s32 s21, s2  }
0x9d: {  	[timem:s6], [sflag:s22] =	dma.local [hbm:s4], s20  }
0x9e: {  	_ =	swait.ge [sflag:s22], s20  }
0x9f: {  	s3 =	ssub.s32 $0x0, s20;
	[sflag:s22] =	ssyncset.done $0x0  }
0xa0: {  	[sflag:s22] =	ssyncadd.s32 s3;
	_ =	sdelay $0x1  }
0xa1: {  	s23 =	simm.s32 $0x1B8B  }
0xa2: {  	_ =	swait.ge [sflag:s23], $0x1  }
0xa3: {  	[sflag:s23] =	ssyncset.done $0x0  }
0xa4: {  	s25 =	simm.s32 $0x1B8E;
	s24 =	sld [smem:$0x3FFE];
	[sflag:s23] =	ssyncadd.s32 $0xFFFFFFFF  }
0xa5: {  	s26 =	simm.s32 $execute0_lowered;
	[smem:$0x3FD2] =	sst s25  }
0xa6: {  	s4 =	sshll.u32 s26, $0x1;
	_ =	strace $0x8000004C;
	[dreg:$0x1] =	wrdreg $0xFFFFFFFF  }
0xa7: {  	s28 =	simm.s32 $_size_execute0_lowered;
	s2 =	sadd.s32 s2, s4;
	[dreg:$0x0] =	wrdreg $0x0  }
0xa8: {  	s4 =	sshll.u32 s28, $0x1;
	[dreg:$0x2] =	wrdreg s2  }
0xa9: {  	[dreg:$0x3] =	wrdreg s4  }
0xaa: {  	[dreg:$0x4] =	wrdreg $0xC0  }
0xab: {  	_ =	task [dreg:s6], $0x5FFFF  }
0xac: {  	[dreg:$0x1] =	wrdreg $0xFFFFFFFF  }
0xad: {  	[dreg:$0x0] =	wrdreg $0x60  }
0xae: {  	[dreg:$0x2] =	wrdreg s24  }
0xaf: {  	[dreg:$0x3] =	wrdreg $0xA0800  }
0xb0: {  	[dreg:$0x4] =	wrdreg $0x9  }
0xb1: {  	_ =	task.clear_ibuf [dreg:s6], $0x5FFFF;
	_ =	strace $0x9000004C  }
0xb2: {  	s29 =	simm.s32 $0x9;
	_ =	strace $0x8000004E  }
0xb3: {  	_ =	swait.ge [sflag:s29], $0x1  }
0xb4: {  	[sflag:s29] =	ssyncadd.s32 $0xFFFFFFFF  }
0xb5: {  	_ =	strace $0x9000004E  }
0xb6: {  	_ =	sfence  }
0xb7: {  	s30 =	sld [smem:$0x0];
	_ =	sdelay $0x2  }
0xb8: {  	s31 =	sshll.u32 s1, $0xD;
	s1 =	sshrl.u32 s1, $0x2  }
0xb9: {  	s3 =	sand.u32 $0x4000, s31;
	s1 =	sadd.s32 s1, s30  }
0xba: {  	s0 =	sor.u32 s3, s0;
	s1 =	sshll.u32 s1, $0x11  }
0xbb: {  	s0 =	sor.u32 s1, s0  }
0xbc: {  	s0 =	sadd.s32 $0x8F2B, s0  }
0xbd: {  	[sflag:s0] =	ssyncadd.remote.s32 $0x1  }
0xbe: {  	_ =	sfence.sel $0xFFFF  }
0xbf: {  	[dreg:$0x0] =	wrdreg $0xFFFFFFFF;
	(pc) =	sbr.abs _section_cstart, $3  }
0xc0: {  	[dreg:$0x1] =	wrdreg $0xFFFFFFFF  }
0xc1: {  	_ =	task.clear_ibuf [dreg:s6], $0x2FFFF;
	_ =	strace $0x9FFFFFFF  }
0xc2: {  	(tm) =	ssettm $0x7FFFFFFF  }
0xc3: {  	_ =	shalt  }
tec
execute0_lowered:
.L_overlay_start_1:
0x0: {  	(tag) =	ssettag $0x1  }
0x1: {  	s0 =	srdreg.scid;
	s5 =	rddreg [dreg:$0x0]  }
0x2: {  	s9 =	stileid.u32;
	s2 =	rddreg [dreg:$0x1]  }
0x3: {  	s28 =	simm.s32 $0x5080;
	s29 =	simm.s32 $0x1;
	s8 =	smul.u32 $0x14000, s9  }
0x4: {  	s30 =	simm.s32 $0x3;
	s31 =	simm.s32 $0x2;
	s20 =	smul.u32 $0x50000, s9  }
0x5: {  	s0 =	sand.u32 $0x1, s0;
	s6 =	sshll.u32 s9, $0x7;
	s26 =	smul.u32 $0x7D, s9  }
0x6: {  	s15 =	sadd.s32 $0x72800, s5;
	s1 =	sshll.u32 s0, $0x4;
	s7 =	smul.u32 $0x140000, s0  }
0x7: {  	s6 =	sand.u32 $0x380, s6;
	s21 =	ssub.s32 $0x2, s0;
	s1 =	sor.u32 s9, s1  }
0x8: {  	s0 =	smul.u32 $0x7D0, s0;
	s22 =	sshrl.u32 s21, $0x1;
	s3 =	sshrl.u32 s1, $0x3  }
0x9: {  	s7 =	sadd.s32 s8, s7;
	s8 =	sshrl.u32 s20, $0x2;
	s11 =	smul.u32 $0x3E80, s1  }
0xa: {  	s17 =	ssub.s32 s21, s22;
	s1 =	smul.u32 $0x280, s1;
	s0 =	sadd.s32 s26, s0  }
0xb: {  	s21 =	simm.s32 $0x5;
	s22 =	simm.s32 $0x7880;
	s26 =	simm.s32 $0x50  }
0xc: {  	s4 =	smul.u32 $0x13C00, s3;
	s3 =	simm.s32 $0x0;
	s7 =	sshrl.u32 s7, $0x3  }
0xd: {  	s0 =	sshll.u32 s0, $0x4;
	[smem:$0x7FF] =	sst s3;
	s16 =	sadd.s32 s7, s5  }
0xe: {  	s12 =	sand.u32 $0x7FC00, s11;
	s1 =	sand.u32 $0x380, s1;
	s0 =	sadd.s32 s0, s15  }
0xf: {  	_ =	strace $0x8000004D;
	s6 =	sor.u32 s6, s4;
	s4 =	sadd.s32 $0x18A00, s5  }
0x10: {  	s1 =	sor.u32 s1, s12;
	s18 =	sadd.s32 $0x20, s0;
	s6 =	sshrl.u32 s6, $0x3  }
0x11: {  	s1 =	sshrl.u32 s1, $0x3;
	s6 =	sadd.s32 s6, s5;
	s5 =	sadd.s32 s8, s2  }
0x12: {  	s14 =	sadd.s32 s15, s1;
	s15 =	sadd.s32 $0x8C000, s16;
	s16 =	smax.u32 s17, $0x1  }
0x13: {  	s17 =	sadd.s32 $0x10, s0;
	s1 =	simm.s32 $0x4;
	s6 =	sadd.s32 $0x82200, s6  }
0x14: {  	s0 =	simm.s32 $0x0;
	s23 =	sadd.s32 $0x2800, s5;
	[dreg:$0x3] =	wrdreg s6  }
0x15: {  	s24 =	sadd.s32 $0x5000, s5;
	s25 =	sadd.s32 $0x7800, s5;
	[dreg:$0x4] =	wrdreg s23  }
0x16: {  	s10 =	sadd.s32 $0xA000, s5;
	s11 =	sadd.s32 $0xC800, s5;
	[dreg:$0x5] =	wrdreg s24  }
0x17: {  	s12 =	sadd.s32 $0xF000, s5;
	s13 =	sadd.s32 $0x11800, s5;
	[dreg:$0x6] =	wrdreg s25  }
0x18: {  	v0 =	vimm.f32 $0.0e+00;
	s23 =	simm.s32 $0x2780;
	s24 =	simm.s32 $0x2880;
	s25 =	simm.s32 $0x2800  }
.LBB2_1:
0x19: {  	s6 =	sand.u32 $0xFE00, s3  }
0x1a: {  	s20 =	sand.u32 $0x70, s3;
	s6 =	sshrl.u32 s6, $0x2  }
0x1b: {  	s19 =	simm.s32 $0x40;
	s6 =	sor.u32 s20, s6;
	s20 =	simm.s32 $0x0  }
.LBB2_2:
0x1c: {  	p0 =	sne.s32 s19, $0x9FC0  }
0x1d: {  	[tilespmem:s6+$0x7880] =	vst v0;
	s20 =	sadd.s32 $0x10, s20;
	s6 =	smov.u32 s19;
	s19 =	sadd.s32 $0x40, s19  }
.Ltmp0:
0x1e: {  	(pc) =	sbr.rel @p0 .LBB2_2-.Ltmp0, $4  }
0x1f: {  	_ = 	snop  }
0x20: {  	s6 =	sand.u32 $0xFE00, s6  }
0x21: {  	s7 =	sand.u32 $0x70, s20;
	s6 =	sshrl.u32 s6, $0x2  }
0x22: {  	s6 =	sor.u32 s7, s6  }
0x23: {  	[tilespmem:s6+$0x7880] =	vst v0;
	s6 =	simm.s32 $0x0  }
0x24: {  	s7 =	rddreg [dreg:$0x3];
	s8 =	simm.s32 $0x80;
	s9 =	simm.s32 $0x400  }
0x25: {  	[tilespmem:s6], [sflag:$0x5] =	stream.strided.gather [hbm4b:s7+s8], $0x2780, s9, s8, $0x38;
	[tilespmem:$0x1E080] =	vst v63  }
0x26: {  	_ =	swait.ge [sflag:s21], $0x2780  }
0x27: {  	[sflag:s21] =	ssyncset.done $0x0  }
0x28: {  	[sflag:s21] =	ssyncadd.s32 $0xFFFFD880  }
0x29: {  	[spmem:s5] =	stream.linear.scatter [tilespmem:s22], [sflag:$0x5], $0x2800, $0x38;
	[tilespmem:$0x1E080] =	vst v63  }
0x2a: {  	_ =	swait.ge [sflag:s21], $0x2800  }
0x2b: {  	[sflag:s21] =	ssyncset.done $0x0  }
0x2c: {  	s9 =	rddreg [dreg:$0x4];
	[sflag:s21] =	ssyncadd.s32 $0xFFFFD800  }
0x2d: {  	[spmem:s9] =	stream.linear.scatter [tilespmem:s22], [sflag:$0x5], $0x2800, $0x38;
	[tilespmem:$0x1E080] =	vst v63  }
0x2e: {  	_ =	swait.ge [sflag:s21], $0x2800  }
0x2f: {  	[sflag:s21] =	ssyncset.done $0x0  }
0x30: {  	s19 =	rddreg [dreg:$0x5];
	[sflag:s21] =	ssyncadd.s32 $0xFFFFD800  }
0x31: {  	[spmem:s19] =	stream.linear.scatter [tilespmem:s22], [sflag:$0x5], $0x2800, $0x38;
	[tilespmem:$0x1E080] =	vst v63  }
0x32: {  	_ =	swait.ge [sflag:s21], $0x2800  }
0x33: {  	[sflag:s21] =	ssyncset.done $0x0  }
0x34: {  	s20 =	rddreg [dreg:$0x6];
	[sflag:s21] =	ssyncadd.s32 $0xFFFFD800  }
0x35: {  	[spmem:s20] =	stream.linear.scatter [tilespmem:s22], [sflag:$0x5], $0x2800, $0x38;
	[tilespmem:$0x1E080] =	vst v63  }
0x36: {  	_ =	swait.ge [sflag:s21], $0x2800  }
0x37: {  	[sflag:s21] =	ssyncset.done $0x0  }
0x38: {  	[sflag:s21] =	ssyncadd.s32 $0xFFFFD800  }
0x39: {  	[spmem:s10] =	stream.linear.scatter [tilespmem:s22], [sflag:$0x5], $0x2800, $0x38;
	[tilespmem:$0x1E080] =	vst v63  }
0x3a: {  	_ =	swait.ge [sflag:s21], $0x2800  }
0x3b: {  	[sflag:s21] =	ssyncset.done $0x0  }
0x3c: {  	[sflag:s21] =	ssyncadd.s32 $0xFFFFD800  }
0x3d: {  	[spmem:s11] =	stream.linear.scatter [tilespmem:s22], [sflag:$0x5], $0x2800, $0x38;
	[tilespmem:$0x1E080] =	vst v63  }
0x3e: {  	_ =	swait.ge [sflag:s21], $0x2800  }
0x3f: {  	[sflag:s21] =	ssyncset.done $0x0  }
0x40: {  	[sflag:s21] =	ssyncadd.s32 $0xFFFFD800  }
0x41: {  	[spmem:s12] =	stream.linear.scatter [tilespmem:s22], [sflag:$0x5], $0x2800, $0x38;
	[tilespmem:$0x1E080] =	vst v63  }
0x42: {  	_ =	swait.ge [sflag:s21], $0x2800  }
0x43: {  	[sflag:s21] =	ssyncset.done $0x0  }
0x44: {  	[sflag:s21] =	ssyncadd.s32 $0xFFFFD800  }
0x45: {  	[spmem:s13] =	stream.linear.scatter [tilespmem:s22], [sflag:$0x5], $0x2800, $0x38;
	[tilespmem:$0x1E080] =	vst v63  }
0x46: {  	_ =	swait.ge [sflag:s21], $0x2800  }
0x47: {  	[sflag:s21] =	ssyncset.done $0x0  }
0x48: {  	[sflag:s21] =	ssyncadd.s32 $0xFFFFD800  }
0x49: {  	[bflag:$0x0] =	sbarrier.arrive $0xFFFF  }
0x4a: {  	[tilespmem:s23], [sflag:$0x1] =	stream.linear.gather [hbm4b:s14+s6], $0x80, $0x38;
	[tilespmem:$0x1E080] =	vst v63  }
0x4b: {  	s8 =	simm.s32 $0x50  }
0x4c: {  	[tilespmem:s24], [sflag:$0x3] =	stream.indirect.gather [hbm4b:s4+s8], $0x80, s6, s8, $0xb8;
	[tilespmem:$0x1E080] =	vst v63  }
0x4d: {  	s9 =	sadd.s32 $0x0, s17  }
0x4e: {  	[tilespmem:s25], [sflag:$0x2] =	stream.linear.gather [hbm4b:s9+s3], $0x80, $0x38;
	[tilespmem:$0x1E080] =	vst v63  }
0x4f: {  	_ = 	snop  }
0x50: {  	[tilespmem:s28], [sflag:$0x4] =	stream.indirect.gather [hbm4b:s4+s26], $0x80, s8, s26, $0xb8;
	[tilespmem:$0x1E080] =	vst v63  }
0x51: {  	_ =	swait.ge [sflag:s29], $0x80  }
0x52: {  	[sflag:s29] =	ssyncset.done $0x0  }
0x53: {  	[sflag:s29] =	ssyncadd.s32 $0xFFFFFF80  }
0x54: {  	_ =	swait.ge [sflag:s30], $0x2800  }
0x55: {  	[sflag:s30] =	ssyncset.done $0x0  }
0x56: {  	[sflag:s30] =	ssyncadd.s32 $0xFFFFD800  }
0x57: {  	[spmem:s2] =	stream.indirect.scatter.add.f32 [tilespmem:s24], [sflag:$0x5], $0x80, s23, s26, $0xb8;
	[tilespmem:$0x1E080] =	vst v63  }
0x58: {  	_ =	swait.ge [sflag:s21], $0x2800  }
0x59: {  	[sflag:s21] =	ssyncset.done $0x0  }
0x5a: {  	s19 =	sadd.s32 $0x0, s18;
	[sflag:s21] =	ssyncadd.s32 $0xFFFFD800  }
0x5b: {  	[tilespmem:s23], [sflag:$0x1] =	stream.linear.gather [hbm4b:s19+s3], $0x80, $0x38;
	[tilespmem:$0x1E080] =	vst v63  }
0x5c: {  	s20 =	simm.s32 $0xA0  }
0x5d: {  	[tilespmem:s24], [sflag:$0x3] =	stream.indirect.gather [hbm4b:s4+s26], $0x80, s20, s26, $0xb8;
	[tilespmem:$0x1E080] =	vst v63  }
0x5e: {  	_ =	swait.ge [sflag:s31], $0x80  }
0x5f: {  	[sflag:s31] =	ssyncset.done $0x0  }
0x60: {  	[sflag:s31] =	ssyncadd.s32 $0xFFFFFF80  }
0x61: {  	_ =	swait.ge [sflag:s1], $0x2800  }
0x62: {  	[sflag:s1] =	ssyncset.done $0x0  }
0x63: {  	[sflag:s1] =	ssyncadd.s32 $0xFFFFD800  }
0x64: {  	[spmem:s2] =	stream.indirect.scatter.add.f32 [tilespmem:s28], [sflag:$0x5], $0x80, s25, s26, $0xb8;
	[tilespmem:$0x1E080] =	vst v63  }
0x65: {  	s6 =	simm.s32 $0x40;
	_ =	swait.ge [sflag:s21], $0x2800  }
0x66: {  	s19 =	simm.s32 $0x20;
	s20 =	simm.s32 $0xF0;
	[sflag:s21] =	ssyncset.done $0x0  }
.LBB2_4:
0x67: {  	s7 =	sadd.s32 s19, s17  }
0x68: {  	[sflag:s21] =	ssyncadd.s32 $0xFFFFD800;
	s8 =	smov.u32 s6;
	s9 =	sadd.s32 $0x20, s6  }
0x69: {  	[tilespmem:s25], [sflag:$0x2] =	stream.linear.gather [hbm4b:s7+s3], $0x80, $0x38;
	[tilespmem:$0x1E080] =	vst v63  }
0x6a: {  	p0 =	sne.s32 s6, $0x7A0  }
0x6b: {  	[tilespmem:s28], [sflag:$0x4] =	stream.indirect.gather [hbm4b:s4+s26], $0x80, s20, s26, $0xb8;
	[tilespmem:$0x1E080] =	vst v63  }
0x6c: {  	_ =	swait.ge [sflag:s29], $0x80  }
0x6d: {  	[sflag:s29] =	ssyncset.done $0x0  }
0x6e: {  	[sflag:s29] =	ssyncadd.s32 $0xFFFFFF80  }
0x6f: {  	_ =	swait.ge [sflag:s30], $0x2800  }
0x70: {  	[sflag:s30] =	ssyncset.done $0x0  }
0x71: {  	[sflag:s30] =	ssyncadd.s32 $0xFFFFD800  }
0x72: {  	[spmem:s2] =	stream.indirect.scatter.add.f32 [tilespmem:s24], [sflag:$0x5], $0x80, s23, s26, $0xb8;
	[tilespmem:$0x1E080] =	vst v63  }
0x73: {  	_ =	swait.ge [sflag:s21], $0x2800  }
0x74: {  	[sflag:s21] =	ssyncset.done $0x0  }
0x75: {  	s6 =	sadd.s32 s19, s18;
	s19 =	smov.u32 s8;
	[sflag:s21] =	ssyncadd.s32 $0xFFFFD800  }
0x76: {  	[tilespmem:s23], [sflag:$0x1] =	stream.linear.gather [hbm4b:s6+s3], $0x80, $0x38;
	[tilespmem:$0x1E080] =	vst v63  }
0x77: {  	s6 =	sadd.s32 $0x50, s20  }
0x78: {  	[tilespmem:s24], [sflag:$0x3] =	stream.indirect.gather [hbm4b:s4+s26], $0x80, s6, s26, $0xb8;
	[tilespmem:$0x1E080] =	vst v63  }
0x79: {  	_ =	swait.ge [sflag:s31], $0x80  }
0x7a: {  	[sflag:s31] =	ssyncset.done $0x0  }
0x7b: {  	[sflag:s31] =	ssyncadd.s32 $0xFFFFFF80  }
0x7c: {  	_ =	swait.ge [sflag:s1], $0x2800  }
.Ltmp1:
0x7d: {  	[sflag:s1] =	ssyncset.done $0x0;
	(pc) =	sbr.rel @p0 .LBB2_4-.Ltmp1, $4  }
0x7e: {  	[sflag:s1] =	ssyncadd.s32 $0xFFFFD800  }
0x7f: {  	[spmem:s2] =	stream.indirect.scatter.add.f32 [tilespmem:s28], [sflag:$0x5], $0x80, s25, s26, $0xb8;
	[tilespmem:$0x1E080] =	vst v63  }
0x80: {  	_ =	swait.ge [sflag:s21], $0x2800  }
0x81: {  	s20 =	sadd.s32 $0xA0, s20;
	s6 =	smov.u32 s9;
	[sflag:s21] =	ssyncset.done $0x0  }
0x82: {  	s6 =	sadd.s32 s19, s17;
	[sflag:s21] =	ssyncadd.s32 $0xFFFFD800  }
0x83: {  	[tilespmem:s25], [sflag:$0x2] =	stream.linear.gather [hbm4b:s6+s3], $0x80, $0x38;
	[tilespmem:$0x1E080] =	vst v63  }
0x84: {  	_ = 	snop  }
0x85: {  	[tilespmem:s28], [sflag:$0x4] =	stream.indirect.gather [hbm4b:s4+s26], $0x80, s20, s26, $0xb8;
	[tilespmem:$0x1E080] =	vst v63  }
0x86: {  	_ =	swait.ge [sflag:s29], $0x80  }
0x87: {  	[sflag:s29] =	ssyncset.done $0x0  }
0x88: {  	[sflag:s29] =	ssyncadd.s32 $0xFFFFFF80  }
0x89: {  	_ =	swait.ge [sflag:s30], $0x2800  }
0x8a: {  	[sflag:s30] =	ssyncset.done $0x0  }
0x8b: {  	[sflag:s30] =	ssyncadd.s32 $0xFFFFD800  }
0x8c: {  	[spmem:s2] =	stream.indirect.scatter.add.f32 [tilespmem:s24], [sflag:$0x5], $0x80, s23, s26, $0xb8;
	[tilespmem:$0x1E080] =	vst v63  }
0x8d: {  	_ =	swait.ge [sflag:s21], $0x2800  }
0x8e: {  	[sflag:s21] =	ssyncset.done $0x0  }
0x8f: {  	s9 =	sadd.s32 s19, s18;
	[sflag:s21] =	ssyncadd.s32 $0xFFFFD800  }
0x90: {  	[tilespmem:s23], [sflag:$0x1] =	stream.linear.gather [hbm4b:s9+s3], $0x80, $0x38;
	[tilespmem:$0x1E080] =	vst v63  }
0x91: {  	s19 =	sadd.s32 $0x50, s20  }
0x92: {  	[tilespmem:s24], [sflag:$0x3] =	stream.indirect.gather [hbm4b:s4+s26], $0x80, s19, s26, $0xb8;
	[tilespmem:$0x1E080] =	vst v63  }
0x93: {  	_ =	swait.ge [sflag:s31], $0x80  }
0x94: {  	[sflag:s31] =	ssyncset.done $0x0  }
0x95: {  	[sflag:s31] =	ssyncadd.s32 $0xFFFFFF80  }
0x96: {  	_ =	swait.ge [sflag:s1], $0x2800  }
0x97: {  	[sflag:s1] =	ssyncset.done $0x0  }
0x98: {  	[sflag:s1] =	ssyncadd.s32 $0xFFFFD800  }
0x99: {  	[spmem:s2] =	stream.indirect.scatter.add.f32 [tilespmem:s28], [sflag:$0x5], $0x80, s25, s26, $0xb8;
	[tilespmem:$0x1E080] =	vst v63  }
0x9a: {  	_ =	swait.ge [sflag:s21], $0x2800  }
0x9b: {  	[sflag:s21] =	ssyncset.done $0x0  }
0x9c: {  	[sflag:s21] =	ssyncadd.s32 $0xFFFFD800  }
0x9d: {  	_ =	swait.ge [sflag:s29], $0x80  }
0x9e: {  	[sflag:s29] =	ssyncset.done $0x0  }
0x9f: {  	[sflag:s29] =	ssyncadd.s32 $0xFFFFFF80  }
0xa0: {  	_ =	swait.ge [sflag:s30], $0x2800  }
0xa1: {  	[sflag:s30] =	ssyncset.done $0x0  }
0xa2: {  	[sflag:s30] =	ssyncadd.s32 $0xFFFFD800  }
0xa3: {  	[spmem:s2] =	stream.indirect.scatter.add.f32 [tilespmem:s24], [sflag:$0x5], $0x80, s23, s26, $0xb8;
	[tilespmem:$0x1E080] =	vst v63  }
0xa4: {  	s7 =	sshrl.u32 s5, $0x3;
	_ =	swait.ge [sflag:s21], $0x2800  }
0xa5: {  	s0 =	sadd.s32 $0x1, s0;
	s20 =	stileid.u32;
	[sflag:s21] =	ssyncset.done $0x0  }
0xa6: {  	p0 =	sne.s32 s0, s16;
	s6 =	sshll.u32 s20, $0x6;
	[sflag:s21] =	ssyncadd.s32 $0xFFFFD800  }
.Ltmp2:
0xa7: {  	s6 =	sor.u32 $0x1C05, s6;
	[bflag:$0x0] =	sbarrier.arrive $0xFFFF;
	(pc) =	sbr.rel @p0 .LBB2_1-.Ltmp2, $4  }
0xa8: {  	[hbm:s15], [sflag:s6] =	dma.local [spmem:s7], $0x2800  }
0xa9: {  	_ =	swait.ge [sflag:s21], $0x2800  }
0xaa: {  	[sflag:s21] =	ssyncset.done $0x0  }
0xab: {  	[sflag:s21] =	ssyncadd.s32 $0xFFFFD800  }
0xac: {  	_ =	sfence.sel $0x180000  }
0xad: {  	[bflag:$0x0] =	sbarrier.arrive $0xFFFF  }
0xae: {  	_ =	strace $0x9000004D  }
0xaf: {  	s0 =	stileid.u32;
	[bflag:$0x2] =	sbarrier.arrive $0xFFFF  }
0xb0: {  	p0 =	sne.s32 s0, $0x0;
	s0 =	rddreg [dreg:$0x2]  }
0xb1: {  	s0 =	sadd.s32 @!p0 $0x100000, s0  }
0xb2: {  	[sflag:s0] =	ssyncadd.tile.s32 @!p0 $0x1;
	_ =	shalt  }
.Lfunc_end2:
_tile_overlayer_lowered:
.L_overlay_start_2:
0xb3: {  	(tag) =	ssettag $0x2  }
0xb4: {  	s0 =	rddreg [dreg:$0x0];
	s2 =	stileid.u32  }
0xb5: {  	s1 =	rddreg [dreg:$0x1];
	p0 =	sne.s32 s2, $0x0  }
0xb6: {  	s3 =	rddreg [dreg:$0x2];
	[bflag:$0x3] =	sbarrier.arrive $0xFFFF;
	s2 =	simm.s32 @!p0 $0x1C05  }
0xb7: {  	[timem:s3], [sflag:s2] =	dma.local @!p0 [hbm:s0], s1  }
0xb8: {  	s0 =	simm.s32 @!p0 $0x5  }
0xb9: {  	_ =	swait.ge @!p0 [sflag:s0], s1  }
0xba: {  	s1 =	ssub.s32 @!p0 $0x0, s1;
	[sflag:s0] =	ssyncset.done @!p0 $0x0  }
0xbb: {  	[sflag:s0] =	ssyncadd.s32 @!p0 s1  }
0xbc: {  	[bflag:$0x3] =	sbarrier.arrive $0xFFFF  }
0xbd: {  	_ =	shalt  }

// kernel: kernel.18.cloned.1.call-start
scs
__scs_entry_jumppad:
0x0: {  	(pc) =	sbr.rel $0x88, $3  }
0x1: {  	(tag) =	ssettag $0x0;
	lr =	simm.s32 $0x1  }
0x2: {  	[smem:$0x3F8D] =	sst lr;
	_ =	strace $0xD0000000  }
0x3: {  	_ = 	snop  }
0x4: {  	_ = 	snop  }
0x5: {  	_ = 	snop  }
0x6: {  	_ = 	snop  }
0x7: {  	_ = 	snop  }
__scs_overlays_trampoline_lowered:
0x8: {  	[smem:$0x3F9C] =	sst s0  }
0x9: {  	[smem:$0x3F9D] =	sst s1  }
0xa: {  	[smem:$0x3F9E] =	sst s2  }
0xb: {  	[smem:$0x3F9F] =	sst s3  }
0xc: {  	[smem:$0x3FA0] =	sst s4  }
0xd: {  	[smem:$0x3FA1] =	sst s5  }
0xe: {  	[smem:$0x3FA2] =	sst s6  }
0xf: {  	[smem:$0x3FA3] =	sst s7  }
0x10: {  	[smem:$0x3FA4] =	sst s8  }
0x11: {  	[smem:$0x3FA5] =	sst s9;
	s0 =	simm.s32 @!p0 $0x0  }
0x12: {  	s1 =	sld [smem:$0x3F8B];
	s0 =	simm.s32 @p0 $0x1  }
0x13: {  	[smem:$0x3FA6] =	sst s0;
	s0 =	simm.s32 @!p1 $0x0  }
0x14: {  	s2 =	sld [smem:$0x3F8A];
	s0 =	simm.s32 @p1 $0x1  }
0x15: {  	[smem:$0x3FA7] =	sst s0;
	s0 =	simm.s32 @!p2 $0x0  }
0x16: {  	s3 =	sld [smem:$0x3FDB];
	s0 =	simm.s32 @p2 $0x1  }
0x17: {  	s4 =	simm.s32 $0x1BF5;
	[smem:$0x3FA9] =	sst s0  }
0x18: {  	s0 =	sld [smem:$0x3F8C];
	_ =	swait.ge [sflag:s4], $0x0  }
0x19: {  	s7 =	sld [smem:$0x3F8D]  }
0x1a: {  	s8 =	sadd.s32 $0xFFFFE003, lr  }
0x1b: {  	s9 =	sadd.s32 $0xFFFFFEF7, lr;
	s5 =	simm.s32 $0xFFFFFFFF;
	p2 =	slt.u32 s8, $0xFFFFF086  }
0x1c: {  	p1 =	slt.u32 s9, $0xF7A;
	s5 =	simm.s32 @!p2 $0x0  }
0x1d: {  	s5 =	simm.s32 @p1 $0x1;
	p0 =	seq.s32 s7, s2  }
0x1e: {  	s7 =	smul.u32 @!p0 $0xF7A, s2;
	p2 =	seq.s32 @!p0 s5, $0x0  }
0x1f: {  	s9 =	smul.u32 $0xF7A, s1;
	s8 =	simm.s32 @!p0 $0x1BF5;
	p2 =	por !p2, p0  }
0x20: {  	[sflag:s8] =	ssyncset.s32 @!p0 $0xFFFFF086;
	s6 =	sadd.s32 @!p0 s3, s7;
	s7 =	simm.s32 @!p0 $0x108  }
0x21: {  	s3 =	sadd.s32 s3, s9;
	s6 =	sadd.s32 @!p0 $0x88, s6;
	s7 =	simm.s32 @p2 $0x1082  }
0x22: {  	[simem:s7], [sflag:s8] =	dma.local @!p0 [hbm:s6], $0xF7A  }
0x23: {  	s9 =	sor.u32 $0xD0000000, s2;
	s6 =	simm.s32 $0x108;
	_ =	swait.ge @!p0 [sflag:s8], $0x0  }
0x24: {  	s3 =	sadd.s32 $0x88, s3;
	s6 =	simm.s32 @!p1 $0x1082;
	[sflag:s4] =	ssyncset.s32 $0xFFFFF086  }
0x25: {  	[simem:s6], [sflag:s4] =	dma.local [hbm:s3], $0xF7A  }
0x26: {  	[smem:$0x3F8D] =	sst s1;
	(tag) =	ssettag s2;
	_ =	strace s9  }
0x27: {  	s1 =	sld [smem:$0x3F9D]  }
0x28: {  	s2 =	sld [smem:$0x3F9E]  }
0x29: {  	s4 =	sld [smem:$0x3FA0]  }
0x2a: {  	p0 =	seq.s32 s5, $0x0;
	s5 =	sld [smem:$0x3FA1]  }
0x2b: {  	s6 =	sld [smem:$0x3FA2]  }
0x2c: {  	s7 =	sld [smem:$0x3FA3]  }
0x2d: {  	s3 =	simm.s32 $0x108;
	s8 =	sld [smem:$0x3FA4]  }
0x2e: {  	s3 =	simm.s32 @!p0 $0x1082;
	s9 =	sld [smem:$0x3FA5]  }
0x2f: {  	lr =	sadd.s32 s0, s3;
	s0 =	sld [smem:$0x3F9C]  }
0x30: {  	s3 =	sld [smem:$0x3F9F]  }
0x31: {  	[smem:$0x3FA8] =	sst s10  }
0x32: {  	s10 =	sld [smem:$0x3FA6];
	_ =	sdelay $0x3  }
0x33: {  	p0 =	seq.s32 s10, $0x1;
	s10 =	sld [smem:$0x3FA8];
	_ =	sdelay $0x3  }
0x34: {  	[smem:$0x3FA8] =	sst s10  }
0x35: {  	s10 =	sld [smem:$0x3FA7];
	_ =	sdelay $0x3  }
0x36: {  	p1 =	seq.s32 s10, $0x1;
	s10 =	sld [smem:$0x3FA8];
	_ =	sdelay $0x3  }
0x37: {  	[smem:$0x3FA8] =	sst s10  }
0x38: {  	s10 =	sld [smem:$0x3FA9]  }
0x39: {  	_ = 	snop;
	(pc) =	sbr.ind lr, $3  }
0x3a: {  	_ = 	snop  }
0x3b: {  	_ = 	snop  }
0x3c: {  	p2 =	seq.s32 s10, $0x1;
	s10 =	sld [smem:$0x3FA8]  }
0x3d: {  	_ =	shalt  }
0x3e: {  	_ =	shalt  }
0x3f: {  	_ =	shalt  }
0x40: {  	_ =	shalt  }
0x41: {  	_ =	shalt  }
0x42: {  	_ =	shalt  }
0x43: {  	_ =	shalt  }
0x44: {  	_ =	shalt  }
0x45: {  	_ =	shalt  }
0x46: {  	_ =	shalt  }
0x47: {  	_ =	shalt  }
0x48: {  	_ =	shalt  }
0x49: {  	_ =	shalt  }
0x4a: {  	_ =	shalt  }
0x4b: {  	_ =	shalt  }
0x4c: {  	_ =	shalt  }
0x4d: {  	_ =	shalt  }
0x4e: {  	_ =	shalt  }
0x4f: {  	_ =	shalt  }
0x50: {  	_ =	shalt  }
0x51: {  	_ =	shalt  }
0x52: {  	_ =	shalt  }
0x53: {  	_ =	shalt  }
0x54: {  	_ =	shalt  }
0x55: {  	_ =	shalt  }
0x56: {  	_ =	shalt  }
0x57: {  	_ =	shalt  }
0x58: {  	_ =	shalt  }
0x59: {  	_ =	shalt  }
0x5a: {  	_ =	shalt  }
0x5b: {  	_ =	shalt  }
0x5c: {  	_ =	shalt  }
0x5d: {  	_ =	shalt  }
0x5e: {  	_ =	shalt  }
0x5f: {  	_ =	shalt  }
0x60: {  	_ =	shalt  }
0x61: {  	_ =	shalt  }
0x62: {  	_ =	shalt  }
0x63: {  	_ =	shalt  }
0x64: {  	_ =	shalt  }
0x65: {  	_ =	shalt  }
0x66: {  	_ =	shalt  }
0x67: {  	_ =	shalt  }
0x68: {  	_ =	shalt  }
0x69: {  	_ =	shalt  }
0x6a: {  	_ =	shalt  }
0x6b: {  	_ =	shalt  }
0x6c: {  	_ =	shalt  }
0x6d: {  	_ =	shalt  }
0x6e: {  	_ =	shalt  }
0x6f: {  	_ =	shalt  }
0x70: {  	_ =	shalt  }
0x71: {  	_ =	shalt  }
0x72: {  	_ =	shalt  }
0x73: {  	_ =	shalt  }
0x74: {  	_ =	shalt  }
0x75: {  	_ =	shalt  }
0x76: {  	_ =	shalt  }
0x77: {  	_ =	shalt  }
0x78: {  	_ =	shalt  }
0x79: {  	_ =	shalt  }
0x7a: {  	_ =	shalt  }
0x7b: {  	_ =	shalt  }
0x7c: {  	_ =	shalt  }
0x7d: {  	_ =	shalt  }
0x7e: {  	_ =	shalt  }
0x7f: {  	_ =	shalt  }
0x80: {  	_ =	shalt  }
0x81: {  	_ =	shalt  }
0x82: {  	_ =	shalt  }
0x83: {  	_ =	shalt  }
0x84: {  	_ =	shalt  }
0x85: {  	_ =	shalt  }
0x86: {  	_ =	shalt  }
0x87: {  	_ =	shalt  }
.Lfunc_end0:
.L_simem_size_0:
called_computation.3_lowered:
.L_overlay_start_0:
0x88: {  	s2 =	sld [smem:$0x3FD9]  }
0x89: {  	s3 =	sld [smem:$0x3FFE];
	_ =	sdelay $0x1  }
0x8a: {  	s1 =	srdreg.scid  }
0x8b: {  	s0 =	sand.u32 $0x1, s1  }
0x8c: {  	s17 =	sshll.u32 s0, $0xA;
	s2 =	sadd.s32 s3, s2  }
0x8d: {  	s2 =	sadd.s32 s2, s17  }
0x8e: {  	[smem:$0x3FB4] =	sst s2  }
0x8f: {  	_ = 	snop  }
0x90: {  	s2 =	sld [smem:$0x3FD0];
	(tm) =	ssettm $0x1  }
0x91: {  	s18 =	sld [smem:$0x3FFB];
	_ =	sdelay $0x3  }
0x92: {  	_ =	strace s18  }
0x93: {  	s3 =	sld [smem:$0x3FFC];
	_ =	sdelay $0x3  }
0x94: {  	_ =	strace s3  }
0x95: {  	s3 =	sld [smem:$0x3FFD];
	_ =	sdelay $0x3  }
0x96: {  	_ =	strace s3  }
0x97: {  	_ =	strace $0x8FFFFFFF  }
0x98: {  	s19 =	sld [smem:$0x3FDB];
	_ =	sdelay $0x1  }
0x99: {  	s4 =	simm.s32 $_scs_section_size  }
0x9a: {  	s5 =	simm.s32 $_size__tile_overlayer_lowered;
	s6 =	simm.s32 $_tile_overlayer_lowered  }
0x9b: {  	s22 =	simm.s32 $0x1BFF;
	s21 =	sshll.u32 s6, $0x1;
	s3 =	sadd.s32 s4, s19  }
0x9c: {  	s7 =	simm.s32 $0x0;
	s20 =	sshll.u32 s5, $0x1;
	s5 =	sadd.s32 s21, s3  }
0x9d: {  	[timem:s7], [sflag:s22] =	dma.local [hbm:s5], s20  }
0x9e: {  	_ =	swait.ge [sflag:s22], s20  }
0x9f: {  	s4 =	ssub.s32 $0x0, s20;
	[sflag:s22] =	ssyncset.done $0x0  }
0xa0: {  	[sflag:s22] =	ssyncadd.s32 s4;
	_ =	sdelay $0x1  }
0xa1: {  	s23 =	simm.s32 $0x1B8B  }
0xa2: {  	_ =	swait.ge [sflag:s23], $0x1  }
0xa3: {  	[sflag:s23] =	ssyncset.done $0x0  }
0xa4: {  	s25 =	simm.s32 $0x1B8E;
	s24 =	sld [smem:$0x3FFE];
	[sflag:s23] =	ssyncadd.s32 $0xFFFFFFFF  }
0xa5: {  	s26 =	simm.s32 $execute0_lowered;
	[smem:$0x3FD2] =	sst s25  }
0xa6: {  	s5 =	sshll.u32 s26, $0x1;
	_ =	strace $0x8000004F;
	[dreg:$0x1] =	wrdreg $0xFFFFFFFF  }
0xa7: {  	s28 =	simm.s32 $_size_execute0_lowered;
	s3 =	sadd.s32 s3, s5;
	[dreg:$0x0] =	wrdreg $0x0  }
0xa8: {  	s5 =	sshll.u32 s28, $0x1;
	[dreg:$0x2] =	wrdreg s3  }
0xa9: {  	[dreg:$0x3] =	wrdreg s5  }
0xaa: {  	[dreg:$0x4] =	wrdreg $0xC0  }
0xab: {  	_ =	task [dreg:s7], $0x5FFFF  }
0xac: {  	[dreg:$0x1] =	wrdreg $0xFFFFFFFF  }
0xad: {  	[dreg:$0x0] =	wrdreg $0x60  }
0xae: {  	[dreg:$0x2] =	wrdreg s24  }
0xaf: {  	[dreg:$0x3] =	wrdreg s2  }
0xb0: {  	[dreg:$0x4] =	wrdreg $0x99000  }
0xb1: {  	[dreg:$0x5] =	wrdreg $0x9  }
0xb2: {  	_ =	task.clear_ibuf [dreg:s7], $0x6FFFF;
	_ =	strace $0x9000004F  }
0xb3: {  	s29 =	simm.s32 $0x9;
	_ =	strace $0x80000051  }
0xb4: {  	_ =	swait.ge [sflag:s29], $0x1  }
0xb5: {  	[sflag:s29] =	ssyncadd.s32 $0xFFFFFFFF  }
0xb6: {  	_ =	strace $0x90000051  }
0xb7: {  	_ =	sfence  }
0xb8: {  	s30 =	sld [smem:$0x0];
	_ =	sdelay $0x2  }
0xb9: {  	s31 =	sshll.u32 s1, $0xD;
	s1 =	sshrl.u32 s1, $0x2  }
0xba: {  	s3 =	sand.u32 $0x4000, s31;
	s1 =	sadd.s32 s1, s30  }
0xbb: {  	s0 =	sor.u32 s3, s0;
	s1 =	sshll.u32 s1, $0x11  }
0xbc: {  	s0 =	sor.u32 s1, s0  }
0xbd: {  	s0 =	sadd.s32 $0x8F2B, s0  }
0xbe: {  	[sflag:s0] =	ssyncadd.remote.s32 $0x1  }
0xbf: {  	_ =	sfence.sel $0xFFFF  }
0xc0: {  	[dreg:$0x0] =	wrdreg $0xFFFFFFFF;
	(pc) =	sbr.abs _section_cstart, $3  }
0xc1: {  	[dreg:$0x1] =	wrdreg $0xFFFFFFFF  }
0xc2: {  	_ =	task.clear_ibuf [dreg:s7], $0x2FFFF;
	_ =	strace $0x9FFFFFFF  }
0xc3: {  	(tm) =	ssettm $0x7FFFFFFF  }
tec
execute0_lowered:
.L_overlay_start_1:
0x0: {  	(tag) =	ssettag $0x1  }
0x1: {  	s7 =	rddreg [dreg:$0x0]  }
0x2: {  	s0 =	srdreg.scid;
	s6 =	rddreg [dreg:$0x1]  }
0x3: {  	s2 =	rddreg [dreg:$0x2];
	s3 =	simm.s32 $0x0;
	s16 =	simm.s32 $0xC80  }
0x4: {  	s20 =	simm.s32 $0x1900;
	s21 =	simm.s32 $0x5900;
	s22 =	simm.s32 $0x1  }
0x5: {  	s5 =	sand.u32 $0x1, s0;
	s0 =	stileid.u32;
	[smem:$0x7FF] =	sst s3  }
0x6: {  	s12 =	sadd.s32 $0x2E600, s7;
	s15 =	sadd.s32 $0x1BE600, s7;
	s10 =	smul.u32 $0x2800, s0  }
0x7: {  	s17 =	sadd.s32 $0x12C000, s2;
	s1 =	sshll.u32 s5, $0x4;
	s14 =	smul.u32 $0x50000, s0  }
0x8: {  	s9 =	sshll.u32 s0, $0x7;
	_ =	strace $0x80000050;
	s28 =	smul.u32 $0x640000, s5  }
0x9: {  	s11 =	ssub.s32 $0x2, s5;
	s29 =	smul.u32 $0x64000, s0;
	p0 =	seq.s32 s0, $0xF  }
0xa: {  	s4 =	sor.u32 s0, s1;
	s9 =	sand.u32 $0x380, s9;
	s13 =	sshrl.u32 s11, $0x1  }
0xb: {  	s18 =	sshll.u32 @!p0 s0, $0x6;
	s17 =	sshrl.u32 @p0 s17, $0x3;
	s1 =	sshrl.u32 s4, $0x3  }
0xc: {  	s23 =	sadd.s32 s10, s7;
	s11 =	ssub.s32 s11, s13;
	s25 =	smul.u32 $0x64000, s4  }
0xd: {  	s26 =	sshrl.u32 s14, $0x2;
	s10 =	sadd.s32 s29, s28;
	s13 =	simm.s32 $0x80  }
0xe: {  	s14 =	simm.s32 $0x400;
	s18 =	sor.u32 @!p0 $0x1C03, s18;
	s8 =	smul.u32 $0x6400, s1  }
0xf: {  	s19 =	sadd.s32 s26, s2;
	s31 =	sshrl.u32 s10, $0x3;
	s10 =	smax.u32 s11, $0x1  }
0x10: {  	s30 =	sshrl.u32 s25, $0x3;
	s11 =	sadd.s32 s31, s15;
	s8 =	sor.u32 s9, s8  }
0x11: {  	s19 =	sshrl.u32 @!p0 s19, $0x3;
	s25 =	simm.s32 $0x0;
	s8 =	sshrl.u32 s8, $0x3  }
0x12: {  	s9 =	sadd.s32 $0xC000, s30;
	s24 =	sadd.s32 s8, s7;
	s4 =	sadd.s32 s6, s8  }
0x13: {  	s6 =	sadd.s32 $0x7400, s23;
	s7 =	sadd.s32 $0x2CC00, s7;
	s8 =	sadd.s32 s12, s9  }
0x14: {  	s9 =	sadd.s32 s15, s9;
	s12 =	sadd.s32 s31, s12;
	s15 =	simm.s32 $0x3  }
0x15: {  	s23 =	simm.s32 $0x2;
	s5 =	sadd.s32 $0x4200, s24;
	s24 =	simm.s32 $0x1880  }
.LBB2_1:
0x16: {  	[tilespmem:s3], [sflag:$0x3] =	stream.strided.gather [hbm4b:s4+s13], $0xC80, s14, s13, $0x38;
	[tilespmem:$0x1D900] =	vst v63  }
0x17: {  	_ =	swait.ge [sflag:s15], $0xC80  }
0x18: {  	[sflag:s15] =	ssyncset.done $0x0  }
0x19: {  	[sflag:s15] =	ssyncadd.s32 $0xFFFFF380  }
0x1a: {  	[tilespmem:s16], [sflag:$0x3] =	stream.strided.gather [hbm4b:s5+s13], $0xC80, s14, s13, $0x38;
	[tilespmem:$0x1D900] =	vst v63  }
0x1b: {  	_ =	swait.ge [sflag:s15], $0xC80  }
0x1c: {  	[sflag:s15] =	ssyncset.done $0x0  }
0x1d: {  	s26 =	simm.s32 @p0 $0x1FC3;
	[sflag:s15] =	ssyncadd.s32 $0xFFFFF380  }
0x1e: {  	[spmem:s17], [sflag:s26] =	dma.local @p0 [hbm:s7], $0x1900  }
0x1f: {  	s26 =	simm.s32 @p0 $0x3  }
0x20: {  	_ =	swait.ge @p0 [sflag:s26], $0x1900  }
0x21: {  	[sflag:s26] =	ssyncset.done @p0 $0x0  }
0x22: {  	[sflag:s26] =	ssyncadd.s32 @p0 $0xFFFFE700;
	s26 =	simm.s32 @!p0 $0x3  }
0x23: {  	[spmem:s19], [sflag:s18] =	dma.local @!p0 [hbm:s6], $0x2800  }
0x24: {  	_ =	swait.ge @!p0 [sflag:s26], $0x2800  }
0x25: {  	[sflag:s26] =	ssyncset.done @!p0 $0x0  }
0x26: {  	[sflag:s26] =	ssyncadd.s32 @!p0 $0xFFFFD800  }
0x27: {  	[bflag:$0x0] =	sbarrier.arrive $0xFFFF  }
0x28: {  	[tilespmem:s20], [sflag:$0x1] =	stream.indirect.gather [spmem:s2], $0x80, s3, s13, $0xb8;
	[tilespmem:$0x1D900] =	vst v63  }
0x29: {  	s1 =	simm.s32 $0xC80  }
0x2a: {  	[tilespmem:s21], [sflag:$0x2] =	stream.indirect.gather [spmem:s2], $0x80, s1, s13, $0xb8;
	[tilespmem:$0x1D900] =	vst v63  }
0x2b: {  	_ =	swait.ge [sflag:s22], $0x4000  }
0x2c: {  	[sflag:s22] =	ssyncset.done $0x0  }
0x2d: {  	[sflag:s22] =	ssyncadd.s32 $0xFFFFC000  }
0x2e: {  	[hbm4b:s12+s3] =	stream.linear.scatter [tilespmem:s20], [sflag:$0x3], $0x4000, $0x38;
	[tilespmem:$0x1D900] =	vst v63  }
0x2f: {  	_ =	swait.ge [sflag:s15], $0x4000  }
0x30: {  	[sflag:s15] =	ssyncset.done $0x0  }
0x31: {  	s31 =	simm.s32 $0x80;
	[sflag:s15] =	ssyncadd.s32 $0xFFFFC000  }
0x32: {  	[tilespmem:s20], [sflag:$0x1] =	stream.indirect.gather [spmem:s2], $0x80, s31, s13, $0xb8;
	[tilespmem:$0x1D900] =	vst v63  }
0x33: {  	_ =	swait.ge [sflag:s23], $0x4000  }
0x34: {  	[sflag:s23] =	ssyncset.done $0x0  }
0x35: {  	[sflag:s23] =	ssyncadd.s32 $0xFFFFC000  }
0x36: {  	[hbm4b:s11+s3] =	stream.linear.scatter [tilespmem:s21], [sflag:$0x3], $0x4000, $0x38;
	[tilespmem:$0x1D900] =	vst v63  }
0x37: {  	s30 =	simm.s32 $0x400;
	s28 =	sadd.s32 $0x800, s12;
	_ =	swait.ge [sflag:s15], $0x4000  }
0x38: {  	s29 =	simm.s32 $0x80;
	s26 =	sadd.s32 $0x800, s11;
	[sflag:s15] =	ssyncset.done $0x0  }
.LBB2_2:
0x39: {  	s31 =	sadd.s32 $0xC80, s29  }
0x3a: {  	[sflag:s15] =	ssyncadd.s32 $0xFFFFC000;
	s1 =	smov.u32 s30;
	s0 =	sadd.s32 $0x200, s30  }
0x3b: {  	[tilespmem:s21], [sflag:$0x2] =	stream.indirect.gather [spmem:s2], $0x80, s31, s13, $0xb8;
	[tilespmem:$0x1D900] =	vst v63  }
0x3c: {  	p1 =	sne.s32 s30, $0x2E00;
	_ =	swait.ge [sflag:s22], $0x4000  }
0x3d: {  	[sflag:s22] =	ssyncset.done $0x0  }
0x3e: {  	[sflag:s22] =	ssyncadd.s32 $0xFFFFC000  }
0x3f: {  	[hbm4b:s28+s3] =	stream.linear.scatter [tilespmem:s20], [sflag:$0x3], $0x4000, $0x38;
	[tilespmem:$0x1D900] =	vst v63  }
0x40: {  	_ =	swait.ge [sflag:s15], $0x4000  }
0x41: {  	[sflag:s15] =	ssyncset.done $0x0  }
0x42: {  	s29 =	sadd.s32 $0x80, s29;
	[sflag:s15] =	ssyncadd.s32 $0xFFFFC000  }
0x43: {  	[tilespmem:s20], [sflag:$0x1] =	stream.indirect.gather [spmem:s2], $0x80, s29, s13, $0xb8;
	[tilespmem:$0x1D900] =	vst v63  }
0x44: {  	_ =	swait.ge [sflag:s23], $0x4000  }
.Ltmp0:
0x45: {  	[sflag:s23] =	ssyncset.done $0x0;
	(pc) =	sbr.rel @p1 .LBB2_2-.Ltmp0, $4  }
0x46: {  	[sflag:s23] =	ssyncadd.s32 $0xFFFFC000  }
0x47: {  	[hbm4b:s26+s3] =	stream.linear.scatter [tilespmem:s21], [sflag:$0x3], $0x4000, $0x38;
	[tilespmem:$0x1D900] =	vst v63  }
0x48: {  	s30 =	smov.u32 s0;
	s28 =	sadd.s32 $0x800, s28;
	_ =	swait.ge [sflag:s15], $0x4000  }
0x49: {  	s29 =	sshra.s32 s1, $0x2;
	s26 =	sadd.s32 $0x800, s26;
	[sflag:s15] =	ssyncset.done $0x0  }
0x4a: {  	s0 =	sadd.s32 $0xC80, s29;
	[sflag:s15] =	ssyncadd.s32 $0xFFFFC000  }
0x4b: {  	[tilespmem:s21], [sflag:$0x2] =	stream.indirect.gather [spmem:s2], $0x80, s0, s13, $0xb8;
	[tilespmem:$0x1D900] =	vst v63  }
0x4c: {  	_ =	swait.ge [sflag:s22], $0x4000  }
0x4d: {  	[sflag:s22] =	ssyncset.done $0x0  }
0x4e: {  	[sflag:s22] =	ssyncadd.s32 $0xFFFFC000  }
0x4f: {  	[hbm4b:s28+s3] =	stream.linear.scatter [tilespmem:s20], [sflag:$0x3], $0x4000, $0x38;
	[tilespmem:$0x1D900] =	vst v63  }
0x50: {  	_ =	swait.ge [sflag:s15], $0x4000  }
0x51: {  	[sflag:s15] =	ssyncset.done $0x0  }
0x52: {  	s31 =	sadd.s32 $0x80, s29;
	[sflag:s15] =	ssyncadd.s32 $0xFFFFC000  }
0x53: {  	[tilespmem:s20], [sflag:$0x1] =	stream.indirect.gather [spmem:s2], $0x80, s31, s13, $0xb8;
	[tilespmem:$0x1D900] =	vst v63  }
0x54: {  	_ =	swait.ge [sflag:s23], $0x4000  }
0x55: {  	[sflag:s23] =	ssyncset.done $0x0  }
0x56: {  	[sflag:s23] =	ssyncadd.s32 $0xFFFFC000  }
0x57: {  	[hbm4b:s26+s3] =	stream.linear.scatter [tilespmem:s21], [sflag:$0x3], $0x4000, $0x38;
	[tilespmem:$0x1D900] =	vst v63  }
0x58: {  	_ =	swait.ge [sflag:s15], $0x4000  }
0x59: {  	[sflag:s15] =	ssyncset.done $0x0  }
0x5a: {  	[sflag:s15] =	ssyncadd.s32 $0xFFFFC000  }
0x5b: {  	[tilespmem:s21], [sflag:$0x2] =	stream.indirect.gather [spmem:s2], $0x80, s24, s13, $0xb8;
	[tilespmem:$0x1D900] =	vst v63  }
0x5c: {  	_ =	swait.ge [sflag:s22], $0x4000  }
0x5d: {  	[sflag:s22] =	ssyncset.done $0x0  }
0x5e: {  	[sflag:s22] =	ssyncadd.s32 $0xFFFFC000  }
0x5f: {  	[hbm4b:s8+s3] =	stream.linear.scatter [tilespmem:s20], [sflag:$0x3], $0x4000, $0x38;
	[tilespmem:$0x1D900] =	vst v63  }
0x60: {  	_ =	swait.ge [sflag:s15], $0x4000  }
0x61: {  	[sflag:s15] =	ssyncset.done $0x0  }
0x62: {  	[sflag:s15] =	ssyncadd.s32 $0xFFFFC000  }
0x63: {  	s25 =	sadd.s32 $0x1, s25;
	_ =	swait.ge [sflag:s23], $0x4000  }
0x64: {  	p1 =	sne.s32 s25, s10;
	[sflag:s23] =	ssyncset.done $0x0  }
.Ltmp1:
0x65: {  	[sflag:s23] =	ssyncadd.s32 $0xFFFFC000;
	(pc) =	sbr.rel @p1 .LBB2_1-.Ltmp1, $4  }
0x66: {  	[hbm4b:s9+s3] =	stream.linear.scatter [tilespmem:s21], [sflag:$0x3], $0x4000, $0x38;
	[tilespmem:$0x1D900] =	vst v63  }
0x67: {  	_ =	swait.ge [sflag:s15], $0x4000  }
0x68: {  	[sflag:s15] =	ssyncset.done $0x0  }
0x69: {  	[sflag:s15] =	ssyncadd.s32 $0xFFFFC000  }
0x6a: {  	_ =	sfence.sel $0x180000  }
0x6b: {  	[bflag:$0x0] =	sbarrier.arrive $0xFFFF  }
0x6c: {  	_ =	strace $0x90000050  }
0x6d: {  	s0 =	stileid.u32;
	[bflag:$0x2] =	sbarrier.arrive $0xFFFF  }
0x6e: {  	p0 =	sne.s32 s0, $0x0;
	s0 =	rddreg [dreg:$0x3]  }
0x6f: {  	s0 =	sadd.s32 @!p0 $0x100000, s0  }
0x70: {  	[sflag:s0] =	ssyncadd.tile.s32 @!p0 $0x1;
	_ =	shalt  }
.Lfunc_end2:
_tile_overlayer_lowered:
.L_overlay_start_2:
0x71: {  	(tag) =	ssettag $0x2  }
0x72: {  	s0 =	rddreg [dreg:$0x0];
	s2 =	stileid.u32  }
0x73: {  	s1 =	rddreg [dreg:$0x1];
	p0 =	sne.s32 s2, $0x0  }
0x74: {  	s3 =	rddreg [dreg:$0x2];
	[bflag:$0x3] =	sbarrier.arrive $0xFFFF;
	s2 =	simm.s32 @!p0 $0x1C03  }
0x75: {  	[timem:s3], [sflag:s2] =	dma.local @!p0 [hbm:s0], s1  }
0x76: {  	s0 =	simm.s32 @!p0 $0x3  }
0x77: {  	_ =	swait.ge @!p0 [sflag:s0], s1  }
0x78: {  	s1 =	ssub.s32 @!p0 $0x0, s1;
	[sflag:s0] =	ssyncset.done @!p0 $0x0  }
0x79: {  	[sflag:s0] =	ssyncadd.s32 @!p0 s1  }
0x7a: {  	[bflag:$0x3] =	sbarrier.arrive $0xFFFF  }
0x7b: {  	_ =	shalt  }

// kernel: kernel.9.cloned.1.call-start
scs
__scs_entry_jumppad:
0x0: {  	(pc) =	sbr.rel $0x88, $3  }
0x1: {  	(tag) =	ssettag $0x0;
	lr =	simm.s32 $0x1  }
0x2: {  	[smem:$0x3F8D] =	sst lr;
	_ =	strace $0xD0000000  }
0x3: {  	_ = 	snop  }
0x4: {  	_ = 	snop  }
0x5: {  	_ = 	snop  }
0x6: {  	_ = 	snop  }
0x7: {  	_ = 	snop  }
__scs_overlays_trampoline_lowered:
0x8: {  	[smem:$0x3F9C] =	sst s0  }
0x9: {  	[smem:$0x3F9D] =	sst s1  }
0xa: {  	[smem:$0x3F9E] =	sst s2  }
0xb: {  	[smem:$0x3F9F] =	sst s3  }
0xc: {  	[smem:$0x3FA0] =	sst s4  }
0xd: {  	[smem:$0x3FA1] =	sst s5  }
0xe: {  	[smem:$0x3FA2] =	sst s6  }
0xf: {  	[smem:$0x3FA3] =	sst s7  }
0x10: {  	[smem:$0x3FA4] =	sst s8  }
0x11: {  	[smem:$0x3FA5] =	sst s9;
	s0 =	simm.s32 @!p0 $0x0  }
0x12: {  	s1 =	sld [smem:$0x3F8B];
	s0 =	simm.s32 @p0 $0x1  }
0x13: {  	[smem:$0x3FA6] =	sst s0;
	s0 =	simm.s32 @!p1 $0x0  }
0x14: {  	s2 =	sld [smem:$0x3F8A];
	s0 =	simm.s32 @p1 $0x1  }
0x15: {  	[smem:$0x3FA7] =	sst s0;
	s0 =	simm.s32 @!p2 $0x0  }
0x16: {  	s3 =	sld [smem:$0x3FDB];
	s0 =	simm.s32 @p2 $0x1  }
0x17: {  	s4 =	simm.s32 $0x1BF5;
	[smem:$0x3FA9] =	sst s0  }
0x18: {  	s0 =	sld [smem:$0x3F8C];
	_ =	swait.ge [sflag:s4], $0x0  }
0x19: {  	s7 =	sld [smem:$0x3F8D]  }
0x1a: {  	s8 =	sadd.s32 $0xFFFFE003, lr  }
0x1b: {  	s9 =	sadd.s32 $0xFFFFFEF7, lr;
	s5 =	simm.s32 $0xFFFFFFFF;
	p2 =	slt.u32 s8, $0xFFFFF086  }
0x1c: {  	p1 =	slt.u32 s9, $0xF7A;
	s5 =	simm.s32 @!p2 $0x0  }
0x1d: {  	s5 =	simm.s32 @p1 $0x1;
	p0 =	seq.s32 s7, s2  }
0x1e: {  	s7 =	smul.u32 @!p0 $0xF7A, s2;
	p2 =	seq.s32 @!p0 s5, $0x0  }
0x1f: {  	s9 =	smul.u32 $0xF7A, s1;
	s8 =	simm.s32 @!p0 $0x1BF5;
	p2 =	por !p2, p0  }
0x20: {  	[sflag:s8] =	ssyncset.s32 @!p0 $0xFFFFF086;
	s6 =	sadd.s32 @!p0 s3, s7;
	s7 =	simm.s32 @!p0 $0x108  }
0x21: {  	s3 =	sadd.s32 s3, s9;
	s6 =	sadd.s32 @!p0 $0x88, s6;
	s7 =	simm.s32 @p2 $0x1082  }
0x22: {  	[simem:s7], [sflag:s8] =	dma.local @!p0 [hbm:s6], $0xF7A  }
0x23: {  	s9 =	sor.u32 $0xD0000000, s2;
	s6 =	simm.s32 $0x108;
	_ =	swait.ge @!p0 [sflag:s8], $0x0  }
0x24: {  	s3 =	sadd.s32 $0x88, s3;
	s6 =	simm.s32 @!p1 $0x1082;
	[sflag:s4] =	ssyncset.s32 $0xFFFFF086  }
0x25: {  	[simem:s6], [sflag:s4] =	dma.local [hbm:s3], $0xF7A  }
0x26: {  	[smem:$0x3F8D] =	sst s1;
	(tag) =	ssettag s2;
	_ =	strace s9  }
0x27: {  	s1 =	sld [smem:$0x3F9D]  }
0x28: {  	s2 =	sld [smem:$0x3F9E]  }
0x29: {  	s4 =	sld [smem:$0x3FA0]  }
0x2a: {  	p0 =	seq.s32 s5, $0x0;
	s5 =	sld [smem:$0x3FA1]  }
0x2b: {  	s6 =	sld [smem:$0x3FA2]  }
0x2c: {  	s7 =	sld [smem:$0x3FA3]  }
0x2d: {  	s3 =	simm.s32 $0x108;
	s8 =	sld [smem:$0x3FA4]  }
0x2e: {  	s3 =	simm.s32 @!p0 $0x1082;
	s9 =	sld [smem:$0x3FA5]  }
0x2f: {  	lr =	sadd.s32 s0, s3;
	s0 =	sld [smem:$0x3F9C]  }
0x30: {  	s3 =	sld [smem:$0x3F9F]  }
0x31: {  	[smem:$0x3FA8] =	sst s10  }
0x32: {  	s10 =	sld [smem:$0x3FA6];
	_ =	sdelay $0x3  }
0x33: {  	p0 =	seq.s32 s10, $0x1;
	s10 =	sld [smem:$0x3FA8];
	_ =	sdelay $0x3  }
0x34: {  	[smem:$0x3FA8] =	sst s10  }
0x35: {  	s10 =	sld [smem:$0x3FA7];
	_ =	sdelay $0x3  }
0x36: {  	p1 =	seq.s32 s10, $0x1;
	s10 =	sld [smem:$0x3FA8];
	_ =	sdelay $0x3  }
0x37: {  	[smem:$0x3FA8] =	sst s10  }
0x38: {  	s10 =	sld [smem:$0x3FA9]  }
0x39: {  	_ = 	snop;
	(pc) =	sbr.ind lr, $3  }
0x3a: {  	_ = 	snop  }
0x3b: {  	_ = 	snop  }
0x3c: {  	p2 =	seq.s32 s10, $0x1;
	s10 =	sld [smem:$0x3FA8]  }
0x3d: {  	_ =	shalt  }
0x3e: {  	_ =	shalt  }
0x3f: {  	_ =	shalt  }
0x40: {  	_ =	shalt  }
0x41: {  	_ =	shalt  }
0x42: {  	_ =	shalt  }
0x43: {  	_ =	shalt  }
0x44: {  	_ =	shalt  }
0x45: {  	_ =	shalt  }
0x46: {  	_ =	shalt  }
0x47: {  	_ =	shalt  }
0x48: {  	_ =	shalt  }
0x49: {  	_ =	shalt  }
0x4a: {  	_ =	shalt  }
0x4b: {  	_ =	shalt  }
0x4c: {  	_ =	shalt  }
0x4d: {  	_ =	shalt  }
0x4e: {  	_ =	shalt  }
0x4f: {  	_ =	shalt  }
0x50: {  	_ =	shalt  }
0x51: {  	_ =	shalt  }
0x52: {  	_ =	shalt  }
0x53: {  	_ =	shalt  }
0x54: {  	_ =	shalt  }
0x55: {  	_ =	shalt  }
0x56: {  	_ =	shalt  }
0x57: {  	_ =	shalt  }
0x58: {  	_ =	shalt  }
0x59: {  	_ =	shalt  }
0x5a: {  	_ =	shalt  }
0x5b: {  	_ =	shalt  }
0x5c: {  	_ =	shalt  }
0x5d: {  	_ =	shalt  }
0x5e: {  	_ =	shalt  }
0x5f: {  	_ =	shalt  }
0x60: {  	_ =	shalt  }
0x61: {  	_ =	shalt  }
0x62: {  	_ =	shalt  }
0x63: {  	_ =	shalt  }
0x64: {  	_ =	shalt  }
0x65: {  	_ =	shalt  }
0x66: {  	_ =	shalt  }
0x67: {  	_ =	shalt  }
0x68: {  	_ =	shalt  }
0x69: {  	_ =	shalt  }
0x6a: {  	_ =	shalt  }
0x6b: {  	_ =	shalt  }
0x6c: {  	_ =	shalt  }
0x6d: {  	_ =	shalt  }
0x6e: {  	_ =	shalt  }
0x6f: {  	_ =	shalt  }
0x70: {  	_ =	shalt  }
0x71: {  	_ =	shalt  }
0x72: {  	_ =	shalt  }
0x73: {  	_ =	shalt  }
0x74: {  	_ =	shalt  }
0x75: {  	_ =	shalt  }
0x76: {  	_ =	shalt  }
0x77: {  	_ =	shalt  }
0x78: {  	_ =	shalt  }
0x79: {  	_ =	shalt  }
0x7a: {  	_ =	shalt  }
0x7b: {  	_ =	shalt  }
0x7c: {  	_ =	shalt  }
0x7d: {  	_ =	shalt  }
0x7e: {  	_ =	shalt  }
0x7f: {  	_ =	shalt  }
0x80: {  	_ =	shalt  }
0x81: {  	_ =	shalt  }
0x82: {  	_ =	shalt  }
0x83: {  	_ =	shalt  }
0x84: {  	_ =	shalt  }
0x85: {  	_ =	shalt  }
0x86: {  	_ =	shalt  }
0x87: {  	_ =	shalt  }
.Lfunc_end0:
.L_simem_size_0:
called_computation_lowered:
.L_overlay_start_0:
0x88: {  	s2 =	sld [smem:$0x3FD9]  }
0x89: {  	s3 =	sld [smem:$0x3FFE];
	_ =	sdelay $0x1  }
0x8a: {  	s1 =	srdreg.scid  }
0x8b: {  	s0 =	sand.u32 $0x1, s1  }
0x8c: {  	s16 =	sshll.u32 s0, $0xA;
	s2 =	sadd.s32 s3, s2  }
0x8d: {  	s2 =	sadd.s32 s2, s16  }
0x8e: {  	[smem:$0x3FB4] =	sst s2  }
0x8f: {  	_ = 	snop  }
0x90: {  	(tm) =	ssettm $0x1  }
0x91: {  	s17 =	sld [smem:$0x3FFB];
	_ =	sdelay $0x3  }
0x92: {  	_ =	strace s17  }
0x93: {  	s2 =	sld [smem:$0x3FFC];
	_ =	sdelay $0x3  }
0x94: {  	_ =	strace s2  }
0x95: {  	s2 =	sld [smem:$0x3FFD];
	_ =	sdelay $0x3  }
0x96: {  	_ =	strace s2  }
0x97: {  	_ =	strace $0x8FFFFFFF  }
0x98: {  	s18 =	sld [smem:$0x3FDB];
	_ =	sdelay $0x1  }
0x99: {  	s19 =	simm.s32 $_scs_section_size  }
0x9a: {  	s4 =	simm.s32 $_size__tile_overlayer_lowered;
	s5 =	simm.s32 $_tile_overlayer_lowered  }
0x9b: {  	s22 =	simm.s32 $0x1BFF;
	s21 =	sshll.u32 s5, $0x1;
	s2 =	sadd.s32 s19, s18  }
0x9c: {  	s6 =	simm.s32 $0x0;
	s20 =	sshll.u32 s4, $0x1;
	s4 =	sadd.s32 s21, s2  }
0x9d: {  	[timem:s6], [sflag:s22] =	dma.local [hbm:s4], s20  }
0x9e: {  	_ =	swait.ge [sflag:s22], s20  }
0x9f: {  	s3 =	ssub.s32 $0x0, s20;
	[sflag:s22] =	ssyncset.done $0x0  }
0xa0: {  	[sflag:s22] =	ssyncadd.s32 s3;
	_ =	sdelay $0x1  }
0xa1: {  	s23 =	simm.s32 $0x1B8B  }
0xa2: {  	_ =	swait.ge [sflag:s23], $0x1  }
0xa3: {  	[sflag:s23] =	ssyncset.done $0x0  }
0xa4: {  	s25 =	simm.s32 $0x1B8E;
	s24 =	sld [smem:$0x3FFE];
	[sflag:s23] =	ssyncadd.s32 $0xFFFFFFFF  }
0xa5: {  	s26 =	simm.s32 $execute0_lowered;
	[smem:$0x3FD2] =	sst s25  }
0xa6: {  	s4 =	sshll.u32 s26, $0x1;
	_ =	strace $0x80000046;
	[dreg:$0x1] =	wrdreg $0xFFFFFFFF  }
0xa7: {  	s28 =	simm.s32 $_size_execute0_lowered;
	s2 =	sadd.s32 s2, s4;
	[dreg:$0x0] =	wrdreg $0x0  }
0xa8: {  	s4 =	sshll.u32 s28, $0x1;
	[dreg:$0x2] =	wrdreg s2  }
0xa9: {  	[dreg:$0x3] =	wrdreg s4  }
0xaa: {  	[dreg:$0x4] =	wrdreg $0xC0  }
0xab: {  	_ =	task [dreg:s6], $0x5FFFF  }
0xac: {  	[dreg:$0x1] =	wrdreg $0xFFFFFFFF  }
0xad: {  	[dreg:$0x0] =	wrdreg $0x60  }
0xae: {  	[dreg:$0x2] =	wrdreg s24  }
0xaf: {  	[dreg:$0x3] =	wrdreg $0x7B800  }
0xb0: {  	[dreg:$0x4] =	wrdreg $0x9  }
0xb1: {  	_ =	task.clear_ibuf [dreg:s6], $0x5FFFF;
	_ =	strace $0x90000046  }
0xb2: {  	s29 =	simm.s32 $0x9;
	_ =	strace $0x80000048  }
0xb3: {  	_ =	swait.ge [sflag:s29], $0x1  }
0xb4: {  	[sflag:s29] =	ssyncadd.s32 $0xFFFFFFFF  }
0xb5: {  	_ =	strace $0x90000048  }
0xb6: {  	_ =	sfence  }
0xb7: {  	s30 =	sld [smem:$0x0];
	_ =	sdelay $0x2  }
0xb8: {  	s31 =	sshll.u32 s1, $0xD;
	s1 =	sshrl.u32 s1, $0x2  }
0xb9: {  	s3 =	sand.u32 $0x4000, s31;
	s1 =	sadd.s32 s1, s30  }
0xba: {  	s0 =	sor.u32 s3, s0;
	s1 =	sshll.u32 s1, $0x11  }
0xbb: {  	s0 =	sor.u32 s1, s0  }
0xbc: {  	s0 =	sadd.s32 $0x8F2B, s0  }
0xbd: {  	[sflag:s0] =	ssyncadd.remote.s32 $0x1  }
0xbe: {  	_ =	sfence.sel $0xFFFF  }
0xbf: {  	[dreg:$0x0] =	wrdreg $0xFFFFFFFF;
	(pc) =	sbr.abs _section_cstart, $3  }
0xc0: {  	[dreg:$0x1] =	wrdreg $0xFFFFFFFF  }
0xc1: {  	_ =	task.clear_ibuf [dreg:s6], $0x2FFFF;
	_ =	strace $0x9FFFFFFF  }
0xc2: {  	(tm) =	ssettm $0x7FFFFFFF  }
0xc3: {  	_ =	shalt  }
tec
execute0_lowered:
.L_overlay_start_1:
0x0: {  	(tag) =	ssettag $0x1  }
0x1: {  	s0 =	rddreg [dreg:$0x0]  }
0x2: {  	s3 =	rddreg [dreg:$0x1];
	s1 =	simm.s32 $0x0  }
0x3: {  	s4 =	srdreg.scid;
	s2 =	stileid.u32;
	s28 =	simm.s32 $0x7680  }
0x4: {  	s29 =	simm.s32 $0x7900;
	s30 =	simm.s32 $0x0;
	[smem:$0x7FF] =	sst s1  }
0x5: {  	s21 =	sadd.s32 $0x4200, s0;
	s4 =	sand.u32 $0x1, s4;
	s22 =	sadd.s32 $0xE000, s0  }
0x6: {  	s6 =	sshrl.u32 s2, $0x3;
	s19 =	sadd.s32 $0x17E00, s0;
	s0 =	sadd.s32 $0x18400, s0  }
0x7: {  	s24 =	smul.u32 $0x5000, s2;
	s26 =	sshll.u32 s2, $0x7;
	_ =	strace $0x80000047  }
0x8: {  	s5 =	ssub.s32 $0x2, s4;
	s8 =	smul.u32 $0x50000, s6;
	p0 =	seq.s32 s4, $0x0  }
0x9: {  	s25 =	smul.u32 $0x27400, s6;
	s6 =	sand.u32 $0x380, s26;
	s26 =	simm.s32 $0x4E80  }
0xa: {  	s7 =	sshrl.u32 s5, $0x1;
	s0 =	smov.u32 @p0 s19;
	s22 =	smov.u32 @p0 s21  }
0xb: {  	s20 =	ssub.s32 s5, s7;
	s31 =	sshrl.u32 s8, $0x2;
	s5 =	sshrl.u32 s24, $0x2  }
0xc: {  	s4 =	sor.u32 s6, s25;
	s24 =	smul.u32 $0x50, s2;
	s25 =	simm.s32 $0x1  }
0xd: {  	s7 =	sadd.s32 s31, s3;
	s3 =	sadd.s32 s5, s3;
	s23 =	sshrl.u32 s4, $0x3  }
0xe: {  	s20 =	smax.u32 s20, $0x1;
	s4 =	sadd.s32 s6, s7;
	s5 =	sadd.s32 $0x80, s3  }
0xf: {  	s6 =	sadd.s32 $0x100, s3;
	s7 =	sadd.s32 $0x180, s3;
	s8 =	sadd.s32 $0x200, s3  }
0x10: {  	s9 =	sadd.s32 $0x280, s3;
	s10 =	sadd.s32 $0x300, s3;
	s11 =	sadd.s32 $0x380, s3  }
0x11: {  	s12 =	sadd.s32 $0x14000, s3;
	s13 =	sadd.s32 $0x14080, s3;
	s14 =	sadd.s32 $0x14100, s3  }
0x12: {  	s15 =	sadd.s32 $0x14180, s3;
	s16 =	sadd.s32 $0x14200, s3;
	s17 =	sadd.s32 $0x14280, s3  }
0x13: {  	s18 =	sadd.s32 $0x14300, s3;
	s19 =	sadd.s32 $0x14380, s3;
	s21 =	sadd.s32 s0, s24  }
0x14: {  	v0 =	vimm.f32 $0.0e+00;
	v1 =	vimm.f32 $1.000000000e+00;
	s22 =	sadd.s32 s22, s23;
	s23 =	simm.s32 $0x80;
	s24 =	simm.s32 $0x400  }
.LBB2_1:
0x15: {  	s0 =	simm.s32 $0x40;
	s31 =	simm.s32 $0x0  }
.LBB2_2:
0x16: {  	p0 =	sne.s32 s0, $0x9FC0;
	[tilespmem:s31+$0x4E80] =	vst v0;
	s31 =	smov.u32 s0;
	s0 =	sadd.s32 $0x40, s0  }
.Ltmp0:
0x17: {  	(pc) =	sbr.rel @p0 .LBB2_2-.Ltmp0, $2  }
0x18: {  	_ =	sdelay $0x2  }
0x19: {  	s31 =	sshra.s32 s31, $0x2  }
0x1a: {  	[tilespmem:s31+$0x4E80] =	vst v0;
	s0 =	simm.s32 $0x0  }
0x1b: {  	[tilespmem:s0], [sflag:$0x1] =	stream.strided.gather [hbm4b:s22+s23], $0x4E80, s24, s23, $0x38;
	[tilespmem:$0xA380] =	vst v63  }
0x1c: {  	_ =	swait.ge [sflag:s25], $0x4E80  }
0x1d: {  	[sflag:s25] =	ssyncset.done $0x0  }
0x1e: {  	s31 =	simm.s32 $0x0;
	s0 =	simm.s32 $0x40;
	[sflag:s25] =	ssyncadd.s32 $0xFFFFB180  }
.LBB2_4:
0x1f: {  	p0 =	sne.s32 s0, $0x13840;
	v2 =	vld [tilespmem:s31+$0x0];
	_ =	sdelay $0x3  }
.Ltmp1:
0x20: {  	(pc) =	sbr.rel @p0 .LBB2_4-.Ltmp1, $2  }
0x21: {  	_ =	sdelay $0x2  }
0x22: {  	s31 =	sshra.s32 s0, $0x2;
	s0 =	sadd.s32 $0x40, s0;
	[tilespmem:v2+s26+$0x0] =	vst.idx.add.f32.msk $0xffff, v1  }
0x23: {  	v2 =	vld [tilespmem:s31+$0x0];
	_ =	sdelay $0x7  }
0x24: {  	[tilespmem:v2+s26+$0x0] =	vst.idx.add.f32.msk $0xffff, v1  }
0x25: {  	[spmem:s4] =	stream.strided.scatter [tilespmem:s26], [sflag:$0x1], $0x2800, s24, s23, $0x38;
	[tilespmem:$0xA380] =	vst v63  }
0x26: {  	_ =	swait.ge [sflag:s25], $0x2800  }
0x27: {  	[sflag:s25] =	ssyncset.done $0x0  }
0x28: {  	[sflag:s25] =	ssyncadd.s32 $0xFFFFD800  }
0x29: {  	[bflag:$0x0] =	sbarrier.arrive $0xFFFF  }
0x2a: {  	[tilespmem:s28], [sflag:$0x1] =	stream.strided.gather [spmem:s3], $0x280, s24, s23, $0x38;
	[tilespmem:$0xA380] =	vst v63  }
0x2b: {  	_ =	swait.ge [sflag:s25], $0x280  }
0x2c: {  	[sflag:s25] =	ssyncset.done $0x0  }
0x2d: {  	[sflag:s25] =	ssyncadd.s32 $0xFFFFFD80  }
0x2e: {  	[tilespmem:s29], [sflag:$0x1] =	stream.strided.gather [spmem:s5], $0x280, s24, s23, $0x38;
	[tilespmem:$0xA380] =	vst v63  }
0x2f: {  	_ =	swait.ge [sflag:s25], $0x280  }
0x30: {  	[sflag:s25] =	ssyncset.done $0x0  }
0x31: {  	s31 =	simm.s32 $0x0;
	[sflag:s25] =	ssyncadd.s32 $0xFFFFFD80  }
0x32: {  	s0 =	simm.s32 $0x40;
	v2 =	vld [tilespmem:s31+$0x7900]  }
.LBB2_6:
0x33: {  	p0 =	sne.s32 s0, $0x9C0;
	v3 =	vld [tilespmem:s31+$0x7680];
	_ =	sdelay $0x2  }
.Ltmp2:
0x34: {  	(pc) =	sbr.rel @p0 .LBB2_6-.Ltmp2, $4  }
0x35: {  	_ = 	snop  }
0x36: {  	v3 =	vadd.f32 v2, v3  }
0x37: {  	s2 =	sshra.s32 s0, $0x2  }
0x38: {  	s0 =	sadd.s32 $0x40, s0;
	v2 =	vld [tilespmem:s2+$0x7900];
	[tilespmem:s31+$0x7680] =	vst v3;
	s31 =	smov.u32 s2  }
0x39: {  	v3 =	vld [tilespmem:s31+$0x7680];
	_ =	sdelay $0x4  }
0x3a: {  	v2 =	vadd.f32 v2, v3;
	_ =	sdelay $0x1  }
0x3b: {  	[tilespmem:s31+$0x7680] =	vst v2  }
0x3c: {  	[tilespmem:s29], [sflag:$0x1] =	stream.strided.gather [spmem:s6], $0x280, s24, s23, $0x38;
	[tilespmem:$0xA380] =	vst v63  }
0x3d: {  	_ =	swait.ge [sflag:s25], $0x280  }
0x3e: {  	[sflag:s25] =	ssyncset.done $0x0  }
0x3f: {  	s31 =	simm.s32 $0x0;
	[sflag:s25] =	ssyncadd.s32 $0xFFFFFD80  }
0x40: {  	s0 =	simm.s32 $0x40;
	v2 =	vld [tilespmem:s31+$0x7900]  }
.LBB2_8:
0x41: {  	p0 =	sne.s32 s0, $0x9C0;
	v3 =	vld [tilespmem:s31+$0x7680];
	_ =	sdelay $0x2  }
.Ltmp3:
0x42: {  	(pc) =	sbr.rel @p0 .LBB2_8-.Ltmp3, $4  }
0x43: {  	_ = 	snop  }
0x44: {  	v3 =	vadd.f32 v2, v3  }
0x45: {  	s2 =	sshra.s32 s0, $0x2  }
0x46: {  	s0 =	sadd.s32 $0x40, s0;
	v2 =	vld [tilespmem:s2+$0x7900];
	[tilespmem:s31+$0x7680] =	vst v3;
	s31 =	smov.u32 s2  }
0x47: {  	v3 =	vld [tilespmem:s31+$0x7680];
	_ =	sdelay $0x4  }
0x48: {  	v2 =	vadd.f32 v2, v3;
	_ =	sdelay $0x1  }
0x49: {  	[tilespmem:s31+$0x7680] =	vst v2  }
0x4a: {  	[tilespmem:s29], [sflag:$0x1] =	stream.strided.gather [spmem:s7], $0x280, s24, s23, $0x38;
	[tilespmem:$0xA380] =	vst v63  }
0x4b: {  	_ =	swait.ge [sflag:s25], $0x280  }
0x4c: {  	[sflag:s25] =	ssyncset.done $0x0  }
0x4d: {  	s31 =	simm.s32 $0x0;
	[sflag:s25] =	ssyncadd.s32 $0xFFFFFD80  }
0x4e: {  	s0 =	simm.s32 $0x40;
	v2 =	vld [tilespmem:s31+$0x7900]  }
.LBB2_10:
0x4f: {  	p0 =	sne.s32 s0, $0x9C0;
	v3 =	vld [tilespmem:s31+$0x7680];
	_ =	sdelay $0x2  }
.Ltmp4:
0x50: {  	(pc) =	sbr.rel @p0 .LBB2_10-.Ltmp4, $4  }
0x51: {  	_ = 	snop  }
0x52: {  	v3 =	vadd.f32 v2, v3  }
0x53: {  	s2 =	sshra.s32 s0, $0x2  }
0x54: {  	s0 =	sadd.s32 $0x40, s0;
	v2 =	vld [tilespmem:s2+$0x7900];
	[tilespmem:s31+$0x7680] =	vst v3;
	s31 =	smov.u32 s2  }
0x55: {  	v3 =	vld [tilespmem:s31+$0x7680];
	_ =	sdelay $0x4  }
0x56: {  	v2 =	vadd.f32 v2, v3;
	_ =	sdelay $0x1  }
0x57: {  	[tilespmem:s31+$0x7680] =	vst v2  }
0x58: {  	[tilespmem:s29], [sflag:$0x1] =	stream.strided.gather [spmem:s8], $0x280, s24, s23, $0x38;
	[tilespmem:$0xA380] =	vst v63  }
0x59: {  	_ =	swait.ge [sflag:s25], $0x280  }
0x5a: {  	[sflag:s25] =	ssyncset.done $0x0  }
0x5b: {  	s31 =	simm.s32 $0x0;
	[sflag:s25] =	ssyncadd.s32 $0xFFFFFD80  }
0x5c: {  	s0 =	simm.s32 $0x40;
	v2 =	vld [tilespmem:s31+$0x7900]  }
.LBB2_12:
0x5d: {  	p0 =	sne.s32 s0, $0x9C0;
	v3 =	vld [tilespmem:s31+$0x7680];
	_ =	sdelay $0x2  }
.Ltmp5:
0x5e: {  	(pc) =	sbr.rel @p0 .LBB2_12-.Ltmp5, $4  }
0x5f: {  	_ = 	snop  }
0x60: {  	v3 =	vadd.f32 v2, v3  }
0x61: {  	s2 =	sshra.s32 s0, $0x2  }
0x62: {  	s0 =	sadd.s32 $0x40, s0;
	v2 =	vld [tilespmem:s2+$0x7900];
	[tilespmem:s31+$0x7680] =	vst v3;
	s31 =	smov.u32 s2  }
0x63: {  	v3 =	vld [tilespmem:s31+$0x7680];
	_ =	sdelay $0x4  }
0x64: {  	v2 =	vadd.f32 v2, v3;
	_ =	sdelay $0x1  }
0x65: {  	[tilespmem:s31+$0x7680] =	vst v2  }
0x66: {  	[tilespmem:s29], [sflag:$0x1] =	stream.strided.gather [spmem:s9], $0x280, s24, s23, $0x38;
	[tilespmem:$0xA380] =	vst v63  }
0x67: {  	_ =	swait.ge [sflag:s25], $0x280  }
0x68: {  	[sflag:s25] =	ssyncset.done $0x0  }
0x69: {  	s31 =	simm.s32 $0x0;
	[sflag:s25] =	ssyncadd.s32 $0xFFFFFD80  }
0x6a: {  	s0 =	simm.s32 $0x40;
	v2 =	vld [tilespmem:s31+$0x7900]  }
.LBB2_14:
0x6b: {  	p0 =	sne.s32 s0, $0x9C0;
	v3 =	vld [tilespmem:s31+$0x7680];
	_ =	sdelay $0x2  }
.Ltmp6:
0x6c: {  	(pc) =	sbr.rel @p0 .LBB2_14-.Ltmp6, $4  }
0x6d: {  	_ = 	snop  }
0x6e: {  	v3 =	vadd.f32 v2, v3  }
0x6f: {  	s2 =	sshra.s32 s0, $0x2  }
0x70: {  	s0 =	sadd.s32 $0x40, s0;
	v2 =	vld [tilespmem:s2+$0x7900];
	[tilespmem:s31+$0x7680] =	vst v3;
	s31 =	smov.u32 s2  }
0x71: {  	v3 =	vld [tilespmem:s31+$0x7680];
	_ =	sdelay $0x4  }
0x72: {  	v2 =	vadd.f32 v2, v3;
	_ =	sdelay $0x1  }
0x73: {  	[tilespmem:s31+$0x7680] =	vst v2  }
0x74: {  	[tilespmem:s29], [sflag:$0x1] =	stream.strided.gather [spmem:s10], $0x280, s24, s23, $0x38;
	[tilespmem:$0xA380] =	vst v63  }
0x75: {  	_ =	swait.ge [sflag:s25], $0x280  }
0x76: {  	[sflag:s25] =	ssyncset.done $0x0  }
0x77: {  	s31 =	simm.s32 $0x0;
	[sflag:s25] =	ssyncadd.s32 $0xFFFFFD80  }
0x78: {  	s0 =	simm.s32 $0x40;
	v2 =	vld [tilespmem:s31+$0x7900]  }
.LBB2_16:
0x79: {  	p0 =	sne.s32 s0, $0x9C0;
	v3 =	vld [tilespmem:s31+$0x7680];
	_ =	sdelay $0x2  }
.Ltmp7:
0x7a: {  	(pc) =	sbr.rel @p0 .LBB2_16-.Ltmp7, $4  }
0x7b: {  	_ = 	snop  }
0x7c: {  	v3 =	vadd.f32 v2, v3  }
0x7d: {  	s2 =	sshra.s32 s0, $0x2  }
0x7e: {  	s0 =	sadd.s32 $0x40, s0;
	v2 =	vld [tilespmem:s2+$0x7900];
	[tilespmem:s31+$0x7680] =	vst v3;
	s31 =	smov.u32 s2  }
0x7f: {  	v3 =	vld [tilespmem:s31+$0x7680];
	_ =	sdelay $0x4  }
0x80: {  	v2 =	vadd.f32 v2, v3;
	_ =	sdelay $0x1  }
0x81: {  	[tilespmem:s31+$0x7680] =	vst v2  }
0x82: {  	[tilespmem:s29], [sflag:$0x1] =	stream.strided.gather [spmem:s11], $0x280, s24, s23, $0x38;
	[tilespmem:$0xA380] =	vst v63  }
0x83: {  	_ =	swait.ge [sflag:s25], $0x280  }
0x84: {  	[sflag:s25] =	ssyncset.done $0x0  }
0x85: {  	s31 =	simm.s32 $0x0;
	[sflag:s25] =	ssyncadd.s32 $0xFFFFFD80  }
0x86: {  	s0 =	simm.s32 $0x40;
	v2 =	vld [tilespmem:s31+$0x7900]  }
.LBB2_18:
0x87: {  	p0 =	sne.s32 s0, $0x9C0;
	v3 =	vld [tilespmem:s31+$0x7680];
	_ =	sdelay $0x2  }
.Ltmp8:
0x88: {  	(pc) =	sbr.rel @p0 .LBB2_18-.Ltmp8, $4  }
0x89: {  	_ = 	snop  }
0x8a: {  	v3 =	vadd.f32 v2, v3  }
0x8b: {  	s2 =	sshra.s32 s0, $0x2  }
0x8c: {  	s0 =	sadd.s32 $0x40, s0;
	v2 =	vld [tilespmem:s2+$0x7900];
	[tilespmem:s31+$0x7680] =	vst v3;
	s31 =	smov.u32 s2  }
0x8d: {  	v3 =	vld [tilespmem:s31+$0x7680];
	_ =	sdelay $0x4  }
0x8e: {  	v2 =	vadd.f32 v2, v3;
	_ =	sdelay $0x1  }
0x8f: {  	[tilespmem:s31+$0x7680] =	vst v2  }
0x90: {  	[tilespmem:s29], [sflag:$0x1] =	stream.strided.gather [spmem:s12], $0x280, s24, s23, $0x38;
	[tilespmem:$0xA380] =	vst v63  }
0x91: {  	_ =	swait.ge [sflag:s25], $0x280  }
0x92: {  	[sflag:s25] =	ssyncset.done $0x0  }
0x93: {  	s31 =	simm.s32 $0x0;
	[sflag:s25] =	ssyncadd.s32 $0xFFFFFD80  }
0x94: {  	s0 =	simm.s32 $0x40;
	v2 =	vld [tilespmem:s31+$0x7900]  }
.LBB2_20:
0x95: {  	p0 =	sne.s32 s0, $0x9C0;
	v3 =	vld [tilespmem:s31+$0x7680];
	_ =	sdelay $0x2  }
.Ltmp9:
0x96: {  	(pc) =	sbr.rel @p0 .LBB2_20-.Ltmp9, $4  }
0x97: {  	_ = 	snop  }
0x98: {  	v3 =	vadd.f32 v2, v3  }
0x99: {  	s2 =	sshra.s32 s0, $0x2  }
0x9a: {  	s0 =	sadd.s32 $0x40, s0;
	v2 =	vld [tilespmem:s2+$0x7900];
	[tilespmem:s31+$0x7680] =	vst v3;
	s31 =	smov.u32 s2  }
0x9b: {  	v3 =	vld [tilespmem:s31+$0x7680];
	_ =	sdelay $0x4  }
0x9c: {  	v2 =	vadd.f32 v2, v3;
	_ =	sdelay $0x1  }
0x9d: {  	[tilespmem:s31+$0x7680] =	vst v2  }
0x9e: {  	[tilespmem:s29], [sflag:$0x1] =	stream.strided.gather [spmem:s13], $0x280, s24, s23, $0x38;
	[tilespmem:$0xA380] =	vst v63  }
0x9f: {  	_ =	swait.ge [sflag:s25], $0x280  }
0xa0: {  	[sflag:s25] =	ssyncset.done $0x0  }
0xa1: {  	s31 =	simm.s32 $0x0;
	[sflag:s25] =	ssyncadd.s32 $0xFFFFFD80  }
0xa2: {  	s0 =	simm.s32 $0x40;
	v2 =	vld [tilespmem:s31+$0x7900]  }
.LBB2_22:
0xa3: {  	p0 =	sne.s32 s0, $0x9C0;
	v3 =	vld [tilespmem:s31+$0x7680];
	_ =	sdelay $0x2  }
.Ltmp10:
0xa4: {  	(pc) =	sbr.rel @p0 .LBB2_22-.Ltmp10, $4  }
0xa5: {  	_ = 	snop  }
0xa6: {  	v3 =	vadd.f32 v2, v3  }
0xa7: {  	s2 =	sshra.s32 s0, $0x2  }
0xa8: {  	s0 =	sadd.s32 $0x40, s0;
	v2 =	vld [tilespmem:s2+$0x7900];
	[tilespmem:s31+$0x7680] =	vst v3;
	s31 =	smov.u32 s2  }
0xa9: {  	v3 =	vld [tilespmem:s31+$0x7680];
	_ =	sdelay $0x4  }
0xaa: {  	v2 =	vadd.f32 v2, v3;
	_ =	sdelay $0x1  }
0xab: {  	[tilespmem:s31+$0x7680] =	vst v2  }
0xac: {  	[tilespmem:s29], [sflag:$0x1] =	stream.strided.gather [spmem:s14], $0x280, s24, s23, $0x38;
	[tilespmem:$0xA380] =	vst v63  }
0xad: {  	_ =	swait.ge [sflag:s25], $0x280  }
0xae: {  	[sflag:s25] =	ssyncset.done $0x0  }
0xaf: {  	s31 =	simm.s32 $0x0;
	[sflag:s25] =	ssyncadd.s32 $0xFFFFFD80  }
0xb0: {  	s0 =	simm.s32 $0x40;
	v2 =	vld [tilespmem:s31+$0x7900]  }
.LBB2_24:
0xb1: {  	p0 =	sne.s32 s0, $0x9C0;
	v3 =	vld [tilespmem:s31+$0x7680];
	_ =	sdelay $0x2  }
.Ltmp11:
0xb2: {  	(pc) =	sbr.rel @p0 .LBB2_24-.Ltmp11, $4  }
0xb3: {  	_ = 	snop  }
0xb4: {  	v3 =	vadd.f32 v2, v3  }
0xb5: {  	s2 =	sshra.s32 s0, $0x2  }
0xb6: {  	s0 =	sadd.s32 $0x40, s0;
	v2 =	vld [tilespmem:s2+$0x7900];
	[tilespmem:s31+$0x7680] =	vst v3;
	s31 =	smov.u32 s2  }
0xb7: {  	v3 =	vld [tilespmem:s31+$0x7680];
	_ =	sdelay $0x4  }
0xb8: {  	v2 =	vadd.f32 v2, v3;
	_ =	sdelay $0x1  }
0xb9: {  	[tilespmem:s31+$0x7680] =	vst v2  }
0xba: {  	[tilespmem:s29], [sflag:$0x1] =	stream.strided.gather [spmem:s15], $0x280, s24, s23, $0x38;
	[tilespmem:$0xA380] =	vst v63  }
0xbb: {  	_ =	swait.ge [sflag:s25], $0x280  }
0xbc: {  	[sflag:s25] =	ssyncset.done $0x0  }
0xbd: {  	s31 =	simm.s32 $0x0;
	[sflag:s25] =	ssyncadd.s32 $0xFFFFFD80  }
0xbe: {  	s0 =	simm.s32 $0x40;
	v2 =	vld [tilespmem:s31+$0x7900]  }
.LBB2_26:
0xbf: {  	p0 =	sne.s32 s0, $0x9C0;
	v3 =	vld [tilespmem:s31+$0x7680];
	_ =	sdelay $0x2  }
.Ltmp12:
0xc0: {  	(pc) =	sbr.rel @p0 .LBB2_26-.Ltmp12, $4  }
0xc1: {  	_ = 	snop  }
0xc2: {  	v3 =	vadd.f32 v2, v3  }
0xc3: {  	s2 =	sshra.s32 s0, $0x2  }
0xc4: {  	s0 =	sadd.s32 $0x40, s0;
	v2 =	vld [tilespmem:s2+$0x7900];
	[tilespmem:s31+$0x7680] =	vst v3;
	s31 =	smov.u32 s2  }
0xc5: {  	v3 =	vld [tilespmem:s31+$0x7680];
	_ =	sdelay $0x4  }
0xc6: {  	v2 =	vadd.f32 v2, v3;
	_ =	sdelay $0x1  }
0xc7: {  	[tilespmem:s31+$0x7680] =	vst v2  }
0xc8: {  	[tilespmem:s29], [sflag:$0x1] =	stream.strided.gather [spmem:s16], $0x280, s24, s23, $0x38;
	[tilespmem:$0xA380] =	vst v63  }
0xc9: {  	_ =	swait.ge [sflag:s25], $0x280  }
0xca: {  	[sflag:s25] =	ssyncset.done $0x0  }
0xcb: {  	s31 =	simm.s32 $0x0;
	[sflag:s25] =	ssyncadd.s32 $0xFFFFFD80  }
0xcc: {  	s0 =	simm.s32 $0x40;
	v2 =	vld [tilespmem:s31+$0x7900]  }
.LBB2_28:
0xcd: {  	p0 =	sne.s32 s0, $0x9C0;
	v3 =	vld [tilespmem:s31+$0x7680];
	_ =	sdelay $0x2  }
.Ltmp13:
0xce: {  	(pc) =	sbr.rel @p0 .LBB2_28-.Ltmp13, $4  }
0xcf: {  	_ = 	snop  }
0xd0: {  	v3 =	vadd.f32 v2, v3  }
0xd1: {  	s2 =	sshra.s32 s0, $0x2  }
0xd2: {  	s0 =	sadd.s32 $0x40, s0;
	v2 =	vld [tilespmem:s2+$0x7900];
	[tilespmem:s31+$0x7680] =	vst v3;
	s31 =	smov.u32 s2  }
0xd3: {  	v3 =	vld [tilespmem:s31+$0x7680];
	_ =	sdelay $0x4  }
0xd4: {  	v2 =	vadd.f32 v2, v3;
	_ =	sdelay $0x1  }
0xd5: {  	[tilespmem:s31+$0x7680] =	vst v2  }
0xd6: {  	[tilespmem:s29], [sflag:$0x1] =	stream.strided.gather [spmem:s17], $0x280, s24, s23, $0x38;
	[tilespmem:$0xA380] =	vst v63  }
0xd7: {  	_ =	swait.ge [sflag:s25], $0x280  }
0xd8: {  	[sflag:s25] =	ssyncset.done $0x0  }
0xd9: {  	s31 =	simm.s32 $0x0;
	[sflag:s25] =	ssyncadd.s32 $0xFFFFFD80  }
0xda: {  	s0 =	simm.s32 $0x40;
	v2 =	vld [tilespmem:s31+$0x7900]  }
.LBB2_30:
0xdb: {  	p0 =	sne.s32 s0, $0x9C0;
	v3 =	vld [tilespmem:s31+$0x7680];
	_ =	sdelay $0x2  }
.Ltmp14:
0xdc: {  	(pc) =	sbr.rel @p0 .LBB2_30-.Ltmp14, $4  }
0xdd: {  	_ = 	snop  }
0xde: {  	v3 =	vadd.f32 v2, v3  }
0xdf: {  	s2 =	sshra.s32 s0, $0x2  }
0xe0: {  	s0 =	sadd.s32 $0x40, s0;
	v2 =	vld [tilespmem:s2+$0x7900];
	[tilespmem:s31+$0x7680] =	vst v3;
	s31 =	smov.u32 s2  }
0xe1: {  	v3 =	vld [tilespmem:s31+$0x7680];
	_ =	sdelay $0x4  }
0xe2: {  	v2 =	vadd.f32 v2, v3;
	_ =	sdelay $0x1  }
0xe3: {  	[tilespmem:s31+$0x7680] =	vst v2  }
0xe4: {  	[tilespmem:s29], [sflag:$0x1] =	stream.strided.gather [spmem:s18], $0x280, s24, s23, $0x38;
	[tilespmem:$0xA380] =	vst v63  }
0xe5: {  	_ =	swait.ge [sflag:s25], $0x280  }
0xe6: {  	[sflag:s25] =	ssyncset.done $0x0  }
0xe7: {  	s31 =	simm.s32 $0x0;
	[sflag:s25] =	ssyncadd.s32 $0xFFFFFD80  }
0xe8: {  	s0 =	simm.s32 $0x40;
	v2 =	vld [tilespmem:s31+$0x7900]  }
.LBB2_32:
0xe9: {  	p0 =	sne.s32 s0, $0x9C0;
	v3 =	vld [tilespmem:s31+$0x7680];
	_ =	sdelay $0x2  }
.Ltmp15:
0xea: {  	(pc) =	sbr.rel @p0 .LBB2_32-.Ltmp15, $4  }
0xeb: {  	_ = 	snop  }
0xec: {  	v3 =	vadd.f32 v2, v3  }
0xed: {  	s2 =	sshra.s32 s0, $0x2  }
0xee: {  	s0 =	sadd.s32 $0x40, s0;
	v2 =	vld [tilespmem:s2+$0x7900];
	[tilespmem:s31+$0x7680] =	vst v3;
	s31 =	smov.u32 s2  }
0xef: {  	v3 =	vld [tilespmem:s31+$0x7680];
	_ =	sdelay $0x4  }
0xf0: {  	v2 =	vadd.f32 v2, v3;
	_ =	sdelay $0x1  }
0xf1: {  	[tilespmem:s31+$0x7680] =	vst v2  }
0xf2: {  	[tilespmem:s29], [sflag:$0x1] =	stream.strided.gather [spmem:s19], $0x280, s24, s23, $0x38;
	[tilespmem:$0xA380] =	vst v63  }
0xf3: {  	_ =	swait.ge [sflag:s25], $0x280  }
0xf4: {  	[sflag:s25] =	ssyncset.done $0x0  }
0xf5: {  	s31 =	simm.s32 $0x0;
	[sflag:s25] =	ssyncadd.s32 $0xFFFFFD80  }
0xf6: {  	s0 =	simm.s32 $0x40;
	v2 =	vld [tilespmem:s31+$0x7900]  }
.LBB2_34:
0xf7: {  	p0 =	sne.s32 s0, $0x9C0;
	v3 =	vld [tilespmem:s31+$0x7680];
	_ =	sdelay $0x2  }
.Ltmp16:
0xf8: {  	(pc) =	sbr.rel @p0 .LBB2_34-.Ltmp16, $4  }
0xf9: {  	_ = 	snop  }
0xfa: {  	v3 =	vadd.f32 v2, v3  }
0xfb: {  	s2 =	sshra.s32 s0, $0x2  }
0xfc: {  	s0 =	sadd.s32 $0x40, s0;
	v2 =	vld [tilespmem:s2+$0x7900];
	[tilespmem:s31+$0x7680] =	vst v3;
	s31 =	smov.u32 s2  }
0xfd: {  	v3 =	vld [tilespmem:s31+$0x7680];
	_ =	sdelay $0x4  }
0xfe: {  	s30 =	sadd.s32 $0x1, s30;
	v2 =	vadd.f32 v2, v3  }
0xff: {  	p0 =	sne.s32 s30, s20  }
.Ltmp17:
0x100: {  	[tilespmem:s31+$0x7680] =	vst v2;
	(pc) =	sbr.rel @p0 .LBB2_1-.Ltmp17, $4  }
0x101: {  	[hbm4b:s21+s1] =	stream.linear.scatter [tilespmem:s28], [sflag:$0x1], $0x280, $0x38;
	[tilespmem:$0xA380] =	vst v63  }
0x102: {  	_ =	swait.ge [sflag:s25], $0x280  }
0x103: {  	[sflag:s25] =	ssyncset.done $0x0  }
0x104: {  	[sflag:s25] =	ssyncadd.s32 $0xFFFFFD80  }
0x105: {  	_ =	sfence.sel $0x180000  }
0x106: {  	[bflag:$0x0] =	sbarrier.arrive $0xFFFF  }
0x107: {  	_ =	strace $0x90000047  }
0x108: {  	s0 =	stileid.u32;
	[bflag:$0x2] =	sbarrier.arrive $0xFFFF  }
0x109: {  	p0 =	sne.s32 s0, $0x0;
	s0 =	rddreg [dreg:$0x2]  }
0x10a: {  	s0 =	sadd.s32 @!p0 $0x100000, s0  }
0x10b: {  	[sflag:s0] =	ssyncadd.tile.s32 @!p0 $0x1;
	_ =	shalt  }
.Lfunc_end2:
_tile_overlayer_lowered:
.L_overlay_start_2:
0x10c: {  	(tag) =	ssettag $0x2  }
0x10d: {  	s0 =	rddreg [dreg:$0x0];
	s2 =	stileid.u32  }
0x10e: {  	s1 =	rddreg [dreg:$0x1];
	p0 =	sne.s32 s2, $0x0  }
0x10f: {  	s3 =	rddreg [dreg:$0x2];
	[bflag:$0x3] =	sbarrier.arrive $0xFFFF;
	s2 =	simm.s32 @!p0 $0x1C01  }
0x110: {  	[timem:s3], [sflag:s2] =	dma.local @!p0 [hbm:s0], s1  }
0x111: {  	s0 =	simm.s32 @!p0 $0x1  }
0x112: {  	_ =	swait.ge @!p0 [sflag:s0], s1  }
0x113: {  	s1 =	ssub.s32 @!p0 $0x0, s1;
	[sflag:s0] =	ssyncset.done @!p0 $0x0  }
0x114: {  	[sflag:s0] =	ssyncadd.s32 @!p0 s1  }
0x115: {  	[bflag:$0x3] =	sbarrier.arrive $0xFFFF  }
0x116: {  	_ =	shalt  }

</sc_bundles>
